<compile_context>
chip_gen: v7x
topology: tpu7x:2x2x1
jax: 0.10.2.dev20260603
libtpu: 0.0.44.dev20260713+nightly
codegen_flags: <defaults>
</compile_context>

<pallas_src>
import jax
import jax.numpy as jnp
from jax import lax
from jax.experimental import pallas as pl
from jax.experimental.pallas import tpu as pltpu
from jax.experimental.pallas import tpu_sc as plsc

D_IN = 2048
D_SAE = 32768
K = 64


_ENC_BLK = 1024
_ENC_GRID = D_SAE // _ENC_BLK
_H_ROWS = D_SAE // 128


def _encoder_body(x_ref, wa_ref, wb_ref, benc_ref, bdec_ref,
                  h_ref, tvf_ref, ti_ref, hacc_ref):
    i = pl.program_id(0)
    xb = x_ref[:] - bdec_ref[:]
    xa = xb[:, :D_IN // 2]
    xc = xb[:, D_IN // 2:]
    hb = (jnp.dot(xa, wa_ref[:], preferred_element_type=jnp.float32)
          + jnp.dot(xc, wb_ref[:], preferred_element_type=jnp.float32))
    hb = hb + benc_ref[:]
    hb = jnp.maximum(hb, 0.0)
    hb = hb.reshape(_ENC_BLK // 128, 128)
    h_ref[:] = hb
    hacc_ref[pl.ds(i * (_ENC_BLK // 128), _ENC_BLK // 128), :] = hb

    @pl.when(i == _ENC_GRID - 1)
    def _epilogue():
        _thresh_compute(hacc_ref, tvf_ref, ti_ref)


def _encode(x2, W_enc, benc2, bdec2):
    return pl.pallas_call(
        _encoder_body,
        grid=(_ENC_GRID,),
        in_specs=[
            pl.BlockSpec((1, D_IN), lambda i: (0, 0)),
            pl.BlockSpec((D_IN // 2, _ENC_BLK), lambda i: (0, i)),
            pl.BlockSpec((D_IN // 2, _ENC_BLK), lambda i: (1, i)),
            pl.BlockSpec((1, _ENC_BLK), lambda i: (0, i)),
            pl.BlockSpec((1, D_IN), lambda i: (0, 0)),
        ],
        out_specs=[
            pl.BlockSpec((_ENC_BLK // 128, 128), lambda i: (i, 0)),
            pl.BlockSpec((1, 128), lambda i: (0, 0)),
            pl.BlockSpec((1, 128), lambda i: (0, 0)),
        ],
        out_shape=[
            jax.ShapeDtypeStruct((_H_ROWS, 128), jnp.float32),
            jax.ShapeDtypeStruct((1, 128), jnp.float32),
            jax.ShapeDtypeStruct((1, 128), jnp.int32),
        ],
        scratch_shapes=[pltpu.VMEM((_H_ROWS, 128), jnp.float32)],
        compiler_params=pltpu.CompilerParams(
            dimension_semantics=("arbitrary",),
        ),
    )(x2, W_enc, W_enc, benc2, bdec2)




def _thresh_compute(h_ref, tvf_ref, ti_ref):
    vb = lax.bitcast_convert_type(h_ref[:], jnp.int32)
    flat = (lax.broadcasted_iota(jnp.int32, (_H_ROWS, 128), 0) * 128
            + lax.broadcasted_iota(jnp.int32, (_H_ROWS, 128), 1))

    def p1(b, tv):
        sh = 29 - 2 * b
        b_hi = jnp.int32(1) << (sh + 1)
        b_lo = jnp.int32(1) << sh
        c_hi = jnp.sum((vb >= (tv | b_hi)).astype(jnp.int32))
        c_both = jnp.sum((vb >= (tv | b_hi | b_lo)).astype(jnp.int32))
        c_lo = jnp.sum((vb >= (tv | b_lo)).astype(jnp.int32))
        add = jnp.where(
            c_both >= K, b_hi | b_lo,
            jnp.where(c_hi >= K, b_hi,
                      jnp.where(c_lo >= K, b_lo, jnp.int32(0))))
        return tv | add

    tv = lax.fori_loop(0, 15, p1, jnp.int32(0))
    c0 = jnp.sum((vb >= (tv | 1)).astype(jnp.int32))
    tv = jnp.where(c0 >= K, tv | 1, tv)

    need = K - jnp.sum((vb > tv).astype(jnp.int32))
    eq = vb == tv
    n_eq = jnp.sum(eq.astype(jnp.int32))

    def _tie_search():
        def p2(_, lohi):
            lo, hi = lohi
            mid = (lo + hi) >> 1
            c = jnp.sum((eq & (flat <= mid)).astype(jnp.int32))
            take = c >= need
            return (jnp.where(take, lo, mid + 1), jnp.where(take, mid, hi))

        return lax.fori_loop(0, 15, p2,
                             (jnp.int32(0), jnp.int32(D_SAE - 1)))[0]

    ti = lax.cond(n_eq == need, lambda: jnp.int32(D_SAE - 1), _tie_search)

    tvf_ref[:] = lax.bitcast_convert_type(jnp.full((1, 128), tv, jnp.int32),
                                          jnp.float32)
    ti_ref[:] = jnp.full((1, 128), ti, jnp.int32)



_NT = 16
_SLICE = D_SAE // _NT
_CAP = 80
_CHUNK = D_IN // _NT


def _bcast_last(vec16):
    idx = jnp.full((16,), 15, jnp.int32)
    return lax.gather(
        vec16, idx[:, None],
        lax.GatherDimensionNumbers(offset_dims=(), collapsed_slice_dims=(0,),
                                   start_index_map=(0,)),
        (1,), mode=lax.GatherScatterMode.PROMISE_IN_BOUNDS)


def _sc_decoder_body(h_hbm, tvf_hbm, ti_hbm, wdec_hbm, bdec_hbm, out_hbm,
                     hv, tvf_v, ti_v, vbuf, ibuf, rows_v, acc_v, chunk_v,
                     bd_v, tmp_v, parts_sh, sem):
    cid = lax.axis_index("c")
    sid = lax.axis_index("s")
    iota16 = lax.iota(jnp.int32, 16)
    zeros16 = jnp.zeros((16,), jnp.float32)

    @pl.when(cid == 0)
    def _produce():
        base = sid * _SLICE
        d1 = pltpu.async_copy(h_hbm.at[pl.ds(base, _SLICE)], hv, sem)
        d2 = pltpu.async_copy(tvf_hbm.at[pl.ds(0, 16)], tvf_v, sem)
        d3 = pltpu.async_copy(ti_hbm.at[pl.ds(0, 16)], ti_v, sem)
        d4 = pltpu.async_copy(bdec_hbm.at[pl.ds(sid * _CHUNK, _CHUNK)],
                              bd_v, sem)
        d1.wait()
        d2.wait()
        d3.wait()
        d4.wait()
        tv_b = tvf_v[pl.ds(0, 16)]
        ti_b = ti_v[pl.ds(0, 16)]

        for i in range(_CAP // 16):
            vbuf[pl.ds(16 * i, 16)] = zeros16
            ibuf[pl.ds(16 * i, 16)] = jnp.zeros((16,), jnp.int32)

        fl0 = jnp.full((16,), base, jnp.int32) + iota16
        sixteen = jnp.full((16,), 16, jnp.int32)

        def comp_body(j, carry):
            offv, fl = carry
            v = hv[pl.ds(16 * j, 16)]
            m = (v > tv_b) | ((v == tv_b) & (fl <= ti_b))
            pc = plsc.cumsum(m.astype(jnp.int32))
            pos = offv + pc - 1
            plsc.store_scatter(vbuf, (pos,), v, mask=m)
            plsc.store_scatter(ibuf, (pos,), fl, mask=m)
            return (_bcast_last(offv + pc), fl + sixteen)

        offv, _ = lax.fori_loop(0, _SLICE // 16, comp_body,
                                (jnp.zeros((16,), jnp.int32), fl0))

        def zero_body(j, carry):
            acc_v[pl.ds(16 * j, 16)] = zeros16
            return carry

        lax.fori_loop(0, D_IN // 16, zero_body, 0)

        nchunks = (jnp.max(offv) + 7) >> 3

        def chunk_body(c, carry):
            pltpu.async_copy(wdec_hbm.at[ibuf.at[pl.ds(8 * c, 8)]],
                             rows_v, sem).wait()
            v16 = vbuf[pl.ds(8 * c, 16)]
            vals = [_bcast_last(plsc.cumsum(
                        jnp.where(iota16 == k, v16, zeros16)))
                    for k in range(8)]

            def fma_body(j, carry2):
                off = 16 * j
                a = acc_v[pl.ds(off, 16)]
                for k in range(8):
                    a = a + rows_v[k, pl.ds(off, 16)] * vals[k]
                acc_v[pl.ds(off, 16)] = a
                return carry2

            lax.fori_loop(0, D_IN // 16, fma_body, 0)
            return carry

        lax.fori_loop(0, nchunks, chunk_body, 0)
        pltpu.sync_copy(acc_v, parts_sh.at[pl.ds(sid * D_IN, D_IN)])

    plsc.subcore_barrier()

    @pl.when(cid == 0)
    def _finish():
        cbase = sid * _CHUNK
        pltpu.sync_copy(parts_sh.at[pl.ds(cbase, _CHUNK)], chunk_v)
        for p in range(1, _NT):
            pltpu.sync_copy(parts_sh.at[pl.ds(p * D_IN + cbase, _CHUNK)],
                            tmp_v)
            for j in range(_CHUNK // 16):
                off = 16 * j
                chunk_v[pl.ds(off, 16)] = (chunk_v[pl.ds(off, 16)]
                                           + tmp_v[pl.ds(off, 16)])
        for j in range(_CHUNK // 16):
            off = 16 * j
            chunk_v[pl.ds(off, 16)] = (chunk_v[pl.ds(off, 16)]
                                       + bd_v[pl.ds(off, 16)])
        pltpu.sync_copy(chunk_v, out_hbm.at[pl.ds(cbase, _CHUNK)])


def _sc_decode(h_flat, tvf, ti, W_dec, b_dec):
    mesh = plsc.VectorSubcoreMesh(core_axis_name="c", subcore_axis_name="s", num_cores=1)
    fn = pl.kernel(
        _sc_decoder_body,
        out_type=jax.ShapeDtypeStruct((D_IN,), jnp.float32),
        mesh=mesh,
        compiler_params=pltpu.CompilerParams(needs_layout_passes=False),
        scratch_types=[
            pltpu.VMEM((_SLICE,), jnp.float32),
            pltpu.VMEM((16,), jnp.float32),
            pltpu.VMEM((16,), jnp.int32),
            pltpu.VMEM((_CAP,), jnp.float32),
            pltpu.VMEM((_CAP,), jnp.int32),
            pltpu.VMEM((8, D_IN), jnp.float32),
            pltpu.VMEM((D_IN,), jnp.float32),
            pltpu.VMEM((_CHUNK,), jnp.float32),
            pltpu.VMEM((_CHUNK,), jnp.float32),
            pltpu.VMEM((_CHUNK,), jnp.float32),
            pltpu.VMEM_SHARED((_NT * D_IN,), jnp.float32),
            pltpu.SemaphoreType.DMA,
        ],
    )
    return fn(h_flat, tvf, ti, W_dec, b_dec)




def kernel(x, W_enc, b_enc, W_dec, b_dec):
    x2 = x.reshape(1, D_IN)
    benc2 = b_enc.reshape(1, D_SAE)
    bdec2 = b_dec.reshape(1, D_IN)
    h, tvf, ti = _encode(x2, W_enc, benc2, bdec2)
    return _sc_decode(h.reshape(-1), tvf.reshape(-1), ti.reshape(-1),
                      W_dec, b_dec)

# --- scband reference (transcript-rebuilt; emitter-appended) ---
"""Pipeline reference for scband-sae-16088947491065 (READ-ONLY COPY).

The authoritative reference and input builder live on the scoring server;
editing this copy changes nothing except your own understanding.
"""

import jax, jax.numpy as jnp
import numpy as np

D_IN = 2048
C = 16
D_SAE = D_IN * C
K = 64


def setup_inputs(seed: int = 0) -> dict:
    key = jax.random.key(seed)
    kx, kw = jax.random.split(key)
    x = jax.random.normal(kx, (D_IN,), dtype=jnp.float32)
    # kaiming_uniform on W_enc [d_in, d_sae]: torch fan_in = size(1) = d_sae
    bound = float(np.sqrt(6.0 / D_SAE))
    W_enc = jax.random.uniform(kw, (D_IN, D_SAE), minval=-bound, maxval=bound, dtype=jnp.float32)
    b_enc = jnp.zeros((D_SAE,), dtype=jnp.float32)
    # W_dec = W_enc.T, then rows normalized to unit norm (set_decoder_norm_to_unit_norm)
    W_dec = jnp.transpose(W_enc)
    eps = float(np.finfo(np.float32).eps)
    norm = jnp.linalg.norm(W_dec, axis=1, keepdims=True)
    W_dec = W_dec / (norm + eps)
    b_dec = jnp.zeros((D_IN,), dtype=jnp.float32)
    return {"x": x, "W_enc": W_enc, "b_enc": b_enc, "W_dec": W_dec, "b_dec": b_dec}


def reference(x, W_enc, b_enc, W_dec, b_dec):
    # h = einsum('d_in d_sae, d_in -> d_sae', W_enc, x - b_dec) + b_enc
    h = jnp.einsum('ds,d->s', W_enc, x - b_dec) + b_enc
    h = jax.nn.relu(h)
    # top-k (sorted flag does not affect the scattered result)
    top_acts, top_ids = jax.lax.top_k(h, K)
    # buf = zeros[d_sae]; scatter top_acts at top_ids
    acts = jnp.zeros((W_dec.shape[0],), dtype=h.dtype).at[top_ids].set(top_acts)
    # einsum('d_sae d_in, d_sae -> d_in', W_dec, acts) + b_dec
    out = jnp.einsum('sd,s->d', W_dec, acts) + b_dec
    return out

if __name__ == "__main__":
    import jax
    _d = setup_inputs()
    print(jax.jit(kernel)(*tuple(_d.values())))

</pallas_src>

<mosaic_0001>
#map = affine_map<(d0, d1) -> (0)>
#map1 = affine_map<(d0, d1) -> (0, 0)>
module attributes {stable_mosaic.version = 14 : i64} {
  func.func @_sc_decoder_body(%arg0: i32, %arg1: i32, %arg2: memref<32768xf32, #tpu.memory_space<hbm>>, %arg3: memref<128xf32, #tpu.memory_space<hbm>>, %arg4: memref<128xi32, #tpu.memory_space<hbm>>, %arg5: memref<32768x2048xf32, #tpu.memory_space<hbm>>, %arg6: memref<2048xf32, #tpu.memory_space<hbm>>, %arg7: memref<2048xf32, #tpu.memory_space<hbm>>, %arg8: memref<2048xf32, #tpu.memory_space<vmem>>, %arg9: memref<16xf32, #tpu.memory_space<vmem>>, %arg10: memref<16xi32, #tpu.memory_space<vmem>>, %arg11: memref<80xf32, #tpu.memory_space<vmem>>, %arg12: memref<80xi32, #tpu.memory_space<vmem>>, %arg13: memref<8x2048xf32, #tpu.memory_space<vmem>>, %arg14: memref<2048xf32, #tpu.memory_space<vmem>>, %arg15: memref<128xf32, #tpu.memory_space<vmem>>, %arg16: memref<128xf32, #tpu.memory_space<vmem>>, %arg17: memref<128xf32, #tpu.memory_space<vmem>>, %arg18: memref<32768xf32, #tpu.memory_space<vmem_shared>>, %arg19: memref<!tpu.dma_semaphore, #tpu.memory_space<semaphore_mem>>) attributes {dimension_semantics = [#tpu.dimension_semantics<core_parallel>, #tpu.dimension_semantics<subcore_parallel>], iteration_bounds = array<i64: 1, 16>, scalar_prefetch = 0 : i64, scratch_operands = 12 : i64, tpu.core_type = #tpu.core_type<sc_vector_subcore>, window_params = [{transform_indices = #map}, {transform_indices = #map}, {transform_indices = #map}, {transform_indices = #map1}, {transform_indices = #map}, {transform_indices = #map}]} {
    %iota3A = tpu.iota {dimensions = array<i32: 0>} : vector<16xi32>
    %broadcast_in_dim3A = arith.constant 0.000000e+00 : f32
    %broadcast_in_dim3A_0 = vector.broadcast %broadcast_in_dim3A : f32 to vector<16xf32>
    %eq3A = arith.constant 0 : i32
    %eq3A_1 = arith.cmpi eq, %arg0, %eq3A : i32
    %convert_element_type3A = arith.extui %eq3A_1 : i1 to i32
    %cond3A = arith.constant 0 : i32
    %cond3A_2 = arith.cmpi ne, %convert_element_type3A, %cond3A : i32
    scf.if %cond3A_2 {
      %mul3A = arith.constant 2048 : i32
      %mul3A_8 = arith.muli %arg1, %mul3A : i32
      %dma_start3A = tpu.memref_slice %arg2[%mul3A_8] : memref<32768xf32, #tpu.memory_space<hbm>> -> memref<2048xf32, #tpu.memory_space<hbm>>
      %dma_start3A_9 = tpu.memref_slice %arg2[%mul3A_8] : memref<32768xf32, #tpu.memory_space<hbm>> -> memref<2048xf32, #tpu.memory_space<hbm>>
      tpu.enqueue_dma source(%dma_start3A_9 : memref<2048xf32, #tpu.memory_space<hbm>>) target(%arg8 : memref<2048xf32, #tpu.memory_space<vmem>>) target_semaphore(%arg19 : memref<!tpu.dma_semaphore, #tpu.memory_space<semaphore_mem>>)
      %dma_start3A_10 = arith.constant 0 : i32
      %dma_start3A_11 = tpu.memref_slice %arg3[%dma_start3A_10] : memref<128xf32, #tpu.memory_space<hbm>> -> memref<16xf32, #tpu.memory_space<hbm>>
      %dma_start3A_12 = arith.constant 0 : i32
      %dma_start3A_13 = tpu.memref_slice %arg3[%dma_start3A_12] : memref<128xf32, #tpu.memory_space<hbm>> -> memref<16xf32, #tpu.memory_space<hbm>>
      tpu.enqueue_dma source(%dma_start3A_13 : memref<16xf32, #tpu.memory_space<hbm>>) target(%arg9 : memref<16xf32, #tpu.memory_space<vmem>>) target_semaphore(%arg19 : memref<!tpu.dma_semaphore, #tpu.memory_space<semaphore_mem>>)
      %dma_start3A_14 = arith.constant 0 : i32
      %dma_start3A_15 = tpu.memref_slice %arg4[%dma_start3A_14] : memref<128xi32, #tpu.memory_space<hbm>> -> memref<16xi32, #tpu.memory_space<hbm>>
      %dma_start3A_16 = arith.constant 0 : i32
      %dma_start3A_17 = tpu.memref_slice %arg4[%dma_start3A_16] : memref<128xi32, #tpu.memory_space<hbm>> -> memref<16xi32, #tpu.memory_space<hbm>>
      tpu.enqueue_dma source(%dma_start3A_17 : memref<16xi32, #tpu.memory_space<hbm>>) target(%arg10 : memref<16xi32, #tpu.memory_space<vmem>>) target_semaphore(%arg19 : memref<!tpu.dma_semaphore, #tpu.memory_space<semaphore_mem>>)
      %mul3A_18 = arith.constant 128 : i32
      %mul3A_19 = arith.muli %arg1, %mul3A_18 : i32
      %dma_start3A_20 = tpu.memref_slice %arg6[%mul3A_19] : memref<2048xf32, #tpu.memory_space<hbm>> -> memref<128xf32, #tpu.memory_space<hbm>>
      %dma_start3A_21 = tpu.memref_slice %arg6[%mul3A_19] : memref<2048xf32, #tpu.memory_space<hbm>> -> memref<128xf32, #tpu.memory_space<hbm>>
      tpu.enqueue_dma source(%dma_start3A_21 : memref<128xf32, #tpu.memory_space<hbm>>) target(%arg16 : memref<128xf32, #tpu.memory_space<vmem>>) target_semaphore(%arg19 : memref<!tpu.dma_semaphore, #tpu.memory_space<semaphore_mem>>)
      %dma_wait3A = tpu.memref_slice %arg2[%mul3A_8] : memref<32768xf32, #tpu.memory_space<hbm>> -> memref<2048xf32, #tpu.memory_space<hbm>>
      %dma_wait3A_22 = tpu.memref_slice %arg2[%mul3A_8] : memref<32768xf32, #tpu.memory_space<hbm>> -> memref<2048xf32, #tpu.memory_space<hbm>>
      tpu.wait_dma2 semaphore(%arg19 : memref<!tpu.dma_semaphore, #tpu.memory_space<semaphore_mem>>) src(%dma_wait3A_22 : memref<2048xf32, #tpu.memory_space<hbm>>) dst(%arg8 : memref<2048xf32, #tpu.memory_space<vmem>>)
      %dma_wait3A_23 = arith.constant 0 : i32
      %dma_wait3A_24 = tpu.memref_slice %arg3[%dma_wait3A_23] : memref<128xf32, #tpu.memory_space<hbm>> -> memref<16xf32, #tpu.memory_space<hbm>>
      %dma_wait3A_25 = arith.constant 0 : i32
      %dma_wait3A_26 = tpu.memref_slice %arg3[%dma_wait3A_25] : memref<128xf32, #tpu.memory_space<hbm>> -> memref<16xf32, #tpu.memory_space<hbm>>
      tpu.wait_dma2 semaphore(%arg19 : memref<!tpu.dma_semaphore, #tpu.memory_space<semaphore_mem>>) src(%dma_wait3A_26 : memref<16xf32, #tpu.memory_space<hbm>>) dst(%arg9 : memref<16xf32, #tpu.memory_space<vmem>>)
      %dma_wait3A_27 = arith.constant 0 : i32
      %dma_wait3A_28 = tpu.memref_slice %arg4[%dma_wait3A_27] : memref<128xi32, #tpu.memory_space<hbm>> -> memref<16xi32, #tpu.memory_space<hbm>>
      %dma_wait3A_29 = arith.constant 0 : i32
      %dma_wait3A_30 = tpu.memref_slice %arg4[%dma_wait3A_29] : memref<128xi32, #tpu.memory_space<hbm>> -> memref<16xi32, #tpu.memory_space<hbm>>
      tpu.wait_dma2 semaphore(%arg19 : memref<!tpu.dma_semaphore, #tpu.memory_space<semaphore_mem>>) src(%dma_wait3A_30 : memref<16xi32, #tpu.memory_space<hbm>>) dst(%arg10 : memref<16xi32, #tpu.memory_space<vmem>>)
      %dma_wait3A_31 = tpu.memref_slice %arg6[%mul3A_19] : memref<2048xf32, #tpu.memory_space<hbm>> -> memref<128xf32, #tpu.memory_space<hbm>>
      %dma_wait3A_32 = tpu.memref_slice %arg6[%mul3A_19] : memref<2048xf32, #tpu.memory_space<hbm>> -> memref<128xf32, #tpu.memory_space<hbm>>
      tpu.wait_dma2 semaphore(%arg19 : memref<!tpu.dma_semaphore, #tpu.memory_space<semaphore_mem>>) src(%dma_wait3A_32 : memref<128xf32, #tpu.memory_space<hbm>>) dst(%arg16 : memref<128xf32, #tpu.memory_space<vmem>>)
      %get3A = arith.constant 0 : index
      %get3A_33 = tpu.vector_load %arg9[%get3A] {strides = array<i32>} : memref<16xf32, #tpu.memory_space<vmem>>, vector<16xf32>,
      %get3A_34 = arith.constant 0 : index
      %get3A_35 = tpu.vector_load %arg10[%get3A_34] {strides = array<i32>} : memref<16xi32, #tpu.memory_space<vmem>>, vector<16xi32>,
      %swap3A = arith.constant 0 : index
      %swap3A_36 = tpu.vector_load %arg11[%swap3A] {strides = array<i32>} : memref<80xf32, #tpu.memory_space<vmem>>, vector<16xf32>,
      tpu.vector_store %arg11[%swap3A], %broadcast_in_dim3A_0 {strides = array<i32>} : memref<80xf32, #tpu.memory_space<vmem>>, vector<16xf32>,
      %broadcast_in_dim3A_37 = arith.constant 0 : i32
      %broadcast_in_dim3A_38 = vector.broadcast %broadcast_in_dim3A_37 : i32 to vector<16xi32>
      %swap3A_39 = arith.constant 0 : index
      %swap3A_40 = tpu.vector_load %arg12[%swap3A_39] {strides = array<i32>} : memref<80xi32, #tpu.memory_space<vmem>>, vector<16xi32>,
      tpu.vector_store %arg12[%swap3A_39], %broadcast_in_dim3A_38 {strides = array<i32>} : memref<80xi32, #tpu.memory_space<vmem>>, vector<16xi32>,
      %swap3A_41 = arith.constant 16 : index
      %swap3A_42 = tpu.vector_load %arg11[%swap3A_41] {strides = array<i32>} : memref<80xf32, #tpu.memory_space<vmem>>, vector<16xf32>,
      tpu.vector_store %arg11[%swap3A_41], %broadcast_in_dim3A_0 {strides = array<i32>} : memref<80xf32, #tpu.memory_space<vmem>>, vector<16xf32>,
      %broadcast_in_dim3A_43 = arith.constant 0 : i32
      %broadcast_in_dim3A_44 = vector.broadcast %broadcast_in_dim3A_43 : i32 to vector<16xi32>
      %swap3A_45 = arith.constant 16 : index
      %swap3A_46 = tpu.vector_load %arg12[%swap3A_45] {strides = array<i32>} : memref<80xi32, #tpu.memory_space<vmem>>, vector<16xi32>,
      tpu.vector_store %arg12[%swap3A_45], %broadcast_in_dim3A_44 {strides = array<i32>} : memref<80xi32, #tpu.memory_space<vmem>>, vector<16xi32>,
      %swap3A_47 = arith.constant 32 : index
      %swap3A_48 = tpu.vector_load %arg11[%swap3A_47] {strides = array<i32>} : memref<80xf32, #tpu.memory_space<vmem>>, vector<16xf32>,
      tpu.vector_store %arg11[%swap3A_47], %broadcast_in_dim3A_0 {strides = array<i32>} : memref<80xf32, #tpu.memory_space<vmem>>, vector<16xf32>,
      %broadcast_in_dim3A_49 = arith.constant 0 : i32
      %broadcast_in_dim3A_50 = vector.broadcast %broadcast_in_dim3A_49 : i32 to vector<16xi32>
      %swap3A_51 = arith.constant 32 : index
      %swap3A_52 = tpu.vector_load %arg12[%swap3A_51] {strides = array<i32>} : memref<80xi32, #tpu.memory_space<vmem>>, vector<16xi32>,
      tpu.vector_store %arg12[%swap3A_51], %broadcast_in_dim3A_50 {strides = array<i32>} : memref<80xi32, #tpu.memory_space<vmem>>, vector<16xi32>,
      %swap3A_53 = arith.constant 48 : index
      %swap3A_54 = tpu.vector_load %arg11[%swap3A_53] {strides = array<i32>} : memref<80xf32, #tpu.memory_space<vmem>>, vector<16xf32>,
      tpu.vector_store %arg11[%swap3A_53], %broadcast_in_dim3A_0 {strides = array<i32>} : memref<80xf32, #tpu.memory_space<vmem>>, vector<16xf32>,
      %broadcast_in_dim3A_55 = arith.constant 0 : i32
      %broadcast_in_dim3A_56 = vector.broadcast %broadcast_in_dim3A_55 : i32 to vector<16xi32>
      %swap3A_57 = arith.constant 48 : index
      %swap3A_58 = tpu.vector_load %arg12[%swap3A_57] {strides = array<i32>} : memref<80xi32, #tpu.memory_space<vmem>>, vector<16xi32>,
      tpu.vector_store %arg12[%swap3A_57], %broadcast_in_dim3A_56 {strides = array<i32>} : memref<80xi32, #tpu.memory_space<vmem>>, vector<16xi32>,
      %swap3A_59 = arith.constant 64 : index
      %swap3A_60 = tpu.vector_load %arg11[%swap3A_59] {strides = array<i32>} : memref<80xf32, #tpu.memory_space<vmem>>, vector<16xf32>,
      tpu.vector_store %arg11[%swap3A_59], %broadcast_in_dim3A_0 {strides = array<i32>} : memref<80xf32, #tpu.memory_space<vmem>>, vector<16xf32>,
      %broadcast_in_dim3A_61 = arith.constant 0 : i32
      %broadcast_in_dim3A_62 = vector.broadcast %broadcast_in_dim3A_61 : i32 to vector<16xi32>
      %swap3A_63 = arith.constant 64 : index
      %swap3A_64 = tpu.vector_load %arg12[%swap3A_63] {strides = array<i32>} : memref<80xi32, #tpu.memory_space<vmem>>, vector<16xi32>,
      tpu.vector_store %arg12[%swap3A_63], %broadcast_in_dim3A_62 {strides = array<i32>} : memref<80xi32, #tpu.memory_space<vmem>>, vector<16xi32>,
      %broadcast_in_dim3A_65 = vector.broadcast %mul3A_8 : i32 to vector<16xi32>
      %add3A = arith.addi %broadcast_in_dim3A_65, %iota3A : vector<16xi32>
      %broadcast_in_dim3A_66 = arith.constant 16 : i32
      %broadcast_in_dim3A_67 = vector.broadcast %broadcast_in_dim3A_66 : i32 to vector<16xi32>
      %broadcast_in_dim3A_68 = arith.constant 0 : i32
      %broadcast_in_dim3A_69 = vector.broadcast %broadcast_in_dim3A_68 : i32 to vector<16xi32>
      %scan3A = arith.constant 0 : i32
      %scan3A_70 = arith.constant 128 : i32
      %scan3A_71 = arith.addi %scan3A, %scan3A_70 : i32
      %scan3A_72 = arith.constant 1 : i32
      %scan3A_73:2 = scf.for %scan3A_102 = %scan3A to %scan3A_71 step %scan3A_72 iter_args(%scan3A_103 = %broadcast_in_dim3A_69, %scan3A_104 = %add3A) -> (vector<16xi32>, vector<16xi32>)  : i32 {
        %mul3A_105 = arith.constant 16 : i32
        %mul3A_106 = arith.muli %mul3A_105, %scan3A_102 : i32
        %get3A_107 = arith.index_cast %mul3A_106 : i32 to index
        %get3A_108 = tpu.vector_load %arg8[%get3A_107] {strides = array<i32>} : memref<2048xf32, #tpu.memory_space<vmem>>, vector<16xf32>,
        %gt3A = arith.cmpf ogt, %get3A_108, %get3A_33 : vector<16xf32>
        %eq3A_109 = arith.cmpf oeq, %get3A_108, %get3A_33 : vector<16xf32>
        %le3A = arith.cmpi sle, %scan3A_104, %get3A_35 : vector<16xi32>
        %and3A = arith.andi %eq3A_109, %le3A : vector<16xi1>
        %or3A = arith.ori %gt3A, %and3A : vector<16xi1>
        %convert_element_type3A_110 = arith.extui %or3A : vector<16xi1> to vector<16xi32>
        %broadcast_in_dim3A_111 = arith.constant true
        %broadcast_in_dim3A_112 = vector.broadcast %broadcast_in_dim3A_111 : i1 to vector<16xi1>
        %masked_cumsum3A = tpu.scan <sum>, %convert_element_type3A_110 masked %broadcast_in_dim3A_112 : vector<16xi32>, vector<16xi1> -> vector<16xi32>
        %add3A_113 = arith.addi %scan3A_103, %masked_cumsum3A : vector<16xi32>
        %sub3A = arith.constant 1 : i32
        %sub3A_114 = vector.broadcast %sub3A : i32 to vector<16xi32>
        %sub3A_115 = arith.subi %add3A_113, %sub3A_114 : vector<16xi32>
        tpu.vector_store_idx %arg11[%sub3A_115], %get3A_108 masked %or3A : memref<80xf32, #tpu.memory_space<vmem>>[vector<16xi32>], vector<16xf32>, vector<16xi1>
        tpu.vector_store_idx %arg12[%sub3A_115], %scan3A_104 masked %or3A : memref<80xi32, #tpu.memory_space<vmem>>[vector<16xi32>], vector<16xi32>, vector<16xi1>
        %add3A_116 = arith.addi %scan3A_103, %masked_cumsum3A : vector<16xi32>
        %broadcast_in_dim3A_117 = arith.constant 15 : i32
        %broadcast_in_dim3A_118 = vector.broadcast %broadcast_in_dim3A_117 : i32 to vector<16xi32>
        %broadcast_in_dim3A_119 = vector.shape_cast %broadcast_in_dim3A_118 : vector<16xi32> to vector<16x1xi32>
        %gather3A = vector.shape_cast %broadcast_in_dim3A_119 : vector<16x1xi32> to vector<16xi32>
        %gather3A_120 = tpu.dynamic_gather %add3A_116[%gather3A] in [0] : vector<16xi32>, vector<16xi32> -> vector<16xi32>
        %add3A_121 = arith.addi %scan3A_104, %broadcast_in_dim3A_67 : vector<16xi32>
        scf.yield %gather3A_120, %add3A_121 : vector<16xi32>, vector<16xi32>
      }
      %scan3A_74 = arith.constant 128 : i32
      %scan3A_75 = arith.constant 0 : i32
      %scan3A_76 = arith.constant 0 : i32
      %scan3A_77 = arith.constant 128 : i32
      %scan3A_78 = arith.addi %scan3A_76, %scan3A_77 : i32
      %scan3A_79 = arith.constant 1 : i32
      scf.for %scan3A_102 = %scan3A_76 to %scan3A_78 step %scan3A_79  : i32 {
        %mul3A_103 = arith.constant 16 : i32
        %mul3A_104 = arith.muli %mul3A_103, %scan3A_102 : i32
        %swap3A_105 = arith.index_cast %mul3A_104 : i32 to index
        %swap3A_106 = tpu.vector_load %arg14[%swap3A_105] {strides = array<i32>} : memref<2048xf32, #tpu.memory_space<vmem>>, vector<16xf32>,
        tpu.vector_store %arg14[%swap3A_105], %broadcast_in_dim3A_0 {strides = array<i32>} : memref<2048xf32, #tpu.memory_space<vmem>>, vector<16xf32>,
      }
      %scan3A_80 = arith.constant 128 : i32
      %reduce_max3A = arith.constant true
      %reduce_max3A_81 = vector.broadcast %reduce_max3A : i1 to vector<16xi1>
      %reduce_max3A_82 = arith.constant -2147483648 : i32
      %reduce_max3A_83 = vector.broadcast %reduce_max3A_82 : i32 to vector<16xi32>
      %reduce_max3A_84 = arith.xori %scan3A_73#0, %reduce_max3A_83 : vector<16xi32>
      %reduce_max3A_85 = tpu.scan <max>, %reduce_max3A_84 masked %reduce_max3A_81 : vector<16xi32>, vector<16xi1> -> vector<16xi32>
      %reduce_max3A_86 = arith.xori %reduce_max3A_85, %reduce_max3A_83 : vector<16xi32>
      %reduce_max3A_87 = vector.extract %reduce_max3A_86[15] : i32 from vector<16xi32>
      %add3A_88 = arith.constant 7 : i32
      %add3A_89 = arith.addi %reduce_max3A_87, %add3A_88 : i32
      %shift_right_arithmetic3A = arith.constant 3 : i32
      %shift_right_arithmetic3A_90 = arith.shrsi %add3A_89, %shift_right_arithmetic3A : i32
      %while3A = arith.constant 0 : i32
      %while3A_91 = arith.constant 0 : i32
      %while3A_92 = arith.subi %shift_right_arithmetic3A_90, %while3A_91 : i32
      %while3A_93 = arith.addi %while3A_91, %while3A_92 : i32
      %while3A_94 = arith.constant 1 : i32
      %while3A_95 = arith.divsi %while3A_92, %while3A_94 : i32
      %while3A_96 = arith.muli %while3A_95, %while3A_94 : i32
      %while3A_97 = arith.addi %while3A_91, %while3A_96 : i32
      %while3A_98 = arith.constant 1 : i32
      scf.for %while3A_102 = %while3A_91 to %while3A_97 step %while3A_98  : i32 {
        %mul3A_103 = arith.constant 8 : i32
        %mul3A_104 = arith.muli %mul3A_103, %while3A_102 : i32
        %dma_start3A_105 = tpu.memref_slice %arg12[%mul3A_104] : memref<80xi32, #tpu.memory_space<vmem>> -> memref<8xi32, #tpu.memory_space<vmem>>
        %dma_start3A_106 = arith.constant 0 : i32
        %dma_start3A_107 = arith.constant 0 : i32
        %dma_start3A_108 = tpu.memref_slice %arg5[%dma_start3A_106, %dma_start3A_107] : memref<32768x2048xf32, #tpu.memory_space<hbm>> -> memref<32768x2048xf32, #tpu.memory_space<hbm>>
        tpu.enqueue_indirect_dma source(%dma_start3A_108 : memref<32768x2048xf32, #tpu.memory_space<hbm>>) target(%arg13 : memref<8x2048xf32, #tpu.memory_space<vmem>>) offsets(%dma_start3A_105 : memref<8xi32, #tpu.memory_space<vmem>>) semaphore(%arg19 : memref<!tpu.dma_semaphore, #tpu.memory_space<semaphore_mem>>)
        %dma_wait3A_109 = tpu.memref_slice %arg12[%mul3A_104] : memref<80xi32, #tpu.memory_space<vmem>> -> memref<8xi32, #tpu.memory_space<vmem>>
        %dma_wait3A_110 = arith.constant 0 : i32
        %dma_wait3A_111 = arith.constant 0 : i32
        %dma_wait3A_112 = tpu.memref_slice %arg5[%dma_wait3A_110, %dma_wait3A_111] : memref<32768x2048xf32, #tpu.memory_space<hbm>> -> memref<32768x2048xf32, #tpu.memory_space<hbm>>
        tpu.wait_indirect_dma semaphore(%arg19 : memref<!tpu.dma_semaphore, #tpu.memory_space<semaphore_mem>>) src(%dma_wait3A_112 : memref<32768x2048xf32, #tpu.memory_space<hbm>>) dst(%arg13 : memref<8x2048xf32, #tpu.memory_space<vmem>>)
        %mul3A_113 = arith.constant 8 : i32
        %mul3A_114 = arith.muli %mul3A_113, %while3A_102 : i32
        %get3A_115 = arith.index_cast %mul3A_114 : i32 to index
        %get3A_116 = tpu.vector_load %arg11[%get3A_115] {strides = array<i32>} : memref<80xf32, #tpu.memory_space<vmem>>, vector<16xf32>,
        %eq3A_117 = arith.constant 0 : i32
        %eq3A_118 = vector.broadcast %eq3A_117 : i32 to vector<16xi32>
        %eq3A_119 = arith.cmpi eq, %iota3A, %eq3A_118 : vector<16xi32>
        %select_n3A = arith.select %eq3A_119, %get3A_116, %broadcast_in_dim3A_0 : vector<16xi1>, vector<16xf32>
        %broadcast_in_dim3A_120 = arith.constant true
        %broadcast_in_dim3A_121 = vector.broadcast %broadcast_in_dim3A_120 : i1 to vector<16xi1>
        %masked_cumsum3A = tpu.scan <sum>, %select_n3A masked %broadcast_in_dim3A_121 : vector<16xf32>, vector<16xi1> -> vector<16xf32>
        %broadcast_in_dim3A_122 = arith.constant 15 : i32
        %broadcast_in_dim3A_123 = vector.broadcast %broadcast_in_dim3A_122 : i32 to vector<16xi32>
        %broadcast_in_dim3A_124 = vector.shape_cast %broadcast_in_dim3A_123 : vector<16xi32> to vector<16x1xi32>
        %gather3A = vector.shape_cast %broadcast_in_dim3A_124 : vector<16x1xi32> to vector<16xi32>
        %gather3A_125 = tpu.dynamic_gather %masked_cumsum3A[%gather3A] in [0] : vector<16xf32>, vector<16xi32> -> vector<16xf32>
        %eq3A_126 = arith.constant 1 : i32
        %eq3A_127 = vector.broadcast %eq3A_126 : i32 to vector<16xi32>
        %eq3A_128 = arith.cmpi eq, %iota3A, %eq3A_127 : vector<16xi32>
        %select_n3A_129 = arith.select %eq3A_128, %get3A_116, %broadcast_in_dim3A_0 : vector<16xi1>, vector<16xf32>
        %broadcast_in_dim3A_130 = arith.constant true
        %broadcast_in_dim3A_131 = vector.broadcast %broadcast_in_dim3A_130 : i1 to vector<16xi1>
        %masked_cumsum3A_132 = tpu.scan <sum>, %select_n3A_129 masked %broadcast_in_dim3A_131 : vector<16xf32>, vector<16xi1> -> vector<16xf32>
        %broadcast_in_dim3A_133 = arith.constant 15 : i32
        %broadcast_in_dim3A_134 = vector.broadcast %broadcast_in_dim3A_133 : i32 to vector<16xi32>
        %broadcast_in_dim3A_135 = vector.shape_cast %broadcast_in_dim3A_134 : vector<16xi32> to vector<16x1xi32>
        %gather3A_136 = vector.shape_cast %broadcast_in_dim3A_135 : vector<16x1xi32> to vector<16xi32>
        %gather3A_137 = tpu.dynamic_gather %masked_cumsum3A_132[%gather3A_136] in [0] : vector<16xf32>, vector<16xi32> -> vector<16xf32>
        %eq3A_138 = arith.constant 2 : i32
        %eq3A_139 = vector.broadcast %eq3A_138 : i32 to vector<16xi32>
        %eq3A_140 = arith.cmpi eq, %iota3A, %eq3A_139 : vector<16xi32>
        %select_n3A_141 = arith.select %eq3A_140, %get3A_116, %broadcast_in_dim3A_0 : vector<16xi1>, vector<16xf32>
        %broadcast_in_dim3A_142 = arith.constant true
        %broadcast_in_dim3A_143 = vector.broadcast %broadcast_in_dim3A_142 : i1 to vector<16xi1>
        %masked_cumsum3A_144 = tpu.scan <sum>, %select_n3A_141 masked %broadcast_in_dim3A_143 : vector<16xf32>, vector<16xi1> -> vector<16xf32>
        %broadcast_in_dim3A_145 = arith.constant 15 : i32
        %broadcast_in_dim3A_146 = vector.broadcast %broadcast_in_dim3A_145 : i32 to vector<16xi32>
        %broadcast_in_dim3A_147 = vector.shape_cast %broadcast_in_dim3A_146 : vector<16xi32> to vector<16x1xi32>
        %gather3A_148 = vector.shape_cast %broadcast_in_dim3A_147 : vector<16x1xi32> to vector<16xi32>
        %gather3A_149 = tpu.dynamic_gather %masked_cumsum3A_144[%gather3A_148] in [0] : vector<16xf32>, vector<16xi32> -> vector<16xf32>
        %eq3A_150 = arith.constant 3 : i32
        %eq3A_151 = vector.broadcast %eq3A_150 : i32 to vector<16xi32>
        %eq3A_152 = arith.cmpi eq, %iota3A, %eq3A_151 : vector<16xi32>
        %select_n3A_153 = arith.select %eq3A_152, %get3A_116, %broadcast_in_dim3A_0 : vector<16xi1>, vector<16xf32>
        %broadcast_in_dim3A_154 = arith.constant true
        %broadcast_in_dim3A_155 = vector.broadcast %broadcast_in_dim3A_154 : i1 to vector<16xi1>
        %masked_cumsum3A_156 = tpu.scan <sum>, %select_n3A_153 masked %broadcast_in_dim3A_155 : vector<16xf32>, vector<16xi1> -> vector<16xf32>
        %broadcast_in_dim3A_157 = arith.constant 15 : i32
        %broadcast_in_dim3A_158 = vector.broadcast %broadcast_in_dim3A_157 : i32 to vector<16xi32>
        %broadcast_in_dim3A_159 = vector.shape_cast %broadcast_in_dim3A_158 : vector<16xi32> to vector<16x1xi32>
        %gather3A_160 = vector.shape_cast %broadcast_in_dim3A_159 : vector<16x1xi32> to vector<16xi32>
        %gather3A_161 = tpu.dynamic_gather %masked_cumsum3A_156[%gather3A_160] in [0] : vector<16xf32>, vector<16xi32> -> vector<16xf32>
        %eq3A_162 = arith.constant 4 : i32
        %eq3A_163 = vector.broadcast %eq3A_162 : i32 to vector<16xi32>
        %eq3A_164 = arith.cmpi eq, %iota3A, %eq3A_163 : vector<16xi32>
        %select_n3A_165 = arith.select %eq3A_164, %get3A_116, %broadcast_in_dim3A_0 : vector<16xi1>, vector<16xf32>
        %broadcast_in_dim3A_166 = arith.constant true
        %broadcast_in_dim3A_167 = vector.broadcast %broadcast_in_dim3A_166 : i1 to vector<16xi1>
        %masked_cumsum3A_168 = tpu.scan <sum>, %select_n3A_165 masked %broadcast_in_dim3A_167 : vector<16xf32>, vector<16xi1> -> vector<16xf32>
        %broadcast_in_dim3A_169 = arith.constant 15 : i32
        %broadcast_in_dim3A_170 = vector.broadcast %broadcast_in_dim3A_169 : i32 to vector<16xi32>
        %broadcast_in_dim3A_171 = vector.shape_cast %broadcast_in_dim3A_170 : vector<16xi32> to vector<16x1xi32>
        %gather3A_172 = vector.shape_cast %broadcast_in_dim3A_171 : vector<16x1xi32> to vector<16xi32>
        %gather3A_173 = tpu.dynamic_gather %masked_cumsum3A_168[%gather3A_172] in [0] : vector<16xf32>, vector<16xi32> -> vector<16xf32>
        %eq3A_174 = arith.constant 5 : i32
        %eq3A_175 = vector.broadcast %eq3A_174 : i32 to vector<16xi32>
        %eq3A_176 = arith.cmpi eq, %iota3A, %eq3A_175 : vector<16xi32>
        %select_n3A_177 = arith.select %eq3A_176, %get3A_116, %broadcast_in_dim3A_0 : vector<16xi1>, vector<16xf32>
        %broadcast_in_dim3A_178 = arith.constant true
        %broadcast_in_dim3A_179 = vector.broadcast %broadcast_in_dim3A_178 : i1 to vector<16xi1>
        %masked_cumsum3A_180 = tpu.scan <sum>, %select_n3A_177 masked %broadcast_in_dim3A_179 : vector<16xf32>, vector<16xi1> -> vector<16xf32>
        %broadcast_in_dim3A_181 = arith.constant 15 : i32
        %broadcast_in_dim3A_182 = vector.broadcast %broadcast_in_dim3A_181 : i32 to vector<16xi32>
        %broadcast_in_dim3A_183 = vector.shape_cast %broadcast_in_dim3A_182 : vector<16xi32> to vector<16x1xi32>
        %gather3A_184 = vector.shape_cast %broadcast_in_dim3A_183 : vector<16x1xi32> to vector<16xi32>
        %gather3A_185 = tpu.dynamic_gather %masked_cumsum3A_180[%gather3A_184] in [0] : vector<16xf32>, vector<16xi32> -> vector<16xf32>
        %eq3A_186 = arith.constant 6 : i32
        %eq3A_187 = vector.broadcast %eq3A_186 : i32 to vector<16xi32>
        %eq3A_188 = arith.cmpi eq, %iota3A, %eq3A_187 : vector<16xi32>
        %select_n3A_189 = arith.select %eq3A_188, %get3A_116, %broadcast_in_dim3A_0 : vector<16xi1>, vector<16xf32>
        %broadcast_in_dim3A_190 = arith.constant true
        %broadcast_in_dim3A_191 = vector.broadcast %broadcast_in_dim3A_190 : i1 to vector<16xi1>
        %masked_cumsum3A_192 = tpu.scan <sum>, %select_n3A_189 masked %broadcast_in_dim3A_191 : vector<16xf32>, vector<16xi1> -> vector<16xf32>
        %broadcast_in_dim3A_193 = arith.constant 15 : i32
        %broadcast_in_dim3A_194 = vector.broadcast %broadcast_in_dim3A_193 : i32 to vector<16xi32>
        %broadcast_in_dim3A_195 = vector.shape_cast %broadcast_in_dim3A_194 : vector<16xi32> to vector<16x1xi32>
        %gather3A_196 = vector.shape_cast %broadcast_in_dim3A_195 : vector<16x1xi32> to vector<16xi32>
        %gather3A_197 = tpu.dynamic_gather %masked_cumsum3A_192[%gather3A_196] in [0] : vector<16xf32>, vector<16xi32> -> vector<16xf32>
        %eq3A_198 = arith.constant 7 : i32
        %eq3A_199 = vector.broadcast %eq3A_198 : i32 to vector<16xi32>
        %eq3A_200 = arith.cmpi eq, %iota3A, %eq3A_199 : vector<16xi32>
        %select_n3A_201 = arith.select %eq3A_200, %get3A_116, %broadcast_in_dim3A_0 : vector<16xi1>, vector<16xf32>
        %broadcast_in_dim3A_202 = arith.constant true
        %broadcast_in_dim3A_203 = vector.broadcast %broadcast_in_dim3A_202 : i1 to vector<16xi1>
        %masked_cumsum3A_204 = tpu.scan <sum>, %select_n3A_201 masked %broadcast_in_dim3A_203 : vector<16xf32>, vector<16xi1> -> vector<16xf32>
        %broadcast_in_dim3A_205 = arith.constant 15 : i32
        %broadcast_in_dim3A_206 = vector.broadcast %broadcast_in_dim3A_205 : i32 to vector<16xi32>
        %broadcast_in_dim3A_207 = vector.shape_cast %broadcast_in_dim3A_206 : vector<16xi32> to vector<16x1xi32>
        %gather3A_208 = vector.shape_cast %broadcast_in_dim3A_207 : vector<16x1xi32> to vector<16xi32>
        %gather3A_209 = tpu.dynamic_gather %masked_cumsum3A_204[%gather3A_208] in [0] : vector<16xf32>, vector<16xi32> -> vector<16xf32>
        %scan3A_210 = arith.constant 0 : i32
        %scan3A_211 = arith.constant 0 : i32
        %scan3A_212 = arith.constant 128 : i32
        %scan3A_213 = arith.addi %scan3A_211, %scan3A_212 : i32
        %scan3A_214 = arith.constant 1 : i32
        scf.for %scan3A_216 = %scan3A_211 to %scan3A_213 step %scan3A_214  : i32 {
          %mul3A_217 = arith.constant 16 : i32
          %mul3A_218 = arith.muli %mul3A_217, %scan3A_216 : i32
          %get3A_219 = arith.index_cast %mul3A_218 : i32 to index
          %get3A_220 = tpu.vector_load %arg14[%get3A_219] {strides = array<i32>} : memref<2048xf32, #tpu.memory_space<vmem>>, vector<16xf32>,
          %get3A_221 = arith.constant 0 : i32
          %get3A_222 = arith.index_cast %get3A_221 : i32 to index
          %get3A_223 = arith.index_cast %mul3A_218 : i32 to index
          %get3A_224 = tpu.vector_load %arg13[%get3A_222, %get3A_223] {strides = array<i32>} : memref<8x2048xf32, #tpu.memory_space<vmem>>, vector<16xf32>,
          %mul3A_225 = arith.mulf %get3A_224, %gather3A_125 : vector<16xf32>
          %add3A_226 = arith.addf %get3A_220, %mul3A_225 : vector<16xf32>
          %get3A_227 = arith.constant 1 : i32
          %get3A_228 = arith.index_cast %get3A_227 : i32 to index
          %get3A_229 = arith.index_cast %mul3A_218 : i32 to index
          %get3A_230 = tpu.vector_load %arg13[%get3A_228, %get3A_229] {strides = array<i32>} : memref<8x2048xf32, #tpu.memory_space<vmem>>, vector<16xf32>,
          %mul3A_231 = arith.mulf %get3A_230, %gather3A_137 : vector<16xf32>
          %add3A_232 = arith.addf %add3A_226, %mul3A_231 : vector<16xf32>
          %get3A_233 = arith.constant 2 : i32
          %get3A_234 = arith.index_cast %get3A_233 : i32 to index
          %get3A_235 = arith.index_cast %mul3A_218 : i32 to index
          %get3A_236 = tpu.vector_load %arg13[%get3A_234, %get3A_235] {strides = array<i32>} : memref<8x2048xf32, #tpu.memory_space<vmem>>, vector<16xf32>,
          %mul3A_237 = arith.mulf %get3A_236, %gather3A_149 : vector<16xf32>
          %add3A_238 = arith.addf %add3A_232, %mul3A_237 : vector<16xf32>
          %get3A_239 = arith.constant 3 : i32
          %get3A_240 = arith.index_cast %get3A_239 : i32 to index
          %get3A_241 = arith.index_cast %mul3A_218 : i32 to index
          %get3A_242 = tpu.vector_load %arg13[%get3A_240, %get3A_241] {strides = array<i32>} : memref<8x2048xf32, #tpu.memory_space<vmem>>, vector<16xf32>,
          %mul3A_243 = arith.mulf %get3A_242, %gather3A_161 : vector<16xf32>
          %add3A_244 = arith.addf %add3A_238, %mul3A_243 : vector<16xf32>
          %get3A_245 = arith.constant 4 : i32
          %get3A_246 = arith.index_cast %get3A_245 : i32 to index
          %get3A_247 = arith.index_cast %mul3A_218 : i32 to index
          %get3A_248 = tpu.vector_load %arg13[%get3A_246, %get3A_247] {strides = array<i32>} : memref<8x2048xf32, #tpu.memory_space<vmem>>, vector<16xf32>,
          %mul3A_249 = arith.mulf %get3A_248, %gather3A_173 : vector<16xf32>
          %add3A_250 = arith.addf %add3A_244, %mul3A_249 : vector<16xf32>
          %get3A_251 = arith.constant 5 : i32
          %get3A_252 = arith.index_cast %get3A_251 : i32 to index
          %get3A_253 = arith.index_cast %mul3A_218 : i32 to index
          %get3A_254 = tpu.vector_load %arg13[%get3A_252, %get3A_253] {strides = array<i32>} : memref<8x2048xf32, #tpu.memory_space<vmem>>, vector<16xf32>,
          %mul3A_255 = arith.mulf %get3A_254, %gather3A_185 : vector<16xf32>
          %add3A_256 = arith.addf %add3A_250, %mul3A_255 : vector<16xf32>
          %get3A_257 = arith.constant 6 : i32
          %get3A_258 = arith.index_cast %get3A_257 : i32 to index
          %get3A_259 = arith.index_cast %mul3A_218 : i32 to index
          %get3A_260 = tpu.vector_load %arg13[%get3A_258, %get3A_259] {strides = array<i32>} : memref<8x2048xf32, #tpu.memory_space<vmem>>, vector<16xf32>,
          %mul3A_261 = arith.mulf %get3A_260, %gather3A_197 : vector<16xf32>
          %add3A_262 = arith.addf %add3A_256, %mul3A_261 : vector<16xf32>
          %get3A_263 = arith.constant 7 : i32
          %get3A_264 = arith.index_cast %get3A_263 : i32 to index
          %get3A_265 = arith.index_cast %mul3A_218 : i32 to index
          %get3A_266 = tpu.vector_load %arg13[%get3A_264, %get3A_265] {strides = array<i32>} : memref<8x2048xf32, #tpu.memory_space<vmem>>, vector<16xf32>,
          %mul3A_267 = arith.mulf %get3A_266, %gather3A_209 : vector<16xf32>
          %add3A_268 = arith.addf %add3A_262, %mul3A_267 : vector<16xf32>
          %swap3A_269 = arith.index_cast %mul3A_218 : i32 to index
          %swap3A_270 = tpu.vector_load %arg14[%swap3A_269] {strides = array<i32>} : memref<2048xf32, #tpu.memory_space<vmem>>, vector<16xf32>,
          tpu.vector_store %arg14[%swap3A_269], %add3A_268 {strides = array<i32>} : memref<2048xf32, #tpu.memory_space<vmem>>, vector<16xf32>,
        }
        %scan3A_215 = arith.constant 128 : i32
      }
      %while3A_99 = arith.constant 1 : i32
      scf.for %while3A_102 = %while3A_97 to %while3A_93 step %while3A_99  : i32 {
        %mul3A_103 = arith.constant 8 : i32
        %mul3A_104 = arith.muli %mul3A_103, %while3A_102 : i32
        %dma_start3A_105 = tpu.memref_slice %arg12[%mul3A_104] : memref<80xi32, #tpu.memory_space<vmem>> -> memref<8xi32, #tpu.memory_space<vmem>>
        %dma_start3A_106 = arith.constant 0 : i32
        %dma_start3A_107 = arith.constant 0 : i32
        %dma_start3A_108 = tpu.memref_slice %arg5[%dma_start3A_106, %dma_start3A_107] : memref<32768x2048xf32, #tpu.memory_space<hbm>> -> memref<32768x2048xf32, #tpu.memory_space<hbm>>
        tpu.enqueue_indirect_dma source(%dma_start3A_108 : memref<32768x2048xf32, #tpu.memory_space<hbm>>) target(%arg13 : memref<8x2048xf32, #tpu.memory_space<vmem>>) offsets(%dma_start3A_105 : memref<8xi32, #tpu.memory_space<vmem>>) semaphore(%arg19 : memref<!tpu.dma_semaphore, #tpu.memory_space<semaphore_mem>>)
        %dma_wait3A_109 = tpu.memref_slice %arg12[%mul3A_104] : memref<80xi32, #tpu.memory_space<vmem>> -> memref<8xi32, #tpu.memory_space<vmem>>
        %dma_wait3A_110 = arith.constant 0 : i32
        %dma_wait3A_111 = arith.constant 0 : i32
        %dma_wait3A_112 = tpu.memref_slice %arg5[%dma_wait3A_110, %dma_wait3A_111] : memref<32768x2048xf32, #tpu.memory_space<hbm>> -> memref<32768x2048xf32, #tpu.memory_space<hbm>>
        tpu.wait_indirect_dma semaphore(%arg19 : memref<!tpu.dma_semaphore, #tpu.memory_space<semaphore_mem>>) src(%dma_wait3A_112 : memref<32768x2048xf32, #tpu.memory_space<hbm>>) dst(%arg13 : memref<8x2048xf32, #tpu.memory_space<vmem>>)
        %mul3A_113 = arith.constant 8 : i32
        %mul3A_114 = arith.muli %mul3A_113, %while3A_102 : i32
        %get3A_115 = arith.index_cast %mul3A_114 : i32 to index
        %get3A_116 = tpu.vector_load %arg11[%get3A_115] {strides = array<i32>} : memref<80xf32, #tpu.memory_space<vmem>>, vector<16xf32>,
        %eq3A_117 = arith.constant 0 : i32
        %eq3A_118 = vector.broadcast %eq3A_117 : i32 to vector<16xi32>
        %eq3A_119 = arith.cmpi eq, %iota3A, %eq3A_118 : vector<16xi32>
        %select_n3A = arith.select %eq3A_119, %get3A_116, %broadcast_in_dim3A_0 : vector<16xi1>, vector<16xf32>
        %broadcast_in_dim3A_120 = arith.constant true
        %broadcast_in_dim3A_121 = vector.broadcast %broadcast_in_dim3A_120 : i1 to vector<16xi1>
        %masked_cumsum3A = tpu.scan <sum>, %select_n3A masked %broadcast_in_dim3A_121 : vector<16xf32>, vector<16xi1> -> vector<16xf32>
        %broadcast_in_dim3A_122 = arith.constant 15 : i32
        %broadcast_in_dim3A_123 = vector.broadcast %broadcast_in_dim3A_122 : i32 to vector<16xi32>
        %broadcast_in_dim3A_124 = vector.shape_cast %broadcast_in_dim3A_123 : vector<16xi32> to vector<16x1xi32>
        %gather3A = vector.shape_cast %broadcast_in_dim3A_124 : vector<16x1xi32> to vector<16xi32>
        %gather3A_125 = tpu.dynamic_gather %masked_cumsum3A[%gather3A] in [0] : vector<16xf32>, vector<16xi32> -> vector<16xf32>
        %eq3A_126 = arith.constant 1 : i32
        %eq3A_127 = vector.broadcast %eq3A_126 : i32 to vector<16xi32>
        %eq3A_128 = arith.cmpi eq, %iota3A, %eq3A_127 : vector<16xi32>
        %select_n3A_129 = arith.select %eq3A_128, %get3A_116, %broadcast_in_dim3A_0 : vector<16xi1>, vector<16xf32>
        %broadcast_in_dim3A_130 = arith.constant true
        %broadcast_in_dim3A_131 = vector.broadcast %broadcast_in_dim3A_130 : i1 to vector<16xi1>
        %masked_cumsum3A_132 = tpu.scan <sum>, %select_n3A_129 masked %broadcast_in_dim3A_131 : vector<16xf32>, vector<16xi1> -> vector<16xf32>
        %broadcast_in_dim3A_133 = arith.constant 15 : i32
        %broadcast_in_dim3A_134 = vector.broadcast %broadcast_in_dim3A_133 : i32 to vector<16xi32>
        %broadcast_in_dim3A_135 = vector.shape_cast %broadcast_in_dim3A_134 : vector<16xi32> to vector<16x1xi32>
        %gather3A_136 = vector.shape_cast %broadcast_in_dim3A_135 : vector<16x1xi32> to vector<16xi32>
        %gather3A_137 = tpu.dynamic_gather %masked_cumsum3A_132[%gather3A_136] in [0] : vector<16xf32>, vector<16xi32> -> vector<16xf32>
        %eq3A_138 = arith.constant 2 : i32
        %eq3A_139 = vector.broadcast %eq3A_138 : i32 to vector<16xi32>
        %eq3A_140 = arith.cmpi eq, %iota3A, %eq3A_139 : vector<16xi32>
        %select_n3A_141 = arith.select %eq3A_140, %get3A_116, %broadcast_in_dim3A_0 : vector<16xi1>, vector<16xf32>
        %broadcast_in_dim3A_142 = arith.constant true
        %broadcast_in_dim3A_143 = vector.broadcast %broadcast_in_dim3A_142 : i1 to vector<16xi1>
        %masked_cumsum3A_144 = tpu.scan <sum>, %select_n3A_141 masked %broadcast_in_dim3A_143 : vector<16xf32>, vector<16xi1> -> vector<16xf32>
        %broadcast_in_dim3A_145 = arith.constant 15 : i32
        %broadcast_in_dim3A_146 = vector.broadcast %broadcast_in_dim3A_145 : i32 to vector<16xi32>
        %broadcast_in_dim3A_147 = vector.shape_cast %broadcast_in_dim3A_146 : vector<16xi32> to vector<16x1xi32>
        %gather3A_148 = vector.shape_cast %broadcast_in_dim3A_147 : vector<16x1xi32> to vector<16xi32>
        %gather3A_149 = tpu.dynamic_gather %masked_cumsum3A_144[%gather3A_148] in [0] : vector<16xf32>, vector<16xi32> -> vector<16xf32>
        %eq3A_150 = arith.constant 3 : i32
        %eq3A_151 = vector.broadcast %eq3A_150 : i32 to vector<16xi32>
        %eq3A_152 = arith.cmpi eq, %iota3A, %eq3A_151 : vector<16xi32>
        %select_n3A_153 = arith.select %eq3A_152, %get3A_116, %broadcast_in_dim3A_0 : vector<16xi1>, vector<16xf32>
        %broadcast_in_dim3A_154 = arith.constant true
        %broadcast_in_dim3A_155 = vector.broadcast %broadcast_in_dim3A_154 : i1 to vector<16xi1>
        %masked_cumsum3A_156 = tpu.scan <sum>, %select_n3A_153 masked %broadcast_in_dim3A_155 : vector<16xf32>, vector<16xi1> -> vector<16xf32>
        %broadcast_in_dim3A_157 = arith.constant 15 : i32
        %broadcast_in_dim3A_158 = vector.broadcast %broadcast_in_dim3A_157 : i32 to vector<16xi32>
        %broadcast_in_dim3A_159 = vector.shape_cast %broadcast_in_dim3A_158 : vector<16xi32> to vector<16x1xi32>
        %gather3A_160 = vector.shape_cast %broadcast_in_dim3A_159 : vector<16x1xi32> to vector<16xi32>
        %gather3A_161 = tpu.dynamic_gather %masked_cumsum3A_156[%gather3A_160] in [0] : vector<16xf32>, vector<16xi32> -> vector<16xf32>
        %eq3A_162 = arith.constant 4 : i32
        %eq3A_163 = vector.broadcast %eq3A_162 : i32 to vector<16xi32>
        %eq3A_164 = arith.cmpi eq, %iota3A, %eq3A_163 : vector<16xi32>
        %select_n3A_165 = arith.select %eq3A_164, %get3A_116, %broadcast_in_dim3A_0 : vector<16xi1>, vector<16xf32>
        %broadcast_in_dim3A_166 = arith.constant true
        %broadcast_in_dim3A_167 = vector.broadcast %broadcast_in_dim3A_166 : i1 to vector<16xi1>
        %masked_cumsum3A_168 = tpu.scan <sum>, %select_n3A_165 masked %broadcast_in_dim3A_167 : vector<16xf32>, vector<16xi1> -> vector<16xf32>
        %broadcast_in_dim3A_169 = arith.constant 15 : i32
        %broadcast_in_dim3A_170 = vector.broadcast %broadcast_in_dim3A_169 : i32 to vector<16xi32>
        %broadcast_in_dim3A_171 = vector.shape_cast %broadcast_in_dim3A_170 : vector<16xi32> to vector<16x1xi32>
        %gather3A_172 = vector.shape_cast %broadcast_in_dim3A_171 : vector<16x1xi32> to vector<16xi32>
        %gather3A_173 = tpu.dynamic_gather %masked_cumsum3A_168[%gather3A_172] in [0] : vector<16xf32>, vector<16xi32> -> vector<16xf32>
        %eq3A_174 = arith.constant 5 : i32
        %eq3A_175 = vector.broadcast %eq3A_174 : i32 to vector<16xi32>
        %eq3A_176 = arith.cmpi eq, %iota3A, %eq3A_175 : vector<16xi32>
        %select_n3A_177 = arith.select %eq3A_176, %get3A_116, %broadcast_in_dim3A_0 : vector<16xi1>, vector<16xf32>
        %broadcast_in_dim3A_178 = arith.constant true
        %broadcast_in_dim3A_179 = vector.broadcast %broadcast_in_dim3A_178 : i1 to vector<16xi1>
        %masked_cumsum3A_180 = tpu.scan <sum>, %select_n3A_177 masked %broadcast_in_dim3A_179 : vector<16xf32>, vector<16xi1> -> vector<16xf32>
        %broadcast_in_dim3A_181 = arith.constant 15 : i32
        %broadcast_in_dim3A_182 = vector.broadcast %broadcast_in_dim3A_181 : i32 to vector<16xi32>
        %broadcast_in_dim3A_183 = vector.shape_cast %broadcast_in_dim3A_182 : vector<16xi32> to vector<16x1xi32>
        %gather3A_184 = vector.shape_cast %broadcast_in_dim3A_183 : vector<16x1xi32> to vector<16xi32>
        %gather3A_185 = tpu.dynamic_gather %masked_cumsum3A_180[%gather3A_184] in [0] : vector<16xf32>, vector<16xi32> -> vector<16xf32>
        %eq3A_186 = arith.constant 6 : i32
        %eq3A_187 = vector.broadcast %eq3A_186 : i32 to vector<16xi32>
        %eq3A_188 = arith.cmpi eq, %iota3A, %eq3A_187 : vector<16xi32>
        %select_n3A_189 = arith.select %eq3A_188, %get3A_116, %broadcast_in_dim3A_0 : vector<16xi1>, vector<16xf32>
        %broadcast_in_dim3A_190 = arith.constant true
        %broadcast_in_dim3A_191 = vector.broadcast %broadcast_in_dim3A_190 : i1 to vector<16xi1>
        %masked_cumsum3A_192 = tpu.scan <sum>, %select_n3A_189 masked %broadcast_in_dim3A_191 : vector<16xf32>, vector<16xi1> -> vector<16xf32>
        %broadcast_in_dim3A_193 = arith.constant 15 : i32
        %broadcast_in_dim3A_194 = vector.broadcast %broadcast_in_dim3A_193 : i32 to vector<16xi32>
        %broadcast_in_dim3A_195 = vector.shape_cast %broadcast_in_dim3A_194 : vector<16xi32> to vector<16x1xi32>
        %gather3A_196 = vector.shape_cast %broadcast_in_dim3A_195 : vector<16x1xi32> to vector<16xi32>
        %gather3A_197 = tpu.dynamic_gather %masked_cumsum3A_192[%gather3A_196] in [0] : vector<16xf32>, vector<16xi32> -> vector<16xf32>
        %eq3A_198 = arith.constant 7 : i32
        %eq3A_199 = vector.broadcast %eq3A_198 : i32 to vector<16xi32>
        %eq3A_200 = arith.cmpi eq, %iota3A, %eq3A_199 : vector<16xi32>
        %select_n3A_201 = arith.select %eq3A_200, %get3A_116, %broadcast_in_dim3A_0 : vector<16xi1>, vector<16xf32>
        %broadcast_in_dim3A_202 = arith.constant true
        %broadcast_in_dim3A_203 = vector.broadcast %broadcast_in_dim3A_202 : i1 to vector<16xi1>
        %masked_cumsum3A_204 = tpu.scan <sum>, %select_n3A_201 masked %broadcast_in_dim3A_203 : vector<16xf32>, vector<16xi1> -> vector<16xf32>
        %broadcast_in_dim3A_205 = arith.constant 15 : i32
        %broadcast_in_dim3A_206 = vector.broadcast %broadcast_in_dim3A_205 : i32 to vector<16xi32>
        %broadcast_in_dim3A_207 = vector.shape_cast %broadcast_in_dim3A_206 : vector<16xi32> to vector<16x1xi32>
        %gather3A_208 = vector.shape_cast %broadcast_in_dim3A_207 : vector<16x1xi32> to vector<16xi32>
        %gather3A_209 = tpu.dynamic_gather %masked_cumsum3A_204[%gather3A_208] in [0] : vector<16xf32>, vector<16xi32> -> vector<16xf32>
        %scan3A_210 = arith.constant 0 : i32
        %scan3A_211 = arith.constant 0 : i32
        %scan3A_212 = arith.constant 128 : i32
        %scan3A_213 = arith.addi %scan3A_211, %scan3A_212 : i32
        %scan3A_214 = arith.constant 1 : i32
        scf.for %scan3A_216 = %scan3A_211 to %scan3A_213 step %scan3A_214  : i32 {
          %mul3A_217 = arith.constant 16 : i32
          %mul3A_218 = arith.muli %mul3A_217, %scan3A_216 : i32
          %get3A_219 = arith.index_cast %mul3A_218 : i32 to index
          %get3A_220 = tpu.vector_load %arg14[%get3A_219] {strides = array<i32>} : memref<2048xf32, #tpu.memory_space<vmem>>, vector<16xf32>,
          %get3A_221 = arith.constant 0 : i32
          %get3A_222 = arith.index_cast %get3A_221 : i32 to index
          %get3A_223 = arith.index_cast %mul3A_218 : i32 to index
          %get3A_224 = tpu.vector_load %arg13[%get3A_222, %get3A_223] {strides = array<i32>} : memref<8x2048xf32, #tpu.memory_space<vmem>>, vector<16xf32>,
          %mul3A_225 = arith.mulf %get3A_224, %gather3A_125 : vector<16xf32>
          %add3A_226 = arith.addf %get3A_220, %mul3A_225 : vector<16xf32>
          %get3A_227 = arith.constant 1 : i32
          %get3A_228 = arith.index_cast %get3A_227 : i32 to index
          %get3A_229 = arith.index_cast %mul3A_218 : i32 to index
          %get3A_230 = tpu.vector_load %arg13[%get3A_228, %get3A_229] {strides = array<i32>} : memref<8x2048xf32, #tpu.memory_space<vmem>>, vector<16xf32>,
          %mul3A_231 = arith.mulf %get3A_230, %gather3A_137 : vector<16xf32>
          %add3A_232 = arith.addf %add3A_226, %mul3A_231 : vector<16xf32>
          %get3A_233 = arith.constant 2 : i32
          %get3A_234 = arith.index_cast %get3A_233 : i32 to index
          %get3A_235 = arith.index_cast %mul3A_218 : i32 to index
          %get3A_236 = tpu.vector_load %arg13[%get3A_234, %get3A_235] {strides = array<i32>} : memref<8x2048xf32, #tpu.memory_space<vmem>>, vector<16xf32>,
          %mul3A_237 = arith.mulf %get3A_236, %gather3A_149 : vector<16xf32>
          %add3A_238 = arith.addf %add3A_232, %mul3A_237 : vector<16xf32>
          %get3A_239 = arith.constant 3 : i32
          %get3A_240 = arith.index_cast %get3A_239 : i32 to index
          %get3A_241 = arith.index_cast %mul3A_218 : i32 to index
          %get3A_242 = tpu.vector_load %arg13[%get3A_240, %get3A_241] {strides = array<i32>} : memref<8x2048xf32, #tpu.memory_space<vmem>>, vector<16xf32>,
          %mul3A_243 = arith.mulf %get3A_242, %gather3A_161 : vector<16xf32>
          %add3A_244 = arith.addf %add3A_238, %mul3A_243 : vector<16xf32>
          %get3A_245 = arith.constant 4 : i32
          %get3A_246 = arith.index_cast %get3A_245 : i32 to index
          %get3A_247 = arith.index_cast %mul3A_218 : i32 to index
          %get3A_248 = tpu.vector_load %arg13[%get3A_246, %get3A_247] {strides = array<i32>} : memref<8x2048xf32, #tpu.memory_space<vmem>>, vector<16xf32>,
          %mul3A_249 = arith.mulf %get3A_248, %gather3A_173 : vector<16xf32>
          %add3A_250 = arith.addf %add3A_244, %mul3A_249 : vector<16xf32>
          %get3A_251 = arith.constant 5 : i32
          %get3A_252 = arith.index_cast %get3A_251 : i32 to index
          %get3A_253 = arith.index_cast %mul3A_218 : i32 to index
          %get3A_254 = tpu.vector_load %arg13[%get3A_252, %get3A_253] {strides = array<i32>} : memref<8x2048xf32, #tpu.memory_space<vmem>>, vector<16xf32>,
          %mul3A_255 = arith.mulf %get3A_254, %gather3A_185 : vector<16xf32>
          %add3A_256 = arith.addf %add3A_250, %mul3A_255 : vector<16xf32>
          %get3A_257 = arith.constant 6 : i32
          %get3A_258 = arith.index_cast %get3A_257 : i32 to index
          %get3A_259 = arith.index_cast %mul3A_218 : i32 to index
          %get3A_260 = tpu.vector_load %arg13[%get3A_258, %get3A_259] {strides = array<i32>} : memref<8x2048xf32, #tpu.memory_space<vmem>>, vector<16xf32>,
          %mul3A_261 = arith.mulf %get3A_260, %gather3A_197 : vector<16xf32>
          %add3A_262 = arith.addf %add3A_256, %mul3A_261 : vector<16xf32>
          %get3A_263 = arith.constant 7 : i32
          %get3A_264 = arith.index_cast %get3A_263 : i32 to index
          %get3A_265 = arith.index_cast %mul3A_218 : i32 to index
          %get3A_266 = tpu.vector_load %arg13[%get3A_264, %get3A_265] {strides = array<i32>} : memref<8x2048xf32, #tpu.memory_space<vmem>>, vector<16xf32>,
          %mul3A_267 = arith.mulf %get3A_266, %gather3A_209 : vector<16xf32>
          %add3A_268 = arith.addf %add3A_262, %mul3A_267 : vector<16xf32>
          %swap3A_269 = arith.index_cast %mul3A_218 : i32 to index
          %swap3A_270 = tpu.vector_load %arg14[%swap3A_269] {strides = array<i32>} : memref<2048xf32, #tpu.memory_space<vmem>>, vector<16xf32>,
          tpu.vector_store %arg14[%swap3A_269], %add3A_268 {strides = array<i32>} : memref<2048xf32, #tpu.memory_space<vmem>>, vector<16xf32>,
        }
        %scan3A_215 = arith.constant 128 : i32
      }
      %mul3A_100 = arith.constant 2048 : i32
      %mul3A_101 = arith.muli %arg1, %mul3A_100 : i32
      "tpu.region"() ({
        %run_scoped3A = tpu.sem_alloc : memref<!tpu.dma_semaphore, #tpu.memory_space<semaphore_mem>>
        %dma_start3A_102 = tpu.memref_slice %arg18[%mul3A_101] : memref<32768xf32, #tpu.memory_space<vmem_shared>> -> memref<2048xf32, #tpu.memory_space<vmem_shared>>
        %dma_start3A_103 = tpu.memref_slice %arg18[%mul3A_101] : memref<32768xf32, #tpu.memory_space<vmem_shared>> -> memref<2048xf32, #tpu.memory_space<vmem_shared>>
        tpu.enqueue_dma source(%arg14 : memref<2048xf32, #tpu.memory_space<vmem>>) target(%dma_start3A_103 : memref<2048xf32, #tpu.memory_space<vmem_shared>>) target_semaphore(%run_scoped3A : memref<!tpu.dma_semaphore, #tpu.memory_space<semaphore_mem>>)
        %dma_wait3A_104 = tpu.memref_slice %arg18[%mul3A_101] : memref<32768xf32, #tpu.memory_space<vmem_shared>> -> memref<2048xf32, #tpu.memory_space<vmem_shared>>
        %dma_wait3A_105 = tpu.memref_slice %arg18[%mul3A_101] : memref<32768xf32, #tpu.memory_space<vmem_shared>> -> memref<2048xf32, #tpu.memory_space<vmem_shared>>
        tpu.wait_dma2 semaphore(%run_scoped3A : memref<!tpu.dma_semaphore, #tpu.memory_space<semaphore_mem>>) src(%arg14 : memref<2048xf32, #tpu.memory_space<vmem>>) dst(%dma_wait3A_105 : memref<2048xf32, #tpu.memory_space<vmem_shared>>)
        tpu.yield
      }) : () -> ()
    } else {
    }
    %barrier3A = arith.constant 0 : index
    tpu.barrier barrier_id(%barrier3A)
    %eq3A_3 = arith.constant 0 : i32
    %eq3A_4 = arith.cmpi eq, %arg0, %eq3A_3 : i32
    %convert_element_type3A_5 = arith.extui %eq3A_4 : i1 to i32
    %cond3A_6 = arith.constant 0 : i32
    %cond3A_7 = arith.cmpi ne, %convert_element_type3A_5, %cond3A_6 : i32
    scf.if %cond3A_7 {
      %mul3A = arith.constant 128 : i32
      %mul3A_8 = arith.muli %arg1, %mul3A : i32
      "tpu.region"() ({
        %run_scoped3A = tpu.sem_alloc : memref<!tpu.dma_semaphore, #tpu.memory_space<semaphore_mem>>
        %dma_start3A = tpu.memref_slice %arg18[%mul3A_8] : memref<32768xf32, #tpu.memory_space<vmem_shared>> -> memref<128xf32, #tpu.memory_space<vmem_shared>>
        %dma_start3A_932 = tpu.memref_slice %arg18[%mul3A_8] : memref<32768xf32, #tpu.memory_space<vmem_shared>> -> memref<128xf32, #tpu.memory_space<vmem_shared>>
        tpu.enqueue_dma source(%dma_start3A_932 : memref<128xf32, #tpu.memory_space<vmem_shared>>) target(%arg15 : memref<128xf32, #tpu.memory_space<vmem>>) target_semaphore(%run_scoped3A : memref<!tpu.dma_semaphore, #tpu.memory_space<semaphore_mem>>)
        %dma_wait3A = tpu.memref_slice %arg18[%mul3A_8] : memref<32768xf32, #tpu.memory_space<vmem_shared>> -> memref<128xf32, #tpu.memory_space<vmem_shared>>
        %dma_wait3A_933 = tpu.memref_slice %arg18[%mul3A_8] : memref<32768xf32, #tpu.memory_space<vmem_shared>> -> memref<128xf32, #tpu.memory_space<vmem_shared>>
        tpu.wait_dma2 semaphore(%run_scoped3A : memref<!tpu.dma_semaphore, #tpu.memory_space<semaphore_mem>>) src(%dma_wait3A_933 : memref<128xf32, #tpu.memory_space<vmem_shared>>) dst(%arg15 : memref<128xf32, #tpu.memory_space<vmem>>)
        tpu.yield
      }) : () -> ()
      %add3A = arith.constant 2048 : i32
      %add3A_9 = arith.addi %add3A, %mul3A_8 : i32
      "tpu.region"() ({
        %run_scoped3A = tpu.sem_alloc : memref<!tpu.dma_semaphore, #tpu.memory_space<semaphore_mem>>
        %dma_start3A = tpu.memref_slice %arg18[%add3A_9] : memref<32768xf32, #tpu.memory_space<vmem_shared>> -> memref<128xf32, #tpu.memory_space<vmem_shared>>
        %dma_start3A_932 = tpu.memref_slice %arg18[%add3A_9] : memref<32768xf32, #tpu.memory_space<vmem_shared>> -> memref<128xf32, #tpu.memory_space<vmem_shared>>
        tpu.enqueue_dma source(%dma_start3A_932 : memref<128xf32, #tpu.memory_space<vmem_shared>>) target(%arg17 : memref<128xf32, #tpu.memory_space<vmem>>) target_semaphore(%run_scoped3A : memref<!tpu.dma_semaphore, #tpu.memory_space<semaphore_mem>>)
        %dma_wait3A = tpu.memref_slice %arg18[%add3A_9] : memref<32768xf32, #tpu.memory_space<vmem_shared>> -> memref<128xf32, #tpu.memory_space<vmem_shared>>
        %dma_wait3A_933 = tpu.memref_slice %arg18[%add3A_9] : memref<32768xf32, #tpu.memory_space<vmem_shared>> -> memref<128xf32, #tpu.memory_space<vmem_shared>>
        tpu.wait_dma2 semaphore(%run_scoped3A : memref<!tpu.dma_semaphore, #tpu.memory_space<semaphore_mem>>) src(%dma_wait3A_933 : memref<128xf32, #tpu.memory_space<vmem_shared>>) dst(%arg17 : memref<128xf32, #tpu.memory_space<vmem>>)
        tpu.yield
      }) : () -> ()
      %get3A = arith.constant 0 : index
      %get3A_10 = tpu.vector_load %arg15[%get3A] {strides = array<i32>} : memref<128xf32, #tpu.memory_space<vmem>>, vector<16xf32>,
      %get3A_11 = arith.constant 0 : index
      %get3A_12 = tpu.vector_load %arg17[%get3A_11] {strides = array<i32>} : memref<128xf32, #tpu.memory_space<vmem>>, vector<16xf32>,
      %add3A_13 = arith.addf %get3A_10, %get3A_12 : vector<16xf32>
      %swap3A = arith.constant 0 : index
      %swap3A_14 = tpu.vector_load %arg15[%swap3A] {strides = array<i32>} : memref<128xf32, #tpu.memory_space<vmem>>, vector<16xf32>,
      tpu.vector_store %arg15[%swap3A], %add3A_13 {strides = array<i32>} : memref<128xf32, #tpu.memory_space<vmem>>, vector<16xf32>,
      %get3A_15 = arith.constant 16 : index
      %get3A_16 = tpu.vector_load %arg15[%get3A_15] {strides = array<i32>} : memref<128xf32, #tpu.memory_space<vmem>>, vector<16xf32>,
      %get3A_17 = arith.constant 16 : index
      %get3A_18 = tpu.vector_load %arg17[%get3A_17] {strides = array<i32>} : memref<128xf32, #tpu.memory_space<vmem>>, vector<16xf32>,
      %add3A_19 = arith.addf %get3A_16, %get3A_18 : vector<16xf32>
      %swap3A_20 = arith.constant 16 : index
      %swap3A_21 = tpu.vector_load %arg15[%swap3A_20] {strides = array<i32>} : memref<128xf32, #tpu.memory_space<vmem>>, vector<16xf32>,
      tpu.vector_store %arg15[%swap3A_20], %add3A_19 {strides = array<i32>} : memref<128xf32, #tpu.memory_space<vmem>>, vector<16xf32>,
      %get3A_22 = arith.constant 32 : index
      %get3A_23 = tpu.vector_load %arg15[%get3A_22] {strides = array<i32>} : memref<128xf32, #tpu.memory_space<vmem>>, vector<16xf32>,
      %get3A_24 = arith.constant 32 : index
      %get3A_25 = tpu.vector_load %arg17[%get3A_24] {strides = array<i32>} : memref<128xf32, #tpu.memory_space<vmem>>, vector<16xf32>,
      %add3A_26 = arith.addf %get3A_23, %get3A_25 : vector<16xf32>
      %swap3A_27 = arith.constant 32 : index
      %swap3A_28 = tpu.vector_load %arg15[%swap3A_27] {strides = array<i32>} : memref<128xf32, #tpu.memory_space<vmem>>, vector<16xf32>,
      tpu.vector_store %arg15[%swap3A_27], %add3A_26 {strides = array<i32>} : memref<128xf32, #tpu.memory_space<vmem>>, vector<16xf32>,
      %get3A_29 = arith.constant 48 : index
      %get3A_30 = tpu.vector_load %arg15[%get3A_29] {strides = array<i32>} : memref<128xf32, #tpu.memory_space<vmem>>, vector<16xf32>,
      %get3A_31 = arith.constant 48 : index
      %get3A_32 = tpu.vector_load %arg17[%get3A_31] {strides = array<i32>} : memref<128xf32, #tpu.memory_space<vmem>>, vector<16xf32>,
      %add3A_33 = arith.addf %get3A_30, %get3A_32 : vector<16xf32>
      %swap3A_34 = arith.constant 48 : index
      %swap3A_35 = tpu.vector_load %arg15[%swap3A_34] {strides = array<i32>} : memref<128xf32, #tpu.memory_space<vmem>>, vector<16xf32>,
      tpu.vector_store %arg15[%swap3A_34], %add3A_33 {strides = array<i32>} : memref<128xf32, #tpu.memory_space<vmem>>, vector<16xf32>,
      %get3A_36 = arith.constant 64 : index
      %get3A_37 = tpu.vector_load %arg15[%get3A_36] {strides = array<i32>} : memref<128xf32, #tpu.memory_space<vmem>>, vector<16xf32>,
      %get3A_38 = arith.constant 64 : index
      %get3A_39 = tpu.vector_load %arg17[%get3A_38] {strides = array<i32>} : memref<128xf32, #tpu.memory_space<vmem>>, vector<16xf32>,
      %add3A_40 = arith.addf %get3A_37, %get3A_39 : vector<16xf32>
      %swap3A_41 = arith.constant 64 : index
      %swap3A_42 = tpu.vector_load %arg15[%swap3A_41] {strides = array<i32>} : memref<128xf32, #tpu.memory_space<vmem>>, vector<16xf32>,
      tpu.vector_store %arg15[%swap3A_41], %add3A_40 {strides = array<i32>} : memref<128xf32, #tpu.memory_space<vmem>>, vector<16xf32>,
      %get3A_43 = arith.constant 80 : index
      %get3A_44 = tpu.vector_load %arg15[%get3A_43] {strides = array<i32>} : memref<128xf32, #tpu.memory_space<vmem>>, vector<16xf32>,
      %get3A_45 = arith.constant 80 : index
      %get3A_46 = tpu.vector_load %arg17[%get3A_45] {strides = array<i32>} : memref<128xf32, #tpu.memory_space<vmem>>, vector<16xf32>,
      %add3A_47 = arith.addf %get3A_44, %get3A_46 : vector<16xf32>
      %swap3A_48 = arith.constant 80 : index
      %swap3A_49 = tpu.vector_load %arg15[%swap3A_48] {strides = array<i32>} : memref<128xf32, #tpu.memory_space<vmem>>, vector<16xf32>,
      tpu.vector_store %arg15[%swap3A_48], %add3A_47 {strides = array<i32>} : memref<128xf32, #tpu.memory_space<vmem>>, vector<16xf32>,
      %get3A_50 = arith.constant 96 : index
      %get3A_51 = tpu.vector_load %arg15[%get3A_50] {strides = array<i32>} : memref<128xf32, #tpu.memory_space<vmem>>, vector<16xf32>,
      %get3A_52 = arith.constant 96 : index
      %get3A_53 = tpu.vector_load %arg17[%get3A_52] {strides = array<i32>} : memref<128xf32, #tpu.memory_space<vmem>>, vector<16xf32>,
      %add3A_54 = arith.addf %get3A_51, %get3A_53 : vector<16xf32>
      %swap3A_55 = arith.constant 96 : index
      %swap3A_56 = tpu.vector_load %arg15[%swap3A_55] {strides = array<i32>} : memref<128xf32, #tpu.memory_space<vmem>>, vector<16xf32>,
      tpu.vector_store %arg15[%swap3A_55], %add3A_54 {strides = array<i32>} : memref<128xf32, #tpu.memory_space<vmem>>, vector<16xf32>,
      %get3A_57 = arith.constant 112 : index
      %get3A_58 = tpu.vector_load %arg15[%get3A_57] {strides = array<i32>} : memref<128xf32, #tpu.memory_space<vmem>>, vector<16xf32>,
      %get3A_59 = arith.constant 112 : index
      %get3A_60 = tpu.vector_load %arg17[%get3A_59] {strides = array<i32>} : memref<128xf32, #tpu.memory_space<vmem>>, vector<16xf32>,
      %add3A_61 = arith.addf %get3A_58, %get3A_60 : vector<16xf32>
      %swap3A_62 = arith.constant 112 : index
      %swap3A_63 = tpu.vector_load %arg15[%swap3A_62] {strides = array<i32>} : memref<128xf32, #tpu.memory_space<vmem>>, vector<16xf32>,
      tpu.vector_store %arg15[%swap3A_62], %add3A_61 {strides = array<i32>} : memref<128xf32, #tpu.memory_space<vmem>>, vector<16xf32>,
      %add3A_64 = arith.constant 4096 : i32
      %add3A_65 = arith.addi %add3A_64, %mul3A_8 : i32
      "tpu.region"() ({
        %run_scoped3A = tpu.sem_alloc : memref<!tpu.dma_semaphore, #tpu.memory_space<semaphore_mem>>
        %dma_start3A = tpu.memref_slice %arg18[%add3A_65] : memref<32768xf32, #tpu.memory_space<vmem_shared>> -> memref<128xf32, #tpu.memory_space<vmem_shared>>
        %dma_start3A_932 = tpu.memref_slice %arg18[%add3A_65] : memref<32768xf32, #tpu.memory_space<vmem_shared>> -> memref<128xf32, #tpu.memory_space<vmem_shared>>
        tpu.enqueue_dma source(%dma_start3A_932 : memref<128xf32, #tpu.memory_space<vmem_shared>>) target(%arg17 : memref<128xf32, #tpu.memory_space<vmem>>) target_semaphore(%run_scoped3A : memref<!tpu.dma_semaphore, #tpu.memory_space<semaphore_mem>>)
        %dma_wait3A = tpu.memref_slice %arg18[%add3A_65] : memref<32768xf32, #tpu.memory_space<vmem_shared>> -> memref<128xf32, #tpu.memory_space<vmem_shared>>
        %dma_wait3A_933 = tpu.memref_slice %arg18[%add3A_65] : memref<32768xf32, #tpu.memory_space<vmem_shared>> -> memref<128xf32, #tpu.memory_space<vmem_shared>>
        tpu.wait_dma2 semaphore(%run_scoped3A : memref<!tpu.dma_semaphore, #tpu.memory_space<semaphore_mem>>) src(%dma_wait3A_933 : memref<128xf32, #tpu.memory_space<vmem_shared>>) dst(%arg17 : memref<128xf32, #tpu.memory_space<vmem>>)
        tpu.yield
      }) : () -> ()
      %get3A_66 = arith.constant 0 : index
      %get3A_67 = tpu.vector_load %arg15[%get3A_66] {strides = array<i32>} : memref<128xf32, #tpu.memory_space<vmem>>, vector<16xf32>,
      %get3A_68 = arith.constant 0 : index
      %get3A_69 = tpu.vector_load %arg17[%get3A_68] {strides = array<i32>} : memref<128xf32, #tpu.memory_space<vmem>>, vector<16xf32>,
      %add3A_70 = arith.addf %get3A_67, %get3A_69 : vector<16xf32>
      %swap3A_71 = arith.constant 0 : index
      %swap3A_72 = tpu.vector_load %arg15[%swap3A_71] {strides = array<i32>} : memref<128xf32, #tpu.memory_space<vmem>>, vector<16xf32>,
      tpu.vector_store %arg15[%swap3A_71], %add3A_70 {strides = array<i32>} : memref<128xf32, #tpu.memory_space<vmem>>, vector<16xf32>,
      %get3A_73 = arith.constant 16 : index
      %get3A_74 = tpu.vector_load %arg15[%get3A_73] {strides = array<i32>} : memref<128xf32, #tpu.memory_space<vmem>>, vector<16xf32>,
      %get3A_75 = arith.constant 16 : index
      %get3A_76 = tpu.vector_load %arg17[%get3A_75] {strides = array<i32>} : memref<128xf32, #tpu.memory_space<vmem>>, vector<16xf32>,
      %add3A_77 = arith.addf %get3A_74, %get3A_76 : vector<16xf32>
      %swap3A_78 = arith.constant 16 : index
      %swap3A_79 = tpu.vector_load %arg15[%swap3A_78] {strides = array<i32>} : memref<128xf32, #tpu.memory_space<vmem>>, vector<16xf32>,
      tpu.vector_store %arg15[%swap3A_78], %add3A_77 {strides = array<i32>} : memref<128xf32, #tpu.memory_space<vmem>>, vector<16xf32>,
      %get3A_80 = arith.constant 32 : index
      %get3A_81 = tpu.vector_load %arg15[%get3A_80] {strides = array<i32>} : memref<128xf32, #tpu.memory_space<vmem>>, vector<16xf32>,
      %get3A_82 = arith.constant 32 : index
      %get3A_83 = tpu.vector_load %arg17[%get3A_82] {strides = array<i32>} : memref<128xf32, #tpu.memory_space<vmem>>, vector<16xf32>,
      %add3A_84 = arith.addf %get3A_81, %get3A_83 : vector<16xf32>
      %swap3A_85 = arith.constant 32 : index
      %swap3A_86 = tpu.vector_load %arg15[%swap3A_85] {strides = array<i32>} : memref<128xf32, #tpu.memory_space<vmem>>, vector<16xf32>,
      tpu.vector_store %arg15[%swap3A_85], %add3A_84 {strides = array<i32>} : memref<128xf32, #tpu.memory_space<vmem>>, vector<16xf32>,
      %get3A_87 = arith.constant 48 : index
      %get3A_88 = tpu.vector_load %arg15[%get3A_87] {strides = array<i32>} : memref<128xf32, #tpu.memory_space<vmem>>, vector<16xf32>,
      %get3A_89 = arith.constant 48 : index
      %get3A_90 = tpu.vector_load %arg17[%get3A_89] {strides = array<i32>} : memref<128xf32, #tpu.memory_space<vmem>>, vector<16xf32>,
      %add3A_91 = arith.addf %get3A_88, %get3A_90 : vector<16xf32>
      %swap3A_92 = arith.constant 48 : index
      %swap3A_93 = tpu.vector_load %arg15[%swap3A_92] {strides = array<i32>} : memref<128xf32, #tpu.memory_space<vmem>>, vector<16xf32>,
      tpu.vector_store %arg15[%swap3A_92], %add3A_91 {strides = array<i32>} : memref<128xf32, #tpu.memory_space<vmem>>, vector<16xf32>,
      %get3A_94 = arith.constant 64 : index
      %get3A_95 = tpu.vector_load %arg15[%get3A_94] {strides = array<i32>} : memref<128xf32, #tpu.memory_space<vmem>>, vector<16xf32>,
      %get3A_96 = arith.constant 64 : index
      %get3A_97 = tpu.vector_load %arg17[%get3A_96] {strides = array<i32>} : memref<128xf32, #tpu.memory_space<vmem>>, vector<16xf32>,
      %add3A_98 = arith.addf %get3A_95, %get3A_97 : vector<16xf32>
      %swap3A_99 = arith.constant 64 : index
      %swap3A_100 = tpu.vector_load %arg15[%swap3A_99] {strides = array<i32>} : memref<128xf32, #tpu.memory_space<vmem>>, vector<16xf32>,
      tpu.vector_store %arg15[%swap3A_99], %add3A_98 {strides = array<i32>} : memref<128xf32, #tpu.memory_space<vmem>>, vector<16xf32>,
      %get3A_101 = arith.constant 80 : index
      %get3A_102 = tpu.vector_load %arg15[%get3A_101] {strides = array<i32>} : memref<128xf32, #tpu.memory_space<vmem>>, vector<16xf32>,
      %get3A_103 = arith.constant 80 : index
      %get3A_104 = tpu.vector_load %arg17[%get3A_103] {strides = array<i32>} : memref<128xf32, #tpu.memory_space<vmem>>, vector<16xf32>,
      %add3A_105 = arith.addf %get3A_102, %get3A_104 : vector<16xf32>
      %swap3A_106 = arith.constant 80 : index
      %swap3A_107 = tpu.vector_load %arg15[%swap3A_106] {strides = array<i32>} : memref<128xf32, #tpu.memory_space<vmem>>, vector<16xf32>,
      tpu.vector_store %arg15[%swap3A_106], %add3A_105 {strides = array<i32>} : memref<128xf32, #tpu.memory_space<vmem>>, vector<16xf32>,
      %get3A_108 = arith.constant 96 : index
      %get3A_109 = tpu.vector_load %arg15[%get3A_108] {strides = array<i32>} : memref<128xf32, #tpu.memory_space<vmem>>, vector<16xf32>,
      %get3A_110 = arith.constant 96 : index
      %get3A_111 = tpu.vector_load %arg17[%get3A_110] {strides = array<i32>} : memref<128xf32, #tpu.memory_space<vmem>>, vector<16xf32>,
      %add3A_112 = arith.addf %get3A_109, %get3A_111 : vector<16xf32>
      %swap3A_113 = arith.constant 96 : index
      %swap3A_114 = tpu.vector_load %arg15[%swap3A_113] {strides = array<i32>} : memref<128xf32, #tpu.memory_space<vmem>>, vector<16xf32>,
      tpu.vector_store %arg15[%swap3A_113], %add3A_112 {strides = array<i32>} : memref<128xf32, #tpu.memory_space<vmem>>, vector<16xf32>,
      %get3A_115 = arith.constant 112 : index
      %get3A_116 = tpu.vector_load %arg15[%get3A_115] {strides = array<i32>} : memref<128xf32, #tpu.memory_space<vmem>>, vector<16xf32>,
      %get3A_117 = arith.constant 112 : index
      %get3A_118 = tpu.vector_load %arg17[%get3A_117] {strides = array<i32>} : memref<128xf32, #tpu.memory_space<vmem>>, vector<16xf32>,
      %add3A_119 = arith.addf %get3A_116, %get3A_118 : vector<16xf32>
      %swap3A_120 = arith.constant 112 : index
      %swap3A_121 = tpu.vector_load %arg15[%swap3A_120] {strides = array<i32>} : memref<128xf32, #tpu.memory_space<vmem>>, vector<16xf32>,
      tpu.vector_store %arg15[%swap3A_120], %add3A_119 {strides = array<i32>} : memref<128xf32, #tpu.memory_space<vmem>>, vector<16xf32>,
      %add3A_122 = arith.constant 6144 : i32
      %add3A_123 = arith.addi %add3A_122, %mul3A_8 : i32
      "tpu.region"() ({
        %run_scoped3A = tpu.sem_alloc : memref<!tpu.dma_semaphore, #tpu.memory_space<semaphore_mem>>
        %dma_start3A = tpu.memref_slice %arg18[%add3A_123] : memref<32768xf32, #tpu.memory_space<vmem_shared>> -> memref<128xf32, #tpu.memory_space<vmem_shared>>
        %dma_start3A_932 = tpu.memref_slice %arg18[%add3A_123] : memref<32768xf32, #tpu.memory_space<vmem_shared>> -> memref<128xf32, #tpu.memory_space<vmem_shared>>
        tpu.enqueue_dma source(%dma_start3A_932 : memref<128xf32, #tpu.memory_space<vmem_shared>>) target(%arg17 : memref<128xf32, #tpu.memory_space<vmem>>) target_semaphore(%run_scoped3A : memref<!tpu.dma_semaphore, #tpu.memory_space<semaphore_mem>>)
        %dma_wait3A = tpu.memref_slice %arg18[%add3A_123] : memref<32768xf32, #tpu.memory_space<vmem_shared>> -> memref<128xf32, #tpu.memory_space<vmem_shared>>
        %dma_wait3A_933 = tpu.memref_slice %arg18[%add3A_123] : memref<32768xf32, #tpu.memory_space<vmem_shared>> -> memref<128xf32, #tpu.memory_space<vmem_shared>>
        tpu.wait_dma2 semaphore(%run_scoped3A : memref<!tpu.dma_semaphore, #tpu.memory_space<semaphore_mem>>) src(%dma_wait3A_933 : memref<128xf32, #tpu.memory_space<vmem_shared>>) dst(%arg17 : memref<128xf32, #tpu.memory_space<vmem>>)
        tpu.yield
      }) : () -> ()
      %get3A_124 = arith.constant 0 : index
      %get3A_125 = tpu.vector_load %arg15[%get3A_124] {strides = array<i32>} : memref<128xf32, #tpu.memory_space<vmem>>, vector<16xf32>,
      %get3A_126 = arith.constant 0 : index
      %get3A_127 = tpu.vector_load %arg17[%get3A_126] {strides = array<i32>} : memref<128xf32, #tpu.memory_space<vmem>>, vector<16xf32>,
      %add3A_128 = arith.addf %get3A_125, %get3A_127 : vector<16xf32>
      %swap3A_129 = arith.constant 0 : index
      %swap3A_130 = tpu.vector_load %arg15[%swap3A_129] {strides = array<i32>} : memref<128xf32, #tpu.memory_space<vmem>>, vector<16xf32>,
      tpu.vector_store %arg15[%swap3A_129], %add3A_128 {strides = array<i32>} : memref<128xf32, #tpu.memory_space<vmem>>, vector<16xf32>,
      %get3A_131 = arith.constant 16 : index
      %get3A_132 = tpu.vector_load %arg15[%get3A_131] {strides = array<i32>} : memref<128xf32, #tpu.memory_space<vmem>>, vector<16xf32>,
      %get3A_133 = arith.constant 16 : index
      %get3A_134 = tpu.vector_load %arg17[%get3A_133] {strides = array<i32>} : memref<128xf32, #tpu.memory_space<vmem>>, vector<16xf32>,
      %add3A_135 = arith.addf %get3A_132, %get3A_134 : vector<16xf32>
      %swap3A_136 = arith.constant 16 : index
      %swap3A_137 = tpu.vector_load %arg15[%swap3A_136] {strides = array<i32>} : memref<128xf32, #tpu.memory_space<vmem>>, vector<16xf32>,
      tpu.vector_store %arg15[%swap3A_136], %add3A_135 {strides = array<i32>} : memref<128xf32, #tpu.memory_space<vmem>>, vector<16xf32>,
      %get3A_138 = arith.constant 32 : index
      %get3A_139 = tpu.vector_load %arg15[%get3A_138] {strides = array<i32>} : memref<128xf32, #tpu.memory_space<vmem>>, vector<16xf32>,
      %get3A_140 = arith.constant 32 : index
      %get3A_141 = tpu.vector_load %arg17[%get3A_140] {strides = array<i32>} : memref<128xf32, #tpu.memory_space<vmem>>, vector<16xf32>,
      %add3A_142 = arith.addf %get3A_139, %get3A_141 : vector<16xf32>
      %swap3A_143 = arith.constant 32 : index
      %swap3A_144 = tpu.vector_load %arg15[%swap3A_143] {strides = array<i32>} : memref<128xf32, #tpu.memory_space<vmem>>, vector<16xf32>,
      tpu.vector_store %arg15[%swap3A_143], %add3A_142 {strides = array<i32>} : memref<128xf32, #tpu.memory_space<vmem>>, vector<16xf32>,
      %get3A_145 = arith.constant 48 : index
      %get3A_146 = tpu.vector_load %arg15[%get3A_145] {strides = array<i32>} : memref<128xf32, #tpu.memory_space<vmem>>, vector<16xf32>,
      %get3A_147 = arith.constant 48 : index
      %get3A_148 = tpu.vector_load %arg17[%get3A_147] {strides = array<i32>} : memref<128xf32, #tpu.memory_space<vmem>>, vector<16xf32>,
      %add3A_149 = arith.addf %get3A_146, %get3A_148 : vector<16xf32>
      %swap3A_150 = arith.constant 48 : index
      %swap3A_151 = tpu.vector_load %arg15[%swap3A_150] {strides = array<i32>} : memref<128xf32, #tpu.memory_space<vmem>>, vector<16xf32>,
      tpu.vector_store %arg15[%swap3A_150], %add3A_149 {strides = array<i32>} : memref<128xf32, #tpu.memory_space<vmem>>, vector<16xf32>,
      %get3A_152 = arith.constant 64 : index
      %get3A_153 = tpu.vector_load %arg15[%get3A_152] {strides = array<i32>} : memref<128xf32, #tpu.memory_space<vmem>>, vector<16xf32>,
      %get3A_154 = arith.constant 64 : index
      %get3A_155 = tpu.vector_load %arg17[%get3A_154] {strides = array<i32>} : memref<128xf32, #tpu.memory_space<vmem>>, vector<16xf32>,
      %add3A_156 = arith.addf %get3A_153, %get3A_155 : vector<16xf32>
      %swap3A_157 = arith.constant 64 : index
      %swap3A_158 = tpu.vector_load %arg15[%swap3A_157] {strides = array<i32>} : memref<128xf32, #tpu.memory_space<vmem>>, vector<16xf32>,
      tpu.vector_store %arg15[%swap3A_157], %add3A_156 {strides = array<i32>} : memref<128xf32, #tpu.memory_space<vmem>>, vector<16xf32>,
      %get3A_159 = arith.constant 80 : index
      %get3A_160 = tpu.vector_load %arg15[%get3A_159] {strides = array<i32>} : memref<128xf32, #tpu.memory_space<vmem>>, vector<16xf32>,
      %get3A_161 = arith.constant 80 : index
      %get3A_162 = tpu.vector_load %arg17[%get3A_161] {strides = array<i32>} : memref<128xf32, #tpu.memory_space<vmem>>, vector<16xf32>,
      %add3A_163 = arith.addf %get3A_160, %get3A_162 : vector<16xf32>
      %swap3A_164 = arith.constant 80 : index
      %swap3A_165 = tpu.vector_load %arg15[%swap3A_164] {strides = array<i32>} : memref<128xf32, #tpu.memory_space<vmem>>, vector<16xf32>,
      tpu.vector_store %arg15[%swap3A_164], %add3A_163 {strides = array<i32>} : memref<128xf32, #tpu.memory_space<vmem>>, vector<16xf32>,
      %get3A_166 = arith.constant 96 : index
      %get3A_167 = tpu.vector_load %arg15[%get3A_166] {strides = array<i32>} : memref<128xf32, #tpu.memory_space<vmem>>, vector<16xf32>,
      %get3A_168 = arith.constant 96 : index
      %get3A_169 = tpu.vector_load %arg17[%get3A_168] {strides = array<i32>} : memref<128xf32, #tpu.memory_space<vmem>>, vector<16xf32>,
      %add3A_170 = arith.addf %get3A_167, %get3A_169 : vector<16xf32>
      %swap3A_171 = arith.constant 96 : index
      %swap3A_172 = tpu.vector_load %arg15[%swap3A_171] {strides = array<i32>} : memref<128xf32, #tpu.memory_space<vmem>>, vector<16xf32>,
      tpu.vector_store %arg15[%swap3A_171], %add3A_170 {strides = array<i32>} : memref<128xf32, #tpu.memory_space<vmem>>, vector<16xf32>,
      %get3A_173 = arith.constant 112 : index
      %get3A_174 = tpu.vector_load %arg15[%get3A_173] {strides = array<i32>} : memref<128xf32, #tpu.memory_space<vmem>>, vector<16xf32>,
      %get3A_175 = arith.constant 112 : index
      %get3A_176 = tpu.vector_load %arg17[%get3A_175] {strides = array<i32>} : memref<128xf32, #tpu.memory_space<vmem>>, vector<16xf32>,
      %add3A_177 = arith.addf %get3A_174, %get3A_176 : vector<16xf32>
      %swap3A_178 = arith.constant 112 : index
      %swap3A_179 = tpu.vector_load %arg15[%swap3A_178] {strides = array<i32>} : memref<128xf32, #tpu.memory_space<vmem>>, vector<16xf32>,
      tpu.vector_store %arg15[%swap3A_178], %add3A_177 {strides = array<i32>} : memref<128xf32, #tpu.memory_space<vmem>>, vector<16xf32>,
      %add3A_180 = arith.constant 8192 : i32
      %add3A_181 = arith.addi %add3A_180, %mul3A_8 : i32
      "tpu.region"() ({
        %run_scoped3A = tpu.sem_alloc : memref<!tpu.dma_semaphore, #tpu.memory_space<semaphore_mem>>
        %dma_start3A = tpu.memref_slice %arg18[%add3A_181] : memref<32768xf32, #tpu.memory_space<vmem_shared>> -> memref<128xf32, #tpu.memory_space<vmem_shared>>
        %dma_start3A_932 = tpu.memref_slice %arg18[%add3A_181] : memref<32768xf32, #tpu.memory_space<vmem_shared>> -> memref<128xf32, #tpu.memory_space<vmem_shared>>
        tpu.enqueue_dma source(%dma_start3A_932 : memref<128xf32, #tpu.memory_space<vmem_shared>>) target(%arg17 : memref<128xf32, #tpu.memory_space<vmem>>) target_semaphore(%run_scoped3A : memref<!tpu.dma_semaphore, #tpu.memory_space<semaphore_mem>>)
        %dma_wait3A = tpu.memref_slice %arg18[%add3A_181] : memref<32768xf32, #tpu.memory_space<vmem_shared>> -> memref<128xf32, #tpu.memory_space<vmem_shared>>
        %dma_wait3A_933 = tpu.memref_slice %arg18[%add3A_181] : memref<32768xf32, #tpu.memory_space<vmem_shared>> -> memref<128xf32, #tpu.memory_space<vmem_shared>>
        tpu.wait_dma2 semaphore(%run_scoped3A : memref<!tpu.dma_semaphore, #tpu.memory_space<semaphore_mem>>) src(%dma_wait3A_933 : memref<128xf32, #tpu.memory_space<vmem_shared>>) dst(%arg17 : memref<128xf32, #tpu.memory_space<vmem>>)
        tpu.yield
      }) : () -> ()
      %get3A_182 = arith.constant 0 : index
      %get3A_183 = tpu.vector_load %arg15[%get3A_182] {strides = array<i32>} : memref<128xf32, #tpu.memory_space<vmem>>, vector<16xf32>,
      %get3A_184 = arith.constant 0 : index
      %get3A_185 = tpu.vector_load %arg17[%get3A_184] {strides = array<i32>} : memref<128xf32, #tpu.memory_space<vmem>>, vector<16xf32>,
      %add3A_186 = arith.addf %get3A_183, %get3A_185 : vector<16xf32>
      %swap3A_187 = arith.constant 0 : index
      %swap3A_188 = tpu.vector_load %arg15[%swap3A_187] {strides = array<i32>} : memref<128xf32, #tpu.memory_space<vmem>>, vector<16xf32>,
      tpu.vector_store %arg15[%swap3A_187], %add3A_186 {strides = array<i32>} : memref<128xf32, #tpu.memory_space<vmem>>, vector<16xf32>,
      %get3A_189 = arith.constant 16 : index
      %get3A_190 = tpu.vector_load %arg15[%get3A_189] {strides = array<i32>} : memref<128xf32, #tpu.memory_space<vmem>>, vector<16xf32>,
      %get3A_191 = arith.constant 16 : index
      %get3A_192 = tpu.vector_load %arg17[%get3A_191] {strides = array<i32>} : memref<128xf32, #tpu.memory_space<vmem>>, vector<16xf32>,
      %add3A_193 = arith.addf %get3A_190, %get3A_192 : vector<16xf32>
      %swap3A_194 = arith.constant 16 : index
      %swap3A_195 = tpu.vector_load %arg15[%swap3A_194] {strides = array<i32>} : memref<128xf32, #tpu.memory_space<vmem>>, vector<16xf32>,
      tpu.vector_store %arg15[%swap3A_194], %add3A_193 {strides = array<i32>} : memref<128xf32, #tpu.memory_space<vmem>>, vector<16xf32>,
      %get3A_196 = arith.constant 32 : index
      %get3A_197 = tpu.vector_load %arg15[%get3A_196] {strides = array<i32>} : memref<128xf32, #tpu.memory_space<vmem>>, vector<16xf32>,
      %get3A_198 = arith.constant 32 : index
      %get3A_199 = tpu.vector_load %arg17[%get3A_198] {strides = array<i32>} : memref<128xf32, #tpu.memory_space<vmem>>, vector<16xf32>,
      %add3A_200 = arith.addf %get3A_197, %get3A_199 : vector<16xf32>
      %swap3A_201 = arith.constant 32 : index
      %swap3A_202 = tpu.vector_load %arg15[%swap3A_201] {strides = array<i32>} : memref<128xf32, #tpu.memory_space<vmem>>, vector<16xf32>,
      tpu.vector_store %arg15[%swap3A_201], %add3A_200 {strides = array<i32>} : memref<128xf32, #tpu.memory_space<vmem>>, vector<16xf32>,
      %get3A_203 = arith.constant 48 : index
      %get3A_204 = tpu.vector_load %arg15[%get3A_203] {strides = array<i32>} : memref<128xf32, #tpu.memory_space<vmem>>, vector<16xf32>,
      %get3A_205 = arith.constant 48 : index
      %get3A_206 = tpu.vector_load %arg17[%get3A_205] {strides = array<i32>} : memref<128xf32, #tpu.memory_space<vmem>>, vector<16xf32>,
      %add3A_207 = arith.addf %get3A_204, %get3A_206 : vector<16xf32>
      %swap3A_208 = arith.constant 48 : index
      %swap3A_209 = tpu.vector_load %arg15[%swap3A_208] {strides = array<i32>} : memref<128xf32, #tpu.memory_space<vmem>>, vector<16xf32>,
      tpu.vector_store %arg15[%swap3A_208], %add3A_207 {strides = array<i32>} : memref<128xf32, #tpu.memory_space<vmem>>, vector<16xf32>,
      %get3A_210 = arith.constant 64 : index
      %get3A_211 = tpu.vector_load %arg15[%get3A_210] {strides = array<i32>} : memref<128xf32, #tpu.memory_space<vmem>>, vector<16xf32>,
      %get3A_212 = arith.constant 64 : index
      %get3A_213 = tpu.vector_load %arg17[%get3A_212] {strides = array<i32>} : memref<128xf32, #tpu.memory_space<vmem>>, vector<16xf32>,
      %add3A_214 = arith.addf %get3A_211, %get3A_213 : vector<16xf32>
      %swap3A_215 = arith.constant 64 : index
      %swap3A_216 = tpu.vector_load %arg15[%swap3A_215] {strides = array<i32>} : memref<128xf32, #tpu.memory_space<vmem>>, vector<16xf32>,
      tpu.vector_store %arg15[%swap3A_215], %add3A_214 {strides = array<i32>} : memref<128xf32, #tpu.memory_space<vmem>>, vector<16xf32>,
      %get3A_217 = arith.constant 80 : index
      %get3A_218 = tpu.vector_load %arg15[%get3A_217] {strides = array<i32>} : memref<128xf32, #tpu.memory_space<vmem>>, vector<16xf32>,
      %get3A_219 = arith.constant 80 : index
      %get3A_220 = tpu.vector_load %arg17[%get3A_219] {strides = array<i32>} : memref<128xf32, #tpu.memory_space<vmem>>, vector<16xf32>,
      %add3A_221 = arith.addf %get3A_218, %get3A_220 : vector<16xf32>
      %swap3A_222 = arith.constant 80 : index
      %swap3A_223 = tpu.vector_load %arg15[%swap3A_222] {strides = array<i32>} : memref<128xf32, #tpu.memory_space<vmem>>, vector<16xf32>,
      tpu.vector_store %arg15[%swap3A_222], %add3A_221 {strides = array<i32>} : memref<128xf32, #tpu.memory_space<vmem>>, vector<16xf32>,
      %get3A_224 = arith.constant 96 : index
      %get3A_225 = tpu.vector_load %arg15[%get3A_224] {strides = array<i32>} : memref<128xf32, #tpu.memory_space<vmem>>, vector<16xf32>,
      %get3A_226 = arith.constant 96 : index
      %get3A_227 = tpu.vector_load %arg17[%get3A_226] {strides = array<i32>} : memref<128xf32, #tpu.memory_space<vmem>>, vector<16xf32>,
      %add3A_228 = arith.addf %get3A_225, %get3A_227 : vector<16xf32>
      %swap3A_229 = arith.constant 96 : index
      %swap3A_230 = tpu.vector_load %arg15[%swap3A_229] {strides = array<i32>} : memref<128xf32, #tpu.memory_space<vmem>>, vector<16xf32>,
      tpu.vector_store %arg15[%swap3A_229], %add3A_228 {strides = array<i32>} : memref<128xf32, #tpu.memory_space<vmem>>, vector<16xf32>,
      %get3A_231 = arith.constant 112 : index
      %get3A_232 = tpu.vector_load %arg15[%get3A_231] {strides = array<i32>} : memref<128xf32, #tpu.memory_space<vmem>>, vector<16xf32>,
      %get3A_233 = arith.constant 112 : index
      %get3A_234 = tpu.vector_load %arg17[%get3A_233] {strides = array<i32>} : memref<128xf32, #tpu.memory_space<vmem>>, vector<16xf32>,
      %add3A_235 = arith.addf %get3A_232, %get3A_234 : vector<16xf32>
      %swap3A_236 = arith.constant 112 : index
      %swap3A_237 = tpu.vector_load %arg15[%swap3A_236] {strides = array<i32>} : memref<128xf32, #tpu.memory_space<vmem>>, vector<16xf32>,
      tpu.vector_store %arg15[%swap3A_236], %add3A_235 {strides = array<i32>} : memref<128xf32, #tpu.memory_space<vmem>>, vector<16xf32>,
      %add3A_238 = arith.constant 10240 : i32
      %add3A_239 = arith.addi %add3A_238, %mul3A_8 : i32
      "tpu.region"() ({
        %run_scoped3A = tpu.sem_alloc : memref<!tpu.dma_semaphore, #tpu.memory_space<semaphore_mem>>
        %dma_start3A = tpu.memref_slice %arg18[%add3A_239] : memref<32768xf32, #tpu.memory_space<vmem_shared>> -> memref<128xf32, #tpu.memory_space<vmem_shared>>
        %dma_start3A_932 = tpu.memref_slice %arg18[%add3A_239] : memref<32768xf32, #tpu.memory_space<vmem_shared>> -> memref<128xf32, #tpu.memory_space<vmem_shared>>
        tpu.enqueue_dma source(%dma_start3A_932 : memref<128xf32, #tpu.memory_space<vmem_shared>>) target(%arg17 : memref<128xf32, #tpu.memory_space<vmem>>) target_semaphore(%run_scoped3A : memref<!tpu.dma_semaphore, #tpu.memory_space<semaphore_mem>>)
        %dma_wait3A = tpu.memref_slice %arg18[%add3A_239] : memref<32768xf32, #tpu.memory_space<vmem_shared>> -> memref<128xf32, #tpu.memory_space<vmem_shared>>
        %dma_wait3A_933 = tpu.memref_slice %arg18[%add3A_239] : memref<32768xf32, #tpu.memory_space<vmem_shared>> -> memref<128xf32, #tpu.memory_space<vmem_shared>>
        tpu.wait_dma2 semaphore(%run_scoped3A : memref<!tpu.dma_semaphore, #tpu.memory_space<semaphore_mem>>) src(%dma_wait3A_933 : memref<128xf32, #tpu.memory_space<vmem_shared>>) dst(%arg17 : memref<128xf32, #tpu.memory_space<vmem>>)
        tpu.yield
      }) : () -> ()
      %get3A_240 = arith.constant 0 : index
      %get3A_241 = tpu.vector_load %arg15[%get3A_240] {strides = array<i32>} : memref<128xf32, #tpu.memory_space<vmem>>, vector<16xf32>,
      %get3A_242 = arith.constant 0 : index
      %get3A_243 = tpu.vector_load %arg17[%get3A_242] {strides = array<i32>} : memref<128xf32, #tpu.memory_space<vmem>>, vector<16xf32>,
      %add3A_244 = arith.addf %get3A_241, %get3A_243 : vector<16xf32>
      %swap3A_245 = arith.constant 0 : index
      %swap3A_246 = tpu.vector_load %arg15[%swap3A_245] {strides = array<i32>} : memref<128xf32, #tpu.memory_space<vmem>>, vector<16xf32>,
      tpu.vector_store %arg15[%swap3A_245], %add3A_244 {strides = array<i32>} : memref<128xf32, #tpu.memory_space<vmem>>, vector<16xf32>,
      %get3A_247 = arith.constant 16 : index
      %get3A_248 = tpu.vector_load %arg15[%get3A_247] {strides = array<i32>} : memref<128xf32, #tpu.memory_space<vmem>>, vector<16xf32>,
      %get3A_249 = arith.constant 16 : index
      %get3A_250 = tpu.vector_load %arg17[%get3A_249] {strides = array<i32>} : memref<128xf32, #tpu.memory_space<vmem>>, vector<16xf32>,
      %add3A_251 = arith.addf %get3A_248, %get3A_250 : vector<16xf32>
      %swap3A_252 = arith.constant 16 : index
      %swap3A_253 = tpu.vector_load %arg15[%swap3A_252] {strides = array<i32>} : memref<128xf32, #tpu.memory_space<vmem>>, vector<16xf32>,
      tpu.vector_store %arg15[%swap3A_252], %add3A_251 {strides = array<i32>} : memref<128xf32, #tpu.memory_space<vmem>>, vector<16xf32>,
      %get3A_254 = arith.constant 32 : index
      %get3A_255 = tpu.vector_load %arg15[%get3A_254] {strides = array<i32>} : memref<128xf32, #tpu.memory_space<vmem>>, vector<16xf32>,
      %get3A_256 = arith.constant 32 : index
      %get3A_257 = tpu.vector_load %arg17[%get3A_256] {strides = array<i32>} : memref<128xf32, #tpu.memory_space<vmem>>, vector<16xf32>,
      %add3A_258 = arith.addf %get3A_255, %get3A_257 : vector<16xf32>
      %swap3A_259 = arith.constant 32 : index
      %swap3A_260 = tpu.vector_load %arg15[%swap3A_259] {strides = array<i32>} : memref<128xf32, #tpu.memory_space<vmem>>, vector<16xf32>,
      tpu.vector_store %arg15[%swap3A_259], %add3A_258 {strides = array<i32>} : memref<128xf32, #tpu.memory_space<vmem>>, vector<16xf32>,
      %get3A_261 = arith.constant 48 : index
      %get3A_262 = tpu.vector_load %arg15[%get3A_261] {strides = array<i32>} : memref<128xf32, #tpu.memory_space<vmem>>, vector<16xf32>,
      %get3A_263 = arith.constant 48 : index
      %get3A_264 = tpu.vector_load %arg17[%get3A_263] {strides = array<i32>} : memref<128xf32, #tpu.memory_space<vmem>>, vector<16xf32>,
      %add3A_265 = arith.addf %get3A_262, %get3A_264 : vector<16xf32>
      %swap3A_266 = arith.constant 48 : index
      %swap3A_267 = tpu.vector_load %arg15[%swap3A_266] {strides = array<i32>} : memref<128xf32, #tpu.memory_space<vmem>>, vector<16xf32>,
      tpu.vector_store %arg15[%swap3A_266], %add3A_265 {strides = array<i32>} : memref<128xf32, #tpu.memory_space<vmem>>, vector<16xf32>,
      %get3A_268 = arith.constant 64 : index
      %get3A_269 = tpu.vector_load %arg15[%get3A_268] {strides = array<i32>} : memref<128xf32, #tpu.memory_space<vmem>>, vector<16xf32>,
      %get3A_270 = arith.constant 64 : index
      %get3A_271 = tpu.vector_load %arg17[%get3A_270] {strides = array<i32>} : memref<128xf32, #tpu.memory_space<vmem>>, vector<16xf32>,
      %add3A_272 = arith.addf %get3A_269, %get3A_271 : vector<16xf32>
      %swap3A_273 = arith.constant 64 : index
      %swap3A_274 = tpu.vector_load %arg15[%swap3A_273] {strides = array<i32>} : memref<128xf32, #tpu.memory_space<vmem>>, vector<16xf32>,
      tpu.vector_store %arg15[%swap3A_273], %add3A_272 {strides = array<i32>} : memref<128xf32, #tpu.memory_space<vmem>>, vector<16xf32>,
      %get3A_275 = arith.constant 80 : index
      %get3A_276 = tpu.vector_load %arg15[%get3A_275] {strides = array<i32>} : memref<128xf32, #tpu.memory_space<vmem>>, vector<16xf32>,
      %get3A_277 = arith.constant 80 : index
      %get3A_278 = tpu.vector_load %arg17[%get3A_277] {strides = array<i32>} : memref<128xf32, #tpu.memory_space<vmem>>, vector<16xf32>,
      %add3A_279 = arith.addf %get3A_276, %get3A_278 : vector<16xf32>
      %swap3A_280 = arith.constant 80 : index
      %swap3A_281 = tpu.vector_load %arg15[%swap3A_280] {strides = array<i32>} : memref<128xf32, #tpu.memory_space<vmem>>, vector<16xf32>,
      tpu.vector_store %arg15[%swap3A_280], %add3A_279 {strides = array<i32>} : memref<128xf32, #tpu.memory_space<vmem>>, vector<16xf32>,
      %get3A_282 = arith.constant 96 : index
      %get3A_283 = tpu.vector_load %arg15[%get3A_282] {strides = array<i32>} : memref<128xf32, #tpu.memory_space<vmem>>, vector<16xf32>,
      %get3A_284 = arith.constant 96 : index
      %get3A_285 = tpu.vector_load %arg17[%get3A_284] {strides = array<i32>} : memref<128xf32, #tpu.memory_space<vmem>>, vector<16xf32>,
      %add3A_286 = arith.addf %get3A_283, %get3A_285 : vector<16xf32>
      %swap3A_287 = arith.constant 96 : index
      %swap3A_288 = tpu.vector_load %arg15[%swap3A_287] {strides = array<i32>} : memref<128xf32, #tpu.memory_space<vmem>>, vector<16xf32>,
      tpu.vector_store %arg15[%swap3A_287], %add3A_286 {strides = array<i32>} : memref<128xf32, #tpu.memory_space<vmem>>, vector<16xf32>,
      %get3A_289 = arith.constant 112 : index
      %get3A_290 = tpu.vector_load %arg15[%get3A_289] {strides = array<i32>} : memref<128xf32, #tpu.memory_space<vmem>>, vector<16xf32>,
      %get3A_291 = arith.constant 112 : index
      %get3A_292 = tpu.vector_load %arg17[%get3A_291] {strides = array<i32>} : memref<128xf32, #tpu.memory_space<vmem>>, vector<16xf32>,
      %add3A_293 = arith.addf %get3A_290, %get3A_292 : vector<16xf32>
      %swap3A_294 = arith.constant 112 : index
      %swap3A_295 = tpu.vector_load %arg15[%swap3A_294] {strides = array<i32>} : memref<128xf32, #tpu.memory_space<vmem>>, vector<16xf32>,
      tpu.vector_store %arg15[%swap3A_294], %add3A_293 {strides = array<i32>} : memref<128xf32, #tpu.memory_space<vmem>>, vector<16xf32>,
      %add3A_296 = arith.constant 12288 : i32
      %add3A_297 = arith.addi %add3A_296, %mul3A_8 : i32
      "tpu.region"() ({
        %run_scoped3A = tpu.sem_alloc : memref<!tpu.dma_semaphore, #tpu.memory_space<semaphore_mem>>
        %dma_start3A = tpu.memref_slice %arg18[%add3A_297] : memref<32768xf32, #tpu.memory_space<vmem_shared>> -> memref<128xf32, #tpu.memory_space<vmem_shared>>
        %dma_start3A_932 = tpu.memref_slice %arg18[%add3A_297] : memref<32768xf32, #tpu.memory_space<vmem_shared>> -> memref<128xf32, #tpu.memory_space<vmem_shared>>
        tpu.enqueue_dma source(%dma_start3A_932 : memref<128xf32, #tpu.memory_space<vmem_shared>>) target(%arg17 : memref<128xf32, #tpu.memory_space<vmem>>) target_semaphore(%run_scoped3A : memref<!tpu.dma_semaphore, #tpu.memory_space<semaphore_mem>>)
        %dma_wait3A = tpu.memref_slice %arg18[%add3A_297] : memref<32768xf32, #tpu.memory_space<vmem_shared>> -> memref<128xf32, #tpu.memory_space<vmem_shared>>
        %dma_wait3A_933 = tpu.memref_slice %arg18[%add3A_297] : memref<32768xf32, #tpu.memory_space<vmem_shared>> -> memref<128xf32, #tpu.memory_space<vmem_shared>>
        tpu.wait_dma2 semaphore(%run_scoped3A : memref<!tpu.dma_semaphore, #tpu.memory_space<semaphore_mem>>) src(%dma_wait3A_933 : memref<128xf32, #tpu.memory_space<vmem_shared>>) dst(%arg17 : memref<128xf32, #tpu.memory_space<vmem>>)
        tpu.yield
      }) : () -> ()
      %get3A_298 = arith.constant 0 : index
      %get3A_299 = tpu.vector_load %arg15[%get3A_298] {strides = array<i32>} : memref<128xf32, #tpu.memory_space<vmem>>, vector<16xf32>,
      %get3A_300 = arith.constant 0 : index
      %get3A_301 = tpu.vector_load %arg17[%get3A_300] {strides = array<i32>} : memref<128xf32, #tpu.memory_space<vmem>>, vector<16xf32>,
      %add3A_302 = arith.addf %get3A_299, %get3A_301 : vector<16xf32>
      %swap3A_303 = arith.constant 0 : index
      %swap3A_304 = tpu.vector_load %arg15[%swap3A_303] {strides = array<i32>} : memref<128xf32, #tpu.memory_space<vmem>>, vector<16xf32>,
      tpu.vector_store %arg15[%swap3A_303], %add3A_302 {strides = array<i32>} : memref<128xf32, #tpu.memory_space<vmem>>, vector<16xf32>,
      %get3A_305 = arith.constant 16 : index
      %get3A_306 = tpu.vector_load %arg15[%get3A_305] {strides = array<i32>} : memref<128xf32, #tpu.memory_space<vmem>>, vector<16xf32>,
      %get3A_307 = arith.constant 16 : index
      %get3A_308 = tpu.vector_load %arg17[%get3A_307] {strides = array<i32>} : memref<128xf32, #tpu.memory_space<vmem>>, vector<16xf32>,
      %add3A_309 = arith.addf %get3A_306, %get3A_308 : vector<16xf32>
      %swap3A_310 = arith.constant 16 : index
      %swap3A_311 = tpu.vector_load %arg15[%swap3A_310] {strides = array<i32>} : memref<128xf32, #tpu.memory_space<vmem>>, vector<16xf32>,
      tpu.vector_store %arg15[%swap3A_310], %add3A_309 {strides = array<i32>} : memref<128xf32, #tpu.memory_space<vmem>>, vector<16xf32>,
      %get3A_312 = arith.constant 32 : index
      %get3A_313 = tpu.vector_load %arg15[%get3A_312] {strides = array<i32>} : memref<128xf32, #tpu.memory_space<vmem>>, vector<16xf32>,
      %get3A_314 = arith.constant 32 : index
      %get3A_315 = tpu.vector_load %arg17[%get3A_314] {strides = array<i32>} : memref<128xf32, #tpu.memory_space<vmem>>, vector<16xf32>,
      %add3A_316 = arith.addf %get3A_313, %get3A_315 : vector<16xf32>
      %swap3A_317 = arith.constant 32 : index
      %swap3A_318 = tpu.vector_load %arg15[%swap3A_317] {strides = array<i32>} : memref<128xf32, #tpu.memory_space<vmem>>, vector<16xf32>,
      tpu.vector_store %arg15[%swap3A_317], %add3A_316 {strides = array<i32>} : memref<128xf32, #tpu.memory_space<vmem>>, vector<16xf32>,
      %get3A_319 = arith.constant 48 : index
      %get3A_320 = tpu.vector_load %arg15[%get3A_319] {strides = array<i32>} : memref<128xf32, #tpu.memory_space<vmem>>, vector<16xf32>,
      %get3A_321 = arith.constant 48 : index
      %get3A_322 = tpu.vector_load %arg17[%get3A_321] {strides = array<i32>} : memref<128xf32, #tpu.memory_space<vmem>>, vector<16xf32>,
      %add3A_323 = arith.addf %get3A_320, %get3A_322 : vector<16xf32>
      %swap3A_324 = arith.constant 48 : index
      %swap3A_325 = tpu.vector_load %arg15[%swap3A_324] {strides = array<i32>} : memref<128xf32, #tpu.memory_space<vmem>>, vector<16xf32>,
      tpu.vector_store %arg15[%swap3A_324], %add3A_323 {strides = array<i32>} : memref<128xf32, #tpu.memory_space<vmem>>, vector<16xf32>,
      %get3A_326 = arith.constant 64 : index
      %get3A_327 = tpu.vector_load %arg15[%get3A_326] {strides = array<i32>} : memref<128xf32, #tpu.memory_space<vmem>>, vector<16xf32>,
      %get3A_328 = arith.constant 64 : index
      %get3A_329 = tpu.vector_load %arg17[%get3A_328] {strides = array<i32>} : memref<128xf32, #tpu.memory_space<vmem>>, vector<16xf32>,
      %add3A_330 = arith.addf %get3A_327, %get3A_329 : vector<16xf32>
      %swap3A_331 = arith.constant 64 : index
      %swap3A_332 = tpu.vector_load %arg15[%swap3A_331] {strides = array<i32>} : memref<128xf32, #tpu.memory_space<vmem>>, vector<16xf32>,
      tpu.vector_store %arg15[%swap3A_331], %add3A_330 {strides = array<i32>} : memref<128xf32, #tpu.memory_space<vmem>>, vector<16xf32>,
      %get3A_333 = arith.constant 80 : index
      %get3A_334 = tpu.vector_load %arg15[%get3A_333] {strides = array<i32>} : memref<128xf32, #tpu.memory_space<vmem>>, vector<16xf32>,
      %get3A_335 = arith.constant 80 : index
      %get3A_336 = tpu.vector_load %arg17[%get3A_335] {strides = array<i32>} : memref<128xf32, #tpu.memory_space<vmem>>, vector<16xf32>,
      %add3A_337 = arith.addf %get3A_334, %get3A_336 : vector<16xf32>
      %swap3A_338 = arith.constant 80 : index
      %swap3A_339 = tpu.vector_load %arg15[%swap3A_338] {strides = array<i32>} : memref<128xf32, #tpu.memory_space<vmem>>, vector<16xf32>,
      tpu.vector_store %arg15[%swap3A_338], %add3A_337 {strides = array<i32>} : memref<128xf32, #tpu.memory_space<vmem>>, vector<16xf32>,
      %get3A_340 = arith.constant 96 : index
      %get3A_341 = tpu.vector_load %arg15[%get3A_340] {strides = array<i32>} : memref<128xf32, #tpu.memory_space<vmem>>, vector<16xf32>,
      %get3A_342 = arith.constant 96 : index
      %get3A_343 = tpu.vector_load %arg17[%get3A_342] {strides = array<i32>} : memref<128xf32, #tpu.memory_space<vmem>>, vector<16xf32>,
      %add3A_344 = arith.addf %get3A_341, %get3A_343 : vector<16xf32>
      %swap3A_345 = arith.constant 96 : index
      %swap3A_346 = tpu.vector_load %arg15[%swap3A_345] {strides = array<i32>} : memref<128xf32, #tpu.memory_space<vmem>>, vector<16xf32>,
      tpu.vector_store %arg15[%swap3A_345], %add3A_344 {strides = array<i32>} : memref<128xf32, #tpu.memory_space<vmem>>, vector<16xf32>,
      %get3A_347 = arith.constant 112 : index
      %get3A_348 = tpu.vector_load %arg15[%get3A_347] {strides = array<i32>} : memref<128xf32, #tpu.memory_space<vmem>>, vector<16xf32>,
      %get3A_349 = arith.constant 112 : index
      %get3A_350 = tpu.vector_load %arg17[%get3A_349] {strides = array<i32>} : memref<128xf32, #tpu.memory_space<vmem>>, vector<16xf32>,
      %add3A_351 = arith.addf %get3A_348, %get3A_350 : vector<16xf32>
      %swap3A_352 = arith.constant 112 : index
      %swap3A_353 = tpu.vector_load %arg15[%swap3A_352] {strides = array<i32>} : memref<128xf32, #tpu.memory_space<vmem>>, vector<16xf32>,
      tpu.vector_store %arg15[%swap3A_352], %add3A_351 {strides = array<i32>} : memref<128xf32, #tpu.memory_space<vmem>>, vector<16xf32>,
      %add3A_354 = arith.constant 14336 : i32
      %add3A_355 = arith.addi %add3A_354, %mul3A_8 : i32
      "tpu.region"() ({
        %run_scoped3A = tpu.sem_alloc : memref<!tpu.dma_semaphore, #tpu.memory_space<semaphore_mem>>
        %dma_start3A = tpu.memref_slice %arg18[%add3A_355] : memref<32768xf32, #tpu.memory_space<vmem_shared>> -> memref<128xf32, #tpu.memory_space<vmem_shared>>
        %dma_start3A_932 = tpu.memref_slice %arg18[%add3A_355] : memref<32768xf32, #tpu.memory_space<vmem_shared>> -> memref<128xf32, #tpu.memory_space<vmem_shared>>
        tpu.enqueue_dma source(%dma_start3A_932 : memref<128xf32, #tpu.memory_space<vmem_shared>>) target(%arg17 : memref<128xf32, #tpu.memory_space<vmem>>) target_semaphore(%run_scoped3A : memref<!tpu.dma_semaphore, #tpu.memory_space<semaphore_mem>>)
        %dma_wait3A = tpu.memref_slice %arg18[%add3A_355] : memref<32768xf32, #tpu.memory_space<vmem_shared>> -> memref<128xf32, #tpu.memory_space<vmem_shared>>
        %dma_wait3A_933 = tpu.memref_slice %arg18[%add3A_355] : memref<32768xf32, #tpu.memory_space<vmem_shared>> -> memref<128xf32, #tpu.memory_space<vmem_shared>>
        tpu.wait_dma2 semaphore(%run_scoped3A : memref<!tpu.dma_semaphore, #tpu.memory_space<semaphore_mem>>) src(%dma_wait3A_933 : memref<128xf32, #tpu.memory_space<vmem_shared>>) dst(%arg17 : memref<128xf32, #tpu.memory_space<vmem>>)
        tpu.yield
      }) : () -> ()
      %get3A_356 = arith.constant 0 : index
      %get3A_357 = tpu.vector_load %arg15[%get3A_356] {strides = array<i32>} : memref<128xf32, #tpu.memory_space<vmem>>, vector<16xf32>,
      %get3A_358 = arith.constant 0 : index
      %get3A_359 = tpu.vector_load %arg17[%get3A_358] {strides = array<i32>} : memref<128xf32, #tpu.memory_space<vmem>>, vector<16xf32>,
      %add3A_360 = arith.addf %get3A_357, %get3A_359 : vector<16xf32>
      %swap3A_361 = arith.constant 0 : index
      %swap3A_362 = tpu.vector_load %arg15[%swap3A_361] {strides = array<i32>} : memref<128xf32, #tpu.memory_space<vmem>>, vector<16xf32>,
      tpu.vector_store %arg15[%swap3A_361], %add3A_360 {strides = array<i32>} : memref<128xf32, #tpu.memory_space<vmem>>, vector<16xf32>,
      %get3A_363 = arith.constant 16 : index
      %get3A_364 = tpu.vector_load %arg15[%get3A_363] {strides = array<i32>} : memref<128xf32, #tpu.memory_space<vmem>>, vector<16xf32>,
      %get3A_365 = arith.constant 16 : index
      %get3A_366 = tpu.vector_load %arg17[%get3A_365] {strides = array<i32>} : memref<128xf32, #tpu.memory_space<vmem>>, vector<16xf32>,
      %add3A_367 = arith.addf %get3A_364, %get3A_366 : vector<16xf32>
      %swap3A_368 = arith.constant 16 : index
      %swap3A_369 = tpu.vector_load %arg15[%swap3A_368] {strides = array<i32>} : memref<128xf32, #tpu.memory_space<vmem>>, vector<16xf32>,
      tpu.vector_store %arg15[%swap3A_368], %add3A_367 {strides = array<i32>} : memref<128xf32, #tpu.memory_space<vmem>>, vector<16xf32>,
      %get3A_370 = arith.constant 32 : index
      %get3A_371 = tpu.vector_load %arg15[%get3A_370] {strides = array<i32>} : memref<128xf32, #tpu.memory_space<vmem>>, vector<16xf32>,
      %get3A_372 = arith.constant 32 : index
      %get3A_373 = tpu.vector_load %arg17[%get3A_372] {strides = array<i32>} : memref<128xf32, #tpu.memory_space<vmem>>, vector<16xf32>,
      %add3A_374 = arith.addf %get3A_371, %get3A_373 : vector<16xf32>
      %swap3A_375 = arith.constant 32 : index
      %swap3A_376 = tpu.vector_load %arg15[%swap3A_375] {strides = array<i32>} : memref<128xf32, #tpu.memory_space<vmem>>, vector<16xf32>,
      tpu.vector_store %arg15[%swap3A_375], %add3A_374 {strides = array<i32>} : memref<128xf32, #tpu.memory_space<vmem>>, vector<16xf32>,
      %get3A_377 = arith.constant 48 : index
      %get3A_378 = tpu.vector_load %arg15[%get3A_377] {strides = array<i32>} : memref<128xf32, #tpu.memory_space<vmem>>, vector<16xf32>,
      %get3A_379 = arith.constant 48 : index
      %get3A_380 = tpu.vector_load %arg17[%get3A_379] {strides = array<i32>} : memref<128xf32, #tpu.memory_space<vmem>>, vector<16xf32>,
      %add3A_381 = arith.addf %get3A_378, %get3A_380 : vector<16xf32>
      %swap3A_382 = arith.constant 48 : index
      %swap3A_383 = tpu.vector_load %arg15[%swap3A_382] {strides = array<i32>} : memref<128xf32, #tpu.memory_space<vmem>>, vector<16xf32>,
      tpu.vector_store %arg15[%swap3A_382], %add3A_381 {strides = array<i32>} : memref<128xf32, #tpu.memory_space<vmem>>, vector<16xf32>,
      %get3A_384 = arith.constant 64 : index
      %get3A_385 = tpu.vector_load %arg15[%get3A_384] {strides = array<i32>} : memref<128xf32, #tpu.memory_space<vmem>>, vector<16xf32>,
      %get3A_386 = arith.constant 64 : index
      %get3A_387 = tpu.vector_load %arg17[%get3A_386] {strides = array<i32>} : memref<128xf32, #tpu.memory_space<vmem>>, vector<16xf32>,
      %add3A_388 = arith.addf %get3A_385, %get3A_387 : vector<16xf32>
      %swap3A_389 = arith.constant 64 : index
      %swap3A_390 = tpu.vector_load %arg15[%swap3A_389] {strides = array<i32>} : memref<128xf32, #tpu.memory_space<vmem>>, vector<16xf32>,
      tpu.vector_store %arg15[%swap3A_389], %add3A_388 {strides = array<i32>} : memref<128xf32, #tpu.memory_space<vmem>>, vector<16xf32>,
      %get3A_391 = arith.constant 80 : index
      %get3A_392 = tpu.vector_load %arg15[%get3A_391] {strides = array<i32>} : memref<128xf32, #tpu.memory_space<vmem>>, vector<16xf32>,
      %get3A_393 = arith.constant 80 : index
      %get3A_394 = tpu.vector_load %arg17[%get3A_393] {strides = array<i32>} : memref<128xf32, #tpu.memory_space<vmem>>, vector<16xf32>,
      %add3A_395 = arith.addf %get3A_392, %get3A_394 : vector<16xf32>
      %swap3A_396 = arith.constant 80 : index
      %swap3A_397 = tpu.vector_load %arg15[%swap3A_396] {strides = array<i32>} : memref<128xf32, #tpu.memory_space<vmem>>, vector<16xf32>,
      tpu.vector_store %arg15[%swap3A_396], %add3A_395 {strides = array<i32>} : memref<128xf32, #tpu.memory_space<vmem>>, vector<16xf32>,
      %get3A_398 = arith.constant 96 : index
      %get3A_399 = tpu.vector_load %arg15[%get3A_398] {strides = array<i32>} : memref<128xf32, #tpu.memory_space<vmem>>, vector<16xf32>,
      %get3A_400 = arith.constant 96 : index
      %get3A_401 = tpu.vector_load %arg17[%get3A_400] {strides = array<i32>} : memref<128xf32, #tpu.memory_space<vmem>>, vector<16xf32>,
      %add3A_402 = arith.addf %get3A_399, %get3A_401 : vector<16xf32>
      %swap3A_403 = arith.constant 96 : index
      %swap3A_404 = tpu.vector_load %arg15[%swap3A_403] {strides = array<i32>} : memref<128xf32, #tpu.memory_space<vmem>>, vector<16xf32>,
      tpu.vector_store %arg15[%swap3A_403], %add3A_402 {strides = array<i32>} : memref<128xf32, #tpu.memory_space<vmem>>, vector<16xf32>,
      %get3A_405 = arith.constant 112 : index
      %get3A_406 = tpu.vector_load %arg15[%get3A_405] {strides = array<i32>} : memref<128xf32, #tpu.memory_space<vmem>>, vector<16xf32>,
      %get3A_407 = arith.constant 112 : index
      %get3A_408 = tpu.vector_load %arg17[%get3A_407] {strides = array<i32>} : memref<128xf32, #tpu.memory_space<vmem>>, vector<16xf32>,
      %add3A_409 = arith.addf %get3A_406, %get3A_408 : vector<16xf32>
      %swap3A_410 = arith.constant 112 : index
      %swap3A_411 = tpu.vector_load %arg15[%swap3A_410] {strides = array<i32>} : memref<128xf32, #tpu.memory_space<vmem>>, vector<16xf32>,
      tpu.vector_store %arg15[%swap3A_410], %add3A_409 {strides = array<i32>} : memref<128xf32, #tpu.memory_space<vmem>>, vector<16xf32>,
      %add3A_412 = arith.constant 16384 : i32
      %add3A_413 = arith.addi %add3A_412, %mul3A_8 : i32
      "tpu.region"() ({
        %run_scoped3A = tpu.sem_alloc : memref<!tpu.dma_semaphore, #tpu.memory_space<semaphore_mem>>
        %dma_start3A = tpu.memref_slice %arg18[%add3A_413] : memref<32768xf32, #tpu.memory_space<vmem_shared>> -> memref<128xf32, #tpu.memory_space<vmem_shared>>
        %dma_start3A_932 = tpu.memref_slice %arg18[%add3A_413] : memref<32768xf32, #tpu.memory_space<vmem_shared>> -> memref<128xf32, #tpu.memory_space<vmem_shared>>
        tpu.enqueue_dma source(%dma_start3A_932 : memref<128xf32, #tpu.memory_space<vmem_shared>>) target(%arg17 : memref<128xf32, #tpu.memory_space<vmem>>) target_semaphore(%run_scoped3A : memref<!tpu.dma_semaphore, #tpu.memory_space<semaphore_mem>>)
        %dma_wait3A = tpu.memref_slice %arg18[%add3A_413] : memref<32768xf32, #tpu.memory_space<vmem_shared>> -> memref<128xf32, #tpu.memory_space<vmem_shared>>
        %dma_wait3A_933 = tpu.memref_slice %arg18[%add3A_413] : memref<32768xf32, #tpu.memory_space<vmem_shared>> -> memref<128xf32, #tpu.memory_space<vmem_shared>>
        tpu.wait_dma2 semaphore(%run_scoped3A : memref<!tpu.dma_semaphore, #tpu.memory_space<semaphore_mem>>) src(%dma_wait3A_933 : memref<128xf32, #tpu.memory_space<vmem_shared>>) dst(%arg17 : memref<128xf32, #tpu.memory_space<vmem>>)
        tpu.yield
      }) : () -> ()
      %get3A_414 = arith.constant 0 : index
      %get3A_415 = tpu.vector_load %arg15[%get3A_414] {strides = array<i32>} : memref<128xf32, #tpu.memory_space<vmem>>, vector<16xf32>,
      %get3A_416 = arith.constant 0 : index
      %get3A_417 = tpu.vector_load %arg17[%get3A_416] {strides = array<i32>} : memref<128xf32, #tpu.memory_space<vmem>>, vector<16xf32>,
      %add3A_418 = arith.addf %get3A_415, %get3A_417 : vector<16xf32>
      %swap3A_419 = arith.constant 0 : index
      %swap3A_420 = tpu.vector_load %arg15[%swap3A_419] {strides = array<i32>} : memref<128xf32, #tpu.memory_space<vmem>>, vector<16xf32>,
      tpu.vector_store %arg15[%swap3A_419], %add3A_418 {strides = array<i32>} : memref<128xf32, #tpu.memory_space<vmem>>, vector<16xf32>,
      %get3A_421 = arith.constant 16 : index
      %get3A_422 = tpu.vector_load %arg15[%get3A_421] {strides = array<i32>} : memref<128xf32, #tpu.memory_space<vmem>>, vector<16xf32>,
      %get3A_423 = arith.constant 16 : index
      %get3A_424 = tpu.vector_load %arg17[%get3A_423] {strides = array<i32>} : memref<128xf32, #tpu.memory_space<vmem>>, vector<16xf32>,
      %add3A_425 = arith.addf %get3A_422, %get3A_424 : vector<16xf32>
      %swap3A_426 = arith.constant 16 : index
      %swap3A_427 = tpu.vector_load %arg15[%swap3A_426] {strides = array<i32>} : memref<128xf32, #tpu.memory_space<vmem>>, vector<16xf32>,
      tpu.vector_store %arg15[%swap3A_426], %add3A_425 {strides = array<i32>} : memref<128xf32, #tpu.memory_space<vmem>>, vector<16xf32>,
      %get3A_428 = arith.constant 32 : index
      %get3A_429 = tpu.vector_load %arg15[%get3A_428] {strides = array<i32>} : memref<128xf32, #tpu.memory_space<vmem>>, vector<16xf32>,
      %get3A_430 = arith.constant 32 : index
      %get3A_431 = tpu.vector_load %arg17[%get3A_430] {strides = array<i32>} : memref<128xf32, #tpu.memory_space<vmem>>, vector<16xf32>,
      %add3A_432 = arith.addf %get3A_429, %get3A_431 : vector<16xf32>
      %swap3A_433 = arith.constant 32 : index
      %swap3A_434 = tpu.vector_load %arg15[%swap3A_433] {strides = array<i32>} : memref<128xf32, #tpu.memory_space<vmem>>, vector<16xf32>,
      tpu.vector_store %arg15[%swap3A_433], %add3A_432 {strides = array<i32>} : memref<128xf32, #tpu.memory_space<vmem>>, vector<16xf32>,
      %get3A_435 = arith.constant 48 : index
      %get3A_436 = tpu.vector_load %arg15[%get3A_435] {strides = array<i32>} : memref<128xf32, #tpu.memory_space<vmem>>, vector<16xf32>,
      %get3A_437 = arith.constant 48 : index
      %get3A_438 = tpu.vector_load %arg17[%get3A_437] {strides = array<i32>} : memref<128xf32, #tpu.memory_space<vmem>>, vector<16xf32>,
      %add3A_439 = arith.addf %get3A_436, %get3A_438 : vector<16xf32>
      %swap3A_440 = arith.constant 48 : index
      %swap3A_441 = tpu.vector_load %arg15[%swap3A_440] {strides = array<i32>} : memref<128xf32, #tpu.memory_space<vmem>>, vector<16xf32>,
      tpu.vector_store %arg15[%swap3A_440], %add3A_439 {strides = array<i32>} : memref<128xf32, #tpu.memory_space<vmem>>, vector<16xf32>,
      %get3A_442 = arith.constant 64 : index
      %get3A_443 = tpu.vector_load %arg15[%get3A_442] {strides = array<i32>} : memref<128xf32, #tpu.memory_space<vmem>>, vector<16xf32>,
      %get3A_444 = arith.constant 64 : index
      %get3A_445 = tpu.vector_load %arg17[%get3A_444] {strides = array<i32>} : memref<128xf32, #tpu.memory_space<vmem>>, vector<16xf32>,
      %add3A_446 = arith.addf %get3A_443, %get3A_445 : vector<16xf32>
      %swap3A_447 = arith.constant 64 : index
      %swap3A_448 = tpu.vector_load %arg15[%swap3A_447] {strides = array<i32>} : memref<128xf32, #tpu.memory_space<vmem>>, vector<16xf32>,
      tpu.vector_store %arg15[%swap3A_447], %add3A_446 {strides = array<i32>} : memref<128xf32, #tpu.memory_space<vmem>>, vector<16xf32>,
      %get3A_449 = arith.constant 80 : index
      %get3A_450 = tpu.vector_load %arg15[%get3A_449] {strides = array<i32>} : memref<128xf32, #tpu.memory_space<vmem>>, vector<16xf32>,
      %get3A_451 = arith.constant 80 : index
      %get3A_452 = tpu.vector_load %arg17[%get3A_451] {strides = array<i32>} : memref<128xf32, #tpu.memory_space<vmem>>, vector<16xf32>,
      %add3A_453 = arith.addf %get3A_450, %get3A_452 : vector<16xf32>
      %swap3A_454 = arith.constant 80 : index
      %swap3A_455 = tpu.vector_load %arg15[%swap3A_454] {strides = array<i32>} : memref<128xf32, #tpu.memory_space<vmem>>, vector<16xf32>,
      tpu.vector_store %arg15[%swap3A_454], %add3A_453 {strides = array<i32>} : memref<128xf32, #tpu.memory_space<vmem>>, vector<16xf32>,
      %get3A_456 = arith.constant 96 : index
      %get3A_457 = tpu.vector_load %arg15[%get3A_456] {strides = array<i32>} : memref<128xf32, #tpu.memory_space<vmem>>, vector<16xf32>,
      %get3A_458 = arith.constant 96 : index
      %get3A_459 = tpu.vector_load %arg17[%get3A_458] {strides = array<i32>} : memref<128xf32, #tpu.memory_space<vmem>>, vector<16xf32>,
      %add3A_460 = arith.addf %get3A_457, %get3A_459 : vector<16xf32>
      %swap3A_461 = arith.constant 96 : index
      %swap3A_462 = tpu.vector_load %arg15[%swap3A_461] {strides = array<i32>} : memref<128xf32, #tpu.memory_space<vmem>>, vector<16xf32>,
      tpu.vector_store %arg15[%swap3A_461], %add3A_460 {strides = array<i32>} : memref<128xf32, #tpu.memory_space<vmem>>, vector<16xf32>,
      %get3A_463 = arith.constant 112 : index
      %get3A_464 = tpu.vector_load %arg15[%get3A_463] {strides = array<i32>} : memref<128xf32, #tpu.memory_space<vmem>>, vector<16xf32>,
      %get3A_465 = arith.constant 112 : index
      %get3A_466 = tpu.vector_load %arg17[%get3A_465] {strides = array<i32>} : memref<128xf32, #tpu.memory_space<vmem>>, vector<16xf32>,
      %add3A_467 = arith.addf %get3A_464, %get3A_466 : vector<16xf32>
      %swap3A_468 = arith.constant 112 : index
      %swap3A_469 = tpu.vector_load %arg15[%swap3A_468] {strides = array<i32>} : memref<128xf32, #tpu.memory_space<vmem>>, vector<16xf32>,
      tpu.vector_store %arg15[%swap3A_468], %add3A_467 {strides = array<i32>} : memref<128xf32, #tpu.memory_space<vmem>>, vector<16xf32>,
      %add3A_470 = arith.constant 18432 : i32
      %add3A_471 = arith.addi %add3A_470, %mul3A_8 : i32
      "tpu.region"() ({
        %run_scoped3A = tpu.sem_alloc : memref<!tpu.dma_semaphore, #tpu.memory_space<semaphore_mem>>
        %dma_start3A = tpu.memref_slice %arg18[%add3A_471] : memref<32768xf32, #tpu.memory_space<vmem_shared>> -> memref<128xf32, #tpu.memory_space<vmem_shared>>
        %dma_start3A_932 = tpu.memref_slice %arg18[%add3A_471] : memref<32768xf32, #tpu.memory_space<vmem_shared>> -> memref<128xf32, #tpu.memory_space<vmem_shared>>
        tpu.enqueue_dma source(%dma_start3A_932 : memref<128xf32, #tpu.memory_space<vmem_shared>>) target(%arg17 : memref<128xf32, #tpu.memory_space<vmem>>) target_semaphore(%run_scoped3A : memref<!tpu.dma_semaphore, #tpu.memory_space<semaphore_mem>>)
        %dma_wait3A = tpu.memref_slice %arg18[%add3A_471] : memref<32768xf32, #tpu.memory_space<vmem_shared>> -> memref<128xf32, #tpu.memory_space<vmem_shared>>
        %dma_wait3A_933 = tpu.memref_slice %arg18[%add3A_471] : memref<32768xf32, #tpu.memory_space<vmem_shared>> -> memref<128xf32, #tpu.memory_space<vmem_shared>>
        tpu.wait_dma2 semaphore(%run_scoped3A : memref<!tpu.dma_semaphore, #tpu.memory_space<semaphore_mem>>) src(%dma_wait3A_933 : memref<128xf32, #tpu.memory_space<vmem_shared>>) dst(%arg17 : memref<128xf32, #tpu.memory_space<vmem>>)
        tpu.yield
      }) : () -> ()
      %get3A_472 = arith.constant 0 : index
      %get3A_473 = tpu.vector_load %arg15[%get3A_472] {strides = array<i32>} : memref<128xf32, #tpu.memory_space<vmem>>, vector<16xf32>,
      %get3A_474 = arith.constant 0 : index
      %get3A_475 = tpu.vector_load %arg17[%get3A_474] {strides = array<i32>} : memref<128xf32, #tpu.memory_space<vmem>>, vector<16xf32>,
      %add3A_476 = arith.addf %get3A_473, %get3A_475 : vector<16xf32>
      %swap3A_477 = arith.constant 0 : index
      %swap3A_478 = tpu.vector_load %arg15[%swap3A_477] {strides = array<i32>} : memref<128xf32, #tpu.memory_space<vmem>>, vector<16xf32>,
      tpu.vector_store %arg15[%swap3A_477], %add3A_476 {strides = array<i32>} : memref<128xf32, #tpu.memory_space<vmem>>, vector<16xf32>,
      %get3A_479 = arith.constant 16 : index
      %get3A_480 = tpu.vector_load %arg15[%get3A_479] {strides = array<i32>} : memref<128xf32, #tpu.memory_space<vmem>>, vector<16xf32>,
      %get3A_481 = arith.constant 16 : index
      %get3A_482 = tpu.vector_load %arg17[%get3A_481] {strides = array<i32>} : memref<128xf32, #tpu.memory_space<vmem>>, vector<16xf32>,
      %add3A_483 = arith.addf %get3A_480, %get3A_482 : vector<16xf32>
      %swap3A_484 = arith.constant 16 : index
      %swap3A_485 = tpu.vector_load %arg15[%swap3A_484] {strides = array<i32>} : memref<128xf32, #tpu.memory_space<vmem>>, vector<16xf32>,
      tpu.vector_store %arg15[%swap3A_484], %add3A_483 {strides = array<i32>} : memref<128xf32, #tpu.memory_space<vmem>>, vector<16xf32>,
      %get3A_486 = arith.constant 32 : index
      %get3A_487 = tpu.vector_load %arg15[%get3A_486] {strides = array<i32>} : memref<128xf32, #tpu.memory_space<vmem>>, vector<16xf32>,
      %get3A_488 = arith.constant 32 : index
      %get3A_489 = tpu.vector_load %arg17[%get3A_488] {strides = array<i32>} : memref<128xf32, #tpu.memory_space<vmem>>, vector<16xf32>,
      %add3A_490 = arith.addf %get3A_487, %get3A_489 : vector<16xf32>
      %swap3A_491 = arith.constant 32 : index
      %swap3A_492 = tpu.vector_load %arg15[%swap3A_491] {strides = array<i32>} : memref<128xf32, #tpu.memory_space<vmem>>, vector<16xf32>,
      tpu.vector_store %arg15[%swap3A_491], %add3A_490 {strides = array<i32>} : memref<128xf32, #tpu.memory_space<vmem>>, vector<16xf32>,
      %get3A_493 = arith.constant 48 : index
      %get3A_494 = tpu.vector_load %arg15[%get3A_493] {strides = array<i32>} : memref<128xf32, #tpu.memory_space<vmem>>, vector<16xf32>,
      %get3A_495 = arith.constant 48 : index
      %get3A_496 = tpu.vector_load %arg17[%get3A_495] {strides = array<i32>} : memref<128xf32, #tpu.memory_space<vmem>>, vector<16xf32>,
      %add3A_497 = arith.addf %get3A_494, %get3A_496 : vector<16xf32>
      %swap3A_498 = arith.constant 48 : index
      %swap3A_499 = tpu.vector_load %arg15[%swap3A_498] {strides = array<i32>} : memref<128xf32, #tpu.memory_space<vmem>>, vector<16xf32>,
      tpu.vector_store %arg15[%swap3A_498], %add3A_497 {strides = array<i32>} : memref<128xf32, #tpu.memory_space<vmem>>, vector<16xf32>,
      %get3A_500 = arith.constant 64 : index
      %get3A_501 = tpu.vector_load %arg15[%get3A_500] {strides = array<i32>} : memref<128xf32, #tpu.memory_space<vmem>>, vector<16xf32>,
      %get3A_502 = arith.constant 64 : index
      %get3A_503 = tpu.vector_load %arg17[%get3A_502] {strides = array<i32>} : memref<128xf32, #tpu.memory_space<vmem>>, vector<16xf32>,
      %add3A_504 = arith.addf %get3A_501, %get3A_503 : vector<16xf32>
      %swap3A_505 = arith.constant 64 : index
      %swap3A_506 = tpu.vector_load %arg15[%swap3A_505] {strides = array<i32>} : memref<128xf32, #tpu.memory_space<vmem>>, vector<16xf32>,
      tpu.vector_store %arg15[%swap3A_505], %add3A_504 {strides = array<i32>} : memref<128xf32, #tpu.memory_space<vmem>>, vector<16xf32>,
      %get3A_507 = arith.constant 80 : index
      %get3A_508 = tpu.vector_load %arg15[%get3A_507] {strides = array<i32>} : memref<128xf32, #tpu.memory_space<vmem>>, vector<16xf32>,
      %get3A_509 = arith.constant 80 : index
      %get3A_510 = tpu.vector_load %arg17[%get3A_509] {strides = array<i32>} : memref<128xf32, #tpu.memory_space<vmem>>, vector<16xf32>,
      %add3A_511 = arith.addf %get3A_508, %get3A_510 : vector<16xf32>
      %swap3A_512 = arith.constant 80 : index
      %swap3A_513 = tpu.vector_load %arg15[%swap3A_512] {strides = array<i32>} : memref<128xf32, #tpu.memory_space<vmem>>, vector<16xf32>,
      tpu.vector_store %arg15[%swap3A_512], %add3A_511 {strides = array<i32>} : memref<128xf32, #tpu.memory_space<vmem>>, vector<16xf32>,
      %get3A_514 = arith.constant 96 : index
      %get3A_515 = tpu.vector_load %arg15[%get3A_514] {strides = array<i32>} : memref<128xf32, #tpu.memory_space<vmem>>, vector<16xf32>,
      %get3A_516 = arith.constant 96 : index
      %get3A_517 = tpu.vector_load %arg17[%get3A_516] {strides = array<i32>} : memref<128xf32, #tpu.memory_space<vmem>>, vector<16xf32>,
      %add3A_518 = arith.addf %get3A_515, %get3A_517 : vector<16xf32>
      %swap3A_519 = arith.constant 96 : index
      %swap3A_520 = tpu.vector_load %arg15[%swap3A_519] {strides = array<i32>} : memref<128xf32, #tpu.memory_space<vmem>>, vector<16xf32>,
      tpu.vector_store %arg15[%swap3A_519], %add3A_518 {strides = array<i32>} : memref<128xf32, #tpu.memory_space<vmem>>, vector<16xf32>,
      %get3A_521 = arith.constant 112 : index
      %get3A_522 = tpu.vector_load %arg15[%get3A_521] {strides = array<i32>} : memref<128xf32, #tpu.memory_space<vmem>>, vector<16xf32>,
      %get3A_523 = arith.constant 112 : index
      %get3A_524 = tpu.vector_load %arg17[%get3A_523] {strides = array<i32>} : memref<128xf32, #tpu.memory_space<vmem>>, vector<16xf32>,
      %add3A_525 = arith.addf %get3A_522, %get3A_524 : vector<16xf32>
      %swap3A_526 = arith.constant 112 : index
      %swap3A_527 = tpu.vector_load %arg15[%swap3A_526] {strides = array<i32>} : memref<128xf32, #tpu.memory_space<vmem>>, vector<16xf32>,
      tpu.vector_store %arg15[%swap3A_526], %add3A_525 {strides = array<i32>} : memref<128xf32, #tpu.memory_space<vmem>>, vector<16xf32>,
      %add3A_528 = arith.constant 20480 : i32
      %add3A_529 = arith.addi %add3A_528, %mul3A_8 : i32
      "tpu.region"() ({
        %run_scoped3A = tpu.sem_alloc : memref<!tpu.dma_semaphore, #tpu.memory_space<semaphore_mem>>
        %dma_start3A = tpu.memref_slice %arg18[%add3A_529] : memref<32768xf32, #tpu.memory_space<vmem_shared>> -> memref<128xf32, #tpu.memory_space<vmem_shared>>
        %dma_start3A_932 = tpu.memref_slice %arg18[%add3A_529] : memref<32768xf32, #tpu.memory_space<vmem_shared>> -> memref<128xf32, #tpu.memory_space<vmem_shared>>
        tpu.enqueue_dma source(%dma_start3A_932 : memref<128xf32, #tpu.memory_space<vmem_shared>>) target(%arg17 : memref<128xf32, #tpu.memory_space<vmem>>) target_semaphore(%run_scoped3A : memref<!tpu.dma_semaphore, #tpu.memory_space<semaphore_mem>>)
        %dma_wait3A = tpu.memref_slice %arg18[%add3A_529] : memref<32768xf32, #tpu.memory_space<vmem_shared>> -> memref<128xf32, #tpu.memory_space<vmem_shared>>
        %dma_wait3A_933 = tpu.memref_slice %arg18[%add3A_529] : memref<32768xf32, #tpu.memory_space<vmem_shared>> -> memref<128xf32, #tpu.memory_space<vmem_shared>>
        tpu.wait_dma2 semaphore(%run_scoped3A : memref<!tpu.dma_semaphore, #tpu.memory_space<semaphore_mem>>) src(%dma_wait3A_933 : memref<128xf32, #tpu.memory_space<vmem_shared>>) dst(%arg17 : memref<128xf32, #tpu.memory_space<vmem>>)
        tpu.yield
      }) : () -> ()
      %get3A_530 = arith.constant 0 : index
      %get3A_531 = tpu.vector_load %arg15[%get3A_530] {strides = array<i32>} : memref<128xf32, #tpu.memory_space<vmem>>, vector<16xf32>,
      %get3A_532 = arith.constant 0 : index
      %get3A_533 = tpu.vector_load %arg17[%get3A_532] {strides = array<i32>} : memref<128xf32, #tpu.memory_space<vmem>>, vector<16xf32>,
      %add3A_534 = arith.addf %get3A_531, %get3A_533 : vector<16xf32>
      %swap3A_535 = arith.constant 0 : index
      %swap3A_536 = tpu.vector_load %arg15[%swap3A_535] {strides = array<i32>} : memref<128xf32, #tpu.memory_space<vmem>>, vector<16xf32>,
      tpu.vector_store %arg15[%swap3A_535], %add3A_534 {strides = array<i32>} : memref<128xf32, #tpu.memory_space<vmem>>, vector<16xf32>,
      %get3A_537 = arith.constant 16 : index
      %get3A_538 = tpu.vector_load %arg15[%get3A_537] {strides = array<i32>} : memref<128xf32, #tpu.memory_space<vmem>>, vector<16xf32>,
      %get3A_539 = arith.constant 16 : index
      %get3A_540 = tpu.vector_load %arg17[%get3A_539] {strides = array<i32>} : memref<128xf32, #tpu.memory_space<vmem>>, vector<16xf32>,
      %add3A_541 = arith.addf %get3A_538, %get3A_540 : vector<16xf32>
      %swap3A_542 = arith.constant 16 : index
      %swap3A_543 = tpu.vector_load %arg15[%swap3A_542] {strides = array<i32>} : memref<128xf32, #tpu.memory_space<vmem>>, vector<16xf32>,
      tpu.vector_store %arg15[%swap3A_542], %add3A_541 {strides = array<i32>} : memref<128xf32, #tpu.memory_space<vmem>>, vector<16xf32>,
      %get3A_544 = arith.constant 32 : index
      %get3A_545 = tpu.vector_load %arg15[%get3A_544] {strides = array<i32>} : memref<128xf32, #tpu.memory_space<vmem>>, vector<16xf32>,
      %get3A_546 = arith.constant 32 : index
      %get3A_547 = tpu.vector_load %arg17[%get3A_546] {strides = array<i32>} : memref<128xf32, #tpu.memory_space<vmem>>, vector<16xf32>,
      %add3A_548 = arith.addf %get3A_545, %get3A_547 : vector<16xf32>
      %swap3A_549 = arith.constant 32 : index
      %swap3A_550 = tpu.vector_load %arg15[%swap3A_549] {strides = array<i32>} : memref<128xf32, #tpu.memory_space<vmem>>, vector<16xf32>,
      tpu.vector_store %arg15[%swap3A_549], %add3A_548 {strides = array<i32>} : memref<128xf32, #tpu.memory_space<vmem>>, vector<16xf32>,
      %get3A_551 = arith.constant 48 : index
      %get3A_552 = tpu.vector_load %arg15[%get3A_551] {strides = array<i32>} : memref<128xf32, #tpu.memory_space<vmem>>, vector<16xf32>,
      %get3A_553 = arith.constant 48 : index
      %get3A_554 = tpu.vector_load %arg17[%get3A_553] {strides = array<i32>} : memref<128xf32, #tpu.memory_space<vmem>>, vector<16xf32>,
      %add3A_555 = arith.addf %get3A_552, %get3A_554 : vector<16xf32>
      %swap3A_556 = arith.constant 48 : index
      %swap3A_557 = tpu.vector_load %arg15[%swap3A_556] {strides = array<i32>} : memref<128xf32, #tpu.memory_space<vmem>>, vector<16xf32>,
      tpu.vector_store %arg15[%swap3A_556], %add3A_555 {strides = array<i32>} : memref<128xf32, #tpu.memory_space<vmem>>, vector<16xf32>,
      %get3A_558 = arith.constant 64 : index
      %get3A_559 = tpu.vector_load %arg15[%get3A_558] {strides = array<i32>} : memref<128xf32, #tpu.memory_space<vmem>>, vector<16xf32>,
      %get3A_560 = arith.constant 64 : index
      %get3A_561 = tpu.vector_load %arg17[%get3A_560] {strides = array<i32>} : memref<128xf32, #tpu.memory_space<vmem>>, vector<16xf32>,
      %add3A_562 = arith.addf %get3A_559, %get3A_561 : vector<16xf32>
      %swap3A_563 = arith.constant 64 : index
      %swap3A_564 = tpu.vector_load %arg15[%swap3A_563] {strides = array<i32>} : memref<128xf32, #tpu.memory_space<vmem>>, vector<16xf32>,
      tpu.vector_store %arg15[%swap3A_563], %add3A_562 {strides = array<i32>} : memref<128xf32, #tpu.memory_space<vmem>>, vector<16xf32>,
      %get3A_565 = arith.constant 80 : index
      %get3A_566 = tpu.vector_load %arg15[%get3A_565] {strides = array<i32>} : memref<128xf32, #tpu.memory_space<vmem>>, vector<16xf32>,
      %get3A_567 = arith.constant 80 : index
      %get3A_568 = tpu.vector_load %arg17[%get3A_567] {strides = array<i32>} : memref<128xf32, #tpu.memory_space<vmem>>, vector<16xf32>,
      %add3A_569 = arith.addf %get3A_566, %get3A_568 : vector<16xf32>
      %swap3A_570 = arith.constant 80 : index
      %swap3A_571 = tpu.vector_load %arg15[%swap3A_570] {strides = array<i32>} : memref<128xf32, #tpu.memory_space<vmem>>, vector<16xf32>,
      tpu.vector_store %arg15[%swap3A_570], %add3A_569 {strides = array<i32>} : memref<128xf32, #tpu.memory_space<vmem>>, vector<16xf32>,
      %get3A_572 = arith.constant 96 : index
      %get3A_573 = tpu.vector_load %arg15[%get3A_572] {strides = array<i32>} : memref<128xf32, #tpu.memory_space<vmem>>, vector<16xf32>,
      %get3A_574 = arith.constant 96 : index
      %get3A_575 = tpu.vector_load %arg17[%get3A_574] {strides = array<i32>} : memref<128xf32, #tpu.memory_space<vmem>>, vector<16xf32>,
      %add3A_576 = arith.addf %get3A_573, %get3A_575 : vector<16xf32>
      %swap3A_577 = arith.constant 96 : index
      %swap3A_578 = tpu.vector_load %arg15[%swap3A_577] {strides = array<i32>} : memref<128xf32, #tpu.memory_space<vmem>>, vector<16xf32>,
      tpu.vector_store %arg15[%swap3A_577], %add3A_576 {strides = array<i32>} : memref<128xf32, #tpu.memory_space<vmem>>, vector<16xf32>,
      %get3A_579 = arith.constant 112 : index
      %get3A_580 = tpu.vector_load %arg15[%get3A_579] {strides = array<i32>} : memref<128xf32, #tpu.memory_space<vmem>>, vector<16xf32>,
      %get3A_581 = arith.constant 112 : index
      %get3A_582 = tpu.vector_load %arg17[%get3A_581] {strides = array<i32>} : memref<128xf32, #tpu.memory_space<vmem>>, vector<16xf32>,
      %add3A_583 = arith.addf %get3A_580, %get3A_582 : vector<16xf32>
      %swap3A_584 = arith.constant 112 : index
      %swap3A_585 = tpu.vector_load %arg15[%swap3A_584] {strides = array<i32>} : memref<128xf32, #tpu.memory_space<vmem>>, vector<16xf32>,
      tpu.vector_store %arg15[%swap3A_584], %add3A_583 {strides = array<i32>} : memref<128xf32, #tpu.memory_space<vmem>>, vector<16xf32>,
      %add3A_586 = arith.constant 22528 : i32
      %add3A_587 = arith.addi %add3A_586, %mul3A_8 : i32
      "tpu.region"() ({
        %run_scoped3A = tpu.sem_alloc : memref<!tpu.dma_semaphore, #tpu.memory_space<semaphore_mem>>
        %dma_start3A = tpu.memref_slice %arg18[%add3A_587] : memref<32768xf32, #tpu.memory_space<vmem_shared>> -> memref<128xf32, #tpu.memory_space<vmem_shared>>
        %dma_start3A_932 = tpu.memref_slice %arg18[%add3A_587] : memref<32768xf32, #tpu.memory_space<vmem_shared>> -> memref<128xf32, #tpu.memory_space<vmem_shared>>
        tpu.enqueue_dma source(%dma_start3A_932 : memref<128xf32, #tpu.memory_space<vmem_shared>>) target(%arg17 : memref<128xf32, #tpu.memory_space<vmem>>) target_semaphore(%run_scoped3A : memref<!tpu.dma_semaphore, #tpu.memory_space<semaphore_mem>>)
        %dma_wait3A = tpu.memref_slice %arg18[%add3A_587] : memref<32768xf32, #tpu.memory_space<vmem_shared>> -> memref<128xf32, #tpu.memory_space<vmem_shared>>
        %dma_wait3A_933 = tpu.memref_slice %arg18[%add3A_587] : memref<32768xf32, #tpu.memory_space<vmem_shared>> -> memref<128xf32, #tpu.memory_space<vmem_shared>>
        tpu.wait_dma2 semaphore(%run_scoped3A : memref<!tpu.dma_semaphore, #tpu.memory_space<semaphore_mem>>) src(%dma_wait3A_933 : memref<128xf32, #tpu.memory_space<vmem_shared>>) dst(%arg17 : memref<128xf32, #tpu.memory_space<vmem>>)
        tpu.yield
      }) : () -> ()
      %get3A_588 = arith.constant 0 : index
      %get3A_589 = tpu.vector_load %arg15[%get3A_588] {strides = array<i32>} : memref<128xf32, #tpu.memory_space<vmem>>, vector<16xf32>,
      %get3A_590 = arith.constant 0 : index
      %get3A_591 = tpu.vector_load %arg17[%get3A_590] {strides = array<i32>} : memref<128xf32, #tpu.memory_space<vmem>>, vector<16xf32>,
      %add3A_592 = arith.addf %get3A_589, %get3A_591 : vector<16xf32>
      %swap3A_593 = arith.constant 0 : index
      %swap3A_594 = tpu.vector_load %arg15[%swap3A_593] {strides = array<i32>} : memref<128xf32, #tpu.memory_space<vmem>>, vector<16xf32>,
      tpu.vector_store %arg15[%swap3A_593], %add3A_592 {strides = array<i32>} : memref<128xf32, #tpu.memory_space<vmem>>, vector<16xf32>,
      %get3A_595 = arith.constant 16 : index
      %get3A_596 = tpu.vector_load %arg15[%get3A_595] {strides = array<i32>} : memref<128xf32, #tpu.memory_space<vmem>>, vector<16xf32>,
      %get3A_597 = arith.constant 16 : index
      %get3A_598 = tpu.vector_load %arg17[%get3A_597] {strides = array<i32>} : memref<128xf32, #tpu.memory_space<vmem>>, vector<16xf32>,
      %add3A_599 = arith.addf %get3A_596, %get3A_598 : vector<16xf32>
      %swap3A_600 = arith.constant 16 : index
      %swap3A_601 = tpu.vector_load %arg15[%swap3A_600] {strides = array<i32>} : memref<128xf32, #tpu.memory_space<vmem>>, vector<16xf32>,
      tpu.vector_store %arg15[%swap3A_600], %add3A_599 {strides = array<i32>} : memref<128xf32, #tpu.memory_space<vmem>>, vector<16xf32>,
      %get3A_602 = arith.constant 32 : index
      %get3A_603 = tpu.vector_load %arg15[%get3A_602] {strides = array<i32>} : memref<128xf32, #tpu.memory_space<vmem>>, vector<16xf32>,
      %get3A_604 = arith.constant 32 : index
      %get3A_605 = tpu.vector_load %arg17[%get3A_604] {strides = array<i32>} : memref<128xf32, #tpu.memory_space<vmem>>, vector<16xf32>,
      %add3A_606 = arith.addf %get3A_603, %get3A_605 : vector<16xf32>
      %swap3A_607 = arith.constant 32 : index
      %swap3A_608 = tpu.vector_load %arg15[%swap3A_607] {strides = array<i32>} : memref<128xf32, #tpu.memory_space<vmem>>, vector<16xf32>,
      tpu.vector_store %arg15[%swap3A_607], %add3A_606 {strides = array<i32>} : memref<128xf32, #tpu.memory_space<vmem>>, vector<16xf32>,
      %get3A_609 = arith.constant 48 : index
      %get3A_610 = tpu.vector_load %arg15[%get3A_609] {strides = array<i32>} : memref<128xf32, #tpu.memory_space<vmem>>, vector<16xf32>,
      %get3A_611 = arith.constant 48 : index
      %get3A_612 = tpu.vector_load %arg17[%get3A_611] {strides = array<i32>} : memref<128xf32, #tpu.memory_space<vmem>>, vector<16xf32>,
      %add3A_613 = arith.addf %get3A_610, %get3A_612 : vector<16xf32>
      %swap3A_614 = arith.constant 48 : index
      %swap3A_615 = tpu.vector_load %arg15[%swap3A_614] {strides = array<i32>} : memref<128xf32, #tpu.memory_space<vmem>>, vector<16xf32>,
      tpu.vector_store %arg15[%swap3A_614], %add3A_613 {strides = array<i32>} : memref<128xf32, #tpu.memory_space<vmem>>, vector<16xf32>,
      %get3A_616 = arith.constant 64 : index
      %get3A_617 = tpu.vector_load %arg15[%get3A_616] {strides = array<i32>} : memref<128xf32, #tpu.memory_space<vmem>>, vector<16xf32>,
      %get3A_618 = arith.constant 64 : index
      %get3A_619 = tpu.vector_load %arg17[%get3A_618] {strides = array<i32>} : memref<128xf32, #tpu.memory_space<vmem>>, vector<16xf32>,
      %add3A_620 = arith.addf %get3A_617, %get3A_619 : vector<16xf32>
      %swap3A_621 = arith.constant 64 : index
      %swap3A_622 = tpu.vector_load %arg15[%swap3A_621] {strides = array<i32>} : memref<128xf32, #tpu.memory_space<vmem>>, vector<16xf32>,
      tpu.vector_store %arg15[%swap3A_621], %add3A_620 {strides = array<i32>} : memref<128xf32, #tpu.memory_space<vmem>>, vector<16xf32>,
      %get3A_623 = arith.constant 80 : index
      %get3A_624 = tpu.vector_load %arg15[%get3A_623] {strides = array<i32>} : memref<128xf32, #tpu.memory_space<vmem>>, vector<16xf32>,
      %get3A_625 = arith.constant 80 : index
      %get3A_626 = tpu.vector_load %arg17[%get3A_625] {strides = array<i32>} : memref<128xf32, #tpu.memory_space<vmem>>, vector<16xf32>,
      %add3A_627 = arith.addf %get3A_624, %get3A_626 : vector<16xf32>
      %swap3A_628 = arith.constant 80 : index
      %swap3A_629 = tpu.vector_load %arg15[%swap3A_628] {strides = array<i32>} : memref<128xf32, #tpu.memory_space<vmem>>, vector<16xf32>,
      tpu.vector_store %arg15[%swap3A_628], %add3A_627 {strides = array<i32>} : memref<128xf32, #tpu.memory_space<vmem>>, vector<16xf32>,
      %get3A_630 = arith.constant 96 : index
      %get3A_631 = tpu.vector_load %arg15[%get3A_630] {strides = array<i32>} : memref<128xf32, #tpu.memory_space<vmem>>, vector<16xf32>,
      %get3A_632 = arith.constant 96 : index
      %get3A_633 = tpu.vector_load %arg17[%get3A_632] {strides = array<i32>} : memref<128xf32, #tpu.memory_space<vmem>>, vector<16xf32>,
      %add3A_634 = arith.addf %get3A_631, %get3A_633 : vector<16xf32>
      %swap3A_635 = arith.constant 96 : index
      %swap3A_636 = tpu.vector_load %arg15[%swap3A_635] {strides = array<i32>} : memref<128xf32, #tpu.memory_space<vmem>>, vector<16xf32>,
      tpu.vector_store %arg15[%swap3A_635], %add3A_634 {strides = array<i32>} : memref<128xf32, #tpu.memory_space<vmem>>, vector<16xf32>,
      %get3A_637 = arith.constant 112 : index
      %get3A_638 = tpu.vector_load %arg15[%get3A_637] {strides = array<i32>} : memref<128xf32, #tpu.memory_space<vmem>>, vector<16xf32>,
      %get3A_639 = arith.constant 112 : index
      %get3A_640 = tpu.vector_load %arg17[%get3A_639] {strides = array<i32>} : memref<128xf32, #tpu.memory_space<vmem>>, vector<16xf32>,
      %add3A_641 = arith.addf %get3A_638, %get3A_640 : vector<16xf32>
      %swap3A_642 = arith.constant 112 : index
      %swap3A_643 = tpu.vector_load %arg15[%swap3A_642] {strides = array<i32>} : memref<128xf32, #tpu.memory_space<vmem>>, vector<16xf32>,
      tpu.vector_store %arg15[%swap3A_642], %add3A_641 {strides = array<i32>} : memref<128xf32, #tpu.memory_space<vmem>>, vector<16xf32>,
      %add3A_644 = arith.constant 24576 : i32
      %add3A_645 = arith.addi %add3A_644, %mul3A_8 : i32
      "tpu.region"() ({
        %run_scoped3A = tpu.sem_alloc : memref<!tpu.dma_semaphore, #tpu.memory_space<semaphore_mem>>
        %dma_start3A = tpu.memref_slice %arg18[%add3A_645] : memref<32768xf32, #tpu.memory_space<vmem_shared>> -> memref<128xf32, #tpu.memory_space<vmem_shared>>
        %dma_start3A_932 = tpu.memref_slice %arg18[%add3A_645] : memref<32768xf32, #tpu.memory_space<vmem_shared>> -> memref<128xf32, #tpu.memory_space<vmem_shared>>
        tpu.enqueue_dma source(%dma_start3A_932 : memref<128xf32, #tpu.memory_space<vmem_shared>>) target(%arg17 : memref<128xf32, #tpu.memory_space<vmem>>) target_semaphore(%run_scoped3A : memref<!tpu.dma_semaphore, #tpu.memory_space<semaphore_mem>>)
        %dma_wait3A = tpu.memref_slice %arg18[%add3A_645] : memref<32768xf32, #tpu.memory_space<vmem_shared>> -> memref<128xf32, #tpu.memory_space<vmem_shared>>
        %dma_wait3A_933 = tpu.memref_slice %arg18[%add3A_645] : memref<32768xf32, #tpu.memory_space<vmem_shared>> -> memref<128xf32, #tpu.memory_space<vmem_shared>>
        tpu.wait_dma2 semaphore(%run_scoped3A : memref<!tpu.dma_semaphore, #tpu.memory_space<semaphore_mem>>) src(%dma_wait3A_933 : memref<128xf32, #tpu.memory_space<vmem_shared>>) dst(%arg17 : memref<128xf32, #tpu.memory_space<vmem>>)
        tpu.yield
      }) : () -> ()
      %get3A_646 = arith.constant 0 : index
      %get3A_647 = tpu.vector_load %arg15[%get3A_646] {strides = array<i32>} : memref<128xf32, #tpu.memory_space<vmem>>, vector<16xf32>,
      %get3A_648 = arith.constant 0 : index
      %get3A_649 = tpu.vector_load %arg17[%get3A_648] {strides = array<i32>} : memref<128xf32, #tpu.memory_space<vmem>>, vector<16xf32>,
      %add3A_650 = arith.addf %get3A_647, %get3A_649 : vector<16xf32>
      %swap3A_651 = arith.constant 0 : index
      %swap3A_652 = tpu.vector_load %arg15[%swap3A_651] {strides = array<i32>} : memref<128xf32, #tpu.memory_space<vmem>>, vector<16xf32>,
      tpu.vector_store %arg15[%swap3A_651], %add3A_650 {strides = array<i32>} : memref<128xf32, #tpu.memory_space<vmem>>, vector<16xf32>,
      %get3A_653 = arith.constant 16 : index
      %get3A_654 = tpu.vector_load %arg15[%get3A_653] {strides = array<i32>} : memref<128xf32, #tpu.memory_space<vmem>>, vector<16xf32>,
      %get3A_655 = arith.constant 16 : index
      %get3A_656 = tpu.vector_load %arg17[%get3A_655] {strides = array<i32>} : memref<128xf32, #tpu.memory_space<vmem>>, vector<16xf32>,
      %add3A_657 = arith.addf %get3A_654, %get3A_656 : vector<16xf32>
      %swap3A_658 = arith.constant 16 : index
      %swap3A_659 = tpu.vector_load %arg15[%swap3A_658] {strides = array<i32>} : memref<128xf32, #tpu.memory_space<vmem>>, vector<16xf32>,
      tpu.vector_store %arg15[%swap3A_658], %add3A_657 {strides = array<i32>} : memref<128xf32, #tpu.memory_space<vmem>>, vector<16xf32>,
      %get3A_660 = arith.constant 32 : index
      %get3A_661 = tpu.vector_load %arg15[%get3A_660] {strides = array<i32>} : memref<128xf32, #tpu.memory_space<vmem>>, vector<16xf32>,
      %get3A_662 = arith.constant 32 : index
      %get3A_663 = tpu.vector_load %arg17[%get3A_662] {strides = array<i32>} : memref<128xf32, #tpu.memory_space<vmem>>, vector<16xf32>,
      %add3A_664 = arith.addf %get3A_661, %get3A_663 : vector<16xf32>
      %swap3A_665 = arith.constant 32 : index
      %swap3A_666 = tpu.vector_load %arg15[%swap3A_665] {strides = array<i32>} : memref<128xf32, #tpu.memory_space<vmem>>, vector<16xf32>,
      tpu.vector_store %arg15[%swap3A_665], %add3A_664 {strides = array<i32>} : memref<128xf32, #tpu.memory_space<vmem>>, vector<16xf32>,
      %get3A_667 = arith.constant 48 : index
      %get3A_668 = tpu.vector_load %arg15[%get3A_667] {strides = array<i32>} : memref<128xf32, #tpu.memory_space<vmem>>, vector<16xf32>,
      %get3A_669 = arith.constant 48 : index
      %get3A_670 = tpu.vector_load %arg17[%get3A_669] {strides = array<i32>} : memref<128xf32, #tpu.memory_space<vmem>>, vector<16xf32>,
      %add3A_671 = arith.addf %get3A_668, %get3A_670 : vector<16xf32>
      %swap3A_672 = arith.constant 48 : index
      %swap3A_673 = tpu.vector_load %arg15[%swap3A_672] {strides = array<i32>} : memref<128xf32, #tpu.memory_space<vmem>>, vector<16xf32>,
      tpu.vector_store %arg15[%swap3A_672], %add3A_671 {strides = array<i32>} : memref<128xf32, #tpu.memory_space<vmem>>, vector<16xf32>,
      %get3A_674 = arith.constant 64 : index
      %get3A_675 = tpu.vector_load %arg15[%get3A_674] {strides = array<i32>} : memref<128xf32, #tpu.memory_space<vmem>>, vector<16xf32>,
      %get3A_676 = arith.constant 64 : index
      %get3A_677 = tpu.vector_load %arg17[%get3A_676] {strides = array<i32>} : memref<128xf32, #tpu.memory_space<vmem>>, vector<16xf32>,
      %add3A_678 = arith.addf %get3A_675, %get3A_677 : vector<16xf32>
      %swap3A_679 = arith.constant 64 : index
      %swap3A_680 = tpu.vector_load %arg15[%swap3A_679] {strides = array<i32>} : memref<128xf32, #tpu.memory_space<vmem>>, vector<16xf32>,
      tpu.vector_store %arg15[%swap3A_679], %add3A_678 {strides = array<i32>} : memref<128xf32, #tpu.memory_space<vmem>>, vector<16xf32>,
      %get3A_681 = arith.constant 80 : index
      %get3A_682 = tpu.vector_load %arg15[%get3A_681] {strides = array<i32>} : memref<128xf32, #tpu.memory_space<vmem>>, vector<16xf32>,
      %get3A_683 = arith.constant 80 : index
      %get3A_684 = tpu.vector_load %arg17[%get3A_683] {strides = array<i32>} : memref<128xf32, #tpu.memory_space<vmem>>, vector<16xf32>,
      %add3A_685 = arith.addf %get3A_682, %get3A_684 : vector<16xf32>
      %swap3A_686 = arith.constant 80 : index
      %swap3A_687 = tpu.vector_load %arg15[%swap3A_686] {strides = array<i32>} : memref<128xf32, #tpu.memory_space<vmem>>, vector<16xf32>,
      tpu.vector_store %arg15[%swap3A_686], %add3A_685 {strides = array<i32>} : memref<128xf32, #tpu.memory_space<vmem>>, vector<16xf32>,
      %get3A_688 = arith.constant 96 : index
      %get3A_689 = tpu.vector_load %arg15[%get3A_688] {strides = array<i32>} : memref<128xf32, #tpu.memory_space<vmem>>, vector<16xf32>,
      %get3A_690 = arith.constant 96 : index
      %get3A_691 = tpu.vector_load %arg17[%get3A_690] {strides = array<i32>} : memref<128xf32, #tpu.memory_space<vmem>>, vector<16xf32>,
      %add3A_692 = arith.addf %get3A_689, %get3A_691 : vector<16xf32>
      %swap3A_693 = arith.constant 96 : index
      %swap3A_694 = tpu.vector_load %arg15[%swap3A_693] {strides = array<i32>} : memref<128xf32, #tpu.memory_space<vmem>>, vector<16xf32>,
      tpu.vector_store %arg15[%swap3A_693], %add3A_692 {strides = array<i32>} : memref<128xf32, #tpu.memory_space<vmem>>, vector<16xf32>,
      %get3A_695 = arith.constant 112 : index
      %get3A_696 = tpu.vector_load %arg15[%get3A_695] {strides = array<i32>} : memref<128xf32, #tpu.memory_space<vmem>>, vector<16xf32>,
      %get3A_697 = arith.constant 112 : index
      %get3A_698 = tpu.vector_load %arg17[%get3A_697] {strides = array<i32>} : memref<128xf32, #tpu.memory_space<vmem>>, vector<16xf32>,
      %add3A_699 = arith.addf %get3A_696, %get3A_698 : vector<16xf32>
      %swap3A_700 = arith.constant 112 : index
      %swap3A_701 = tpu.vector_load %arg15[%swap3A_700] {strides = array<i32>} : memref<128xf32, #tpu.memory_space<vmem>>, vector<16xf32>,
      tpu.vector_store %arg15[%swap3A_700], %add3A_699 {strides = array<i32>} : memref<128xf32, #tpu.memory_space<vmem>>, vector<16xf32>,
      %add3A_702 = arith.constant 26624 : i32
      %add3A_703 = arith.addi %add3A_702, %mul3A_8 : i32
      "tpu.region"() ({
        %run_scoped3A = tpu.sem_alloc : memref<!tpu.dma_semaphore, #tpu.memory_space<semaphore_mem>>
        %dma_start3A = tpu.memref_slice %arg18[%add3A_703] : memref<32768xf32, #tpu.memory_space<vmem_shared>> -> memref<128xf32, #tpu.memory_space<vmem_shared>>
        %dma_start3A_932 = tpu.memref_slice %arg18[%add3A_703] : memref<32768xf32, #tpu.memory_space<vmem_shared>> -> memref<128xf32, #tpu.memory_space<vmem_shared>>
        tpu.enqueue_dma source(%dma_start3A_932 : memref<128xf32, #tpu.memory_space<vmem_shared>>) target(%arg17 : memref<128xf32, #tpu.memory_space<vmem>>) target_semaphore(%run_scoped3A : memref<!tpu.dma_semaphore, #tpu.memory_space<semaphore_mem>>)
        %dma_wait3A = tpu.memref_slice %arg18[%add3A_703] : memref<32768xf32, #tpu.memory_space<vmem_shared>> -> memref<128xf32, #tpu.memory_space<vmem_shared>>
        %dma_wait3A_933 = tpu.memref_slice %arg18[%add3A_703] : memref<32768xf32, #tpu.memory_space<vmem_shared>> -> memref<128xf32, #tpu.memory_space<vmem_shared>>
        tpu.wait_dma2 semaphore(%run_scoped3A : memref<!tpu.dma_semaphore, #tpu.memory_space<semaphore_mem>>) src(%dma_wait3A_933 : memref<128xf32, #tpu.memory_space<vmem_shared>>) dst(%arg17 : memref<128xf32, #tpu.memory_space<vmem>>)
        tpu.yield
      }) : () -> ()
      %get3A_704 = arith.constant 0 : index
      %get3A_705 = tpu.vector_load %arg15[%get3A_704] {strides = array<i32>} : memref<128xf32, #tpu.memory_space<vmem>>, vector<16xf32>,
      %get3A_706 = arith.constant 0 : index
      %get3A_707 = tpu.vector_load %arg17[%get3A_706] {strides = array<i32>} : memref<128xf32, #tpu.memory_space<vmem>>, vector<16xf32>,
      %add3A_708 = arith.addf %get3A_705, %get3A_707 : vector<16xf32>
      %swap3A_709 = arith.constant 0 : index
      %swap3A_710 = tpu.vector_load %arg15[%swap3A_709] {strides = array<i32>} : memref<128xf32, #tpu.memory_space<vmem>>, vector<16xf32>,
      tpu.vector_store %arg15[%swap3A_709], %add3A_708 {strides = array<i32>} : memref<128xf32, #tpu.memory_space<vmem>>, vector<16xf32>,
      %get3A_711 = arith.constant 16 : index
      %get3A_712 = tpu.vector_load %arg15[%get3A_711] {strides = array<i32>} : memref<128xf32, #tpu.memory_space<vmem>>, vector<16xf32>,
      %get3A_713 = arith.constant 16 : index
      %get3A_714 = tpu.vector_load %arg17[%get3A_713] {strides = array<i32>} : memref<128xf32, #tpu.memory_space<vmem>>, vector<16xf32>,
      %add3A_715 = arith.addf %get3A_712, %get3A_714 : vector<16xf32>
      %swap3A_716 = arith.constant 16 : index
      %swap3A_717 = tpu.vector_load %arg15[%swap3A_716] {strides = array<i32>} : memref<128xf32, #tpu.memory_space<vmem>>, vector<16xf32>,
      tpu.vector_store %arg15[%swap3A_716], %add3A_715 {strides = array<i32>} : memref<128xf32, #tpu.memory_space<vmem>>, vector<16xf32>,
      %get3A_718 = arith.constant 32 : index
      %get3A_719 = tpu.vector_load %arg15[%get3A_718] {strides = array<i32>} : memref<128xf32, #tpu.memory_space<vmem>>, vector<16xf32>,
      %get3A_720 = arith.constant 32 : index
      %get3A_721 = tpu.vector_load %arg17[%get3A_720] {strides = array<i32>} : memref<128xf32, #tpu.memory_space<vmem>>, vector<16xf32>,
      %add3A_722 = arith.addf %get3A_719, %get3A_721 : vector<16xf32>
      %swap3A_723 = arith.constant 32 : index
      %swap3A_724 = tpu.vector_load %arg15[%swap3A_723] {strides = array<i32>} : memref<128xf32, #tpu.memory_space<vmem>>, vector<16xf32>,
      tpu.vector_store %arg15[%swap3A_723], %add3A_722 {strides = array<i32>} : memref<128xf32, #tpu.memory_space<vmem>>, vector<16xf32>,
      %get3A_725 = arith.constant 48 : index
      %get3A_726 = tpu.vector_load %arg15[%get3A_725] {strides = array<i32>} : memref<128xf32, #tpu.memory_space<vmem>>, vector<16xf32>,
      %get3A_727 = arith.constant 48 : index
      %get3A_728 = tpu.vector_load %arg17[%get3A_727] {strides = array<i32>} : memref<128xf32, #tpu.memory_space<vmem>>, vector<16xf32>,
      %add3A_729 = arith.addf %get3A_726, %get3A_728 : vector<16xf32>
      %swap3A_730 = arith.constant 48 : index
      %swap3A_731 = tpu.vector_load %arg15[%swap3A_730] {strides = array<i32>} : memref<128xf32, #tpu.memory_space<vmem>>, vector<16xf32>,
      tpu.vector_store %arg15[%swap3A_730], %add3A_729 {strides = array<i32>} : memref<128xf32, #tpu.memory_space<vmem>>, vector<16xf32>,
      %get3A_732 = arith.constant 64 : index
      %get3A_733 = tpu.vector_load %arg15[%get3A_732] {strides = array<i32>} : memref<128xf32, #tpu.memory_space<vmem>>, vector<16xf32>,
      %get3A_734 = arith.constant 64 : index
      %get3A_735 = tpu.vector_load %arg17[%get3A_734] {strides = array<i32>} : memref<128xf32, #tpu.memory_space<vmem>>, vector<16xf32>,
      %add3A_736 = arith.addf %get3A_733, %get3A_735 : vector<16xf32>
      %swap3A_737 = arith.constant 64 : index
      %swap3A_738 = tpu.vector_load %arg15[%swap3A_737] {strides = array<i32>} : memref<128xf32, #tpu.memory_space<vmem>>, vector<16xf32>,
      tpu.vector_store %arg15[%swap3A_737], %add3A_736 {strides = array<i32>} : memref<128xf32, #tpu.memory_space<vmem>>, vector<16xf32>,
      %get3A_739 = arith.constant 80 : index
      %get3A_740 = tpu.vector_load %arg15[%get3A_739] {strides = array<i32>} : memref<128xf32, #tpu.memory_space<vmem>>, vector<16xf32>,
      %get3A_741 = arith.constant 80 : index
      %get3A_742 = tpu.vector_load %arg17[%get3A_741] {strides = array<i32>} : memref<128xf32, #tpu.memory_space<vmem>>, vector<16xf32>,
      %add3A_743 = arith.addf %get3A_740, %get3A_742 : vector<16xf32>
      %swap3A_744 = arith.constant 80 : index
      %swap3A_745 = tpu.vector_load %arg15[%swap3A_744] {strides = array<i32>} : memref<128xf32, #tpu.memory_space<vmem>>, vector<16xf32>,
      tpu.vector_store %arg15[%swap3A_744], %add3A_743 {strides = array<i32>} : memref<128xf32, #tpu.memory_space<vmem>>, vector<16xf32>,
      %get3A_746 = arith.constant 96 : index
      %get3A_747 = tpu.vector_load %arg15[%get3A_746] {strides = array<i32>} : memref<128xf32, #tpu.memory_space<vmem>>, vector<16xf32>,
      %get3A_748 = arith.constant 96 : index
      %get3A_749 = tpu.vector_load %arg17[%get3A_748] {strides = array<i32>} : memref<128xf32, #tpu.memory_space<vmem>>, vector<16xf32>,
      %add3A_750 = arith.addf %get3A_747, %get3A_749 : vector<16xf32>
      %swap3A_751 = arith.constant 96 : index
      %swap3A_752 = tpu.vector_load %arg15[%swap3A_751] {strides = array<i32>} : memref<128xf32, #tpu.memory_space<vmem>>, vector<16xf32>,
      tpu.vector_store %arg15[%swap3A_751], %add3A_750 {strides = array<i32>} : memref<128xf32, #tpu.memory_space<vmem>>, vector<16xf32>,
      %get3A_753 = arith.constant 112 : index
      %get3A_754 = tpu.vector_load %arg15[%get3A_753] {strides = array<i32>} : memref<128xf32, #tpu.memory_space<vmem>>, vector<16xf32>,
      %get3A_755 = arith.constant 112 : index
      %get3A_756 = tpu.vector_load %arg17[%get3A_755] {strides = array<i32>} : memref<128xf32, #tpu.memory_space<vmem>>, vector<16xf32>,
      %add3A_757 = arith.addf %get3A_754, %get3A_756 : vector<16xf32>
      %swap3A_758 = arith.constant 112 : index
      %swap3A_759 = tpu.vector_load %arg15[%swap3A_758] {strides = array<i32>} : memref<128xf32, #tpu.memory_space<vmem>>, vector<16xf32>,
      tpu.vector_store %arg15[%swap3A_758], %add3A_757 {strides = array<i32>} : memref<128xf32, #tpu.memory_space<vmem>>, vector<16xf32>,
      %add3A_760 = arith.constant 28672 : i32
      %add3A_761 = arith.addi %add3A_760, %mul3A_8 : i32
      "tpu.region"() ({
        %run_scoped3A = tpu.sem_alloc : memref<!tpu.dma_semaphore, #tpu.memory_space<semaphore_mem>>
        %dma_start3A = tpu.memref_slice %arg18[%add3A_761] : memref<32768xf32, #tpu.memory_space<vmem_shared>> -> memref<128xf32, #tpu.memory_space<vmem_shared>>
        %dma_start3A_932 = tpu.memref_slice %arg18[%add3A_761] : memref<32768xf32, #tpu.memory_space<vmem_shared>> -> memref<128xf32, #tpu.memory_space<vmem_shared>>
        tpu.enqueue_dma source(%dma_start3A_932 : memref<128xf32, #tpu.memory_space<vmem_shared>>) target(%arg17 : memref<128xf32, #tpu.memory_space<vmem>>) target_semaphore(%run_scoped3A : memref<!tpu.dma_semaphore, #tpu.memory_space<semaphore_mem>>)
        %dma_wait3A = tpu.memref_slice %arg18[%add3A_761] : memref<32768xf32, #tpu.memory_space<vmem_shared>> -> memref<128xf32, #tpu.memory_space<vmem_shared>>
        %dma_wait3A_933 = tpu.memref_slice %arg18[%add3A_761] : memref<32768xf32, #tpu.memory_space<vmem_shared>> -> memref<128xf32, #tpu.memory_space<vmem_shared>>
        tpu.wait_dma2 semaphore(%run_scoped3A : memref<!tpu.dma_semaphore, #tpu.memory_space<semaphore_mem>>) src(%dma_wait3A_933 : memref<128xf32, #tpu.memory_space<vmem_shared>>) dst(%arg17 : memref<128xf32, #tpu.memory_space<vmem>>)
        tpu.yield
      }) : () -> ()
      %get3A_762 = arith.constant 0 : index
      %get3A_763 = tpu.vector_load %arg15[%get3A_762] {strides = array<i32>} : memref<128xf32, #tpu.memory_space<vmem>>, vector<16xf32>,
      %get3A_764 = arith.constant 0 : index
      %get3A_765 = tpu.vector_load %arg17[%get3A_764] {strides = array<i32>} : memref<128xf32, #tpu.memory_space<vmem>>, vector<16xf32>,
      %add3A_766 = arith.addf %get3A_763, %get3A_765 : vector<16xf32>
      %swap3A_767 = arith.constant 0 : index
      %swap3A_768 = tpu.vector_load %arg15[%swap3A_767] {strides = array<i32>} : memref<128xf32, #tpu.memory_space<vmem>>, vector<16xf32>,
      tpu.vector_store %arg15[%swap3A_767], %add3A_766 {strides = array<i32>} : memref<128xf32, #tpu.memory_space<vmem>>, vector<16xf32>,
      %get3A_769 = arith.constant 16 : index
      %get3A_770 = tpu.vector_load %arg15[%get3A_769] {strides = array<i32>} : memref<128xf32, #tpu.memory_space<vmem>>, vector<16xf32>,
      %get3A_771 = arith.constant 16 : index
      %get3A_772 = tpu.vector_load %arg17[%get3A_771] {strides = array<i32>} : memref<128xf32, #tpu.memory_space<vmem>>, vector<16xf32>,
      %add3A_773 = arith.addf %get3A_770, %get3A_772 : vector<16xf32>
      %swap3A_774 = arith.constant 16 : index
      %swap3A_775 = tpu.vector_load %arg15[%swap3A_774] {strides = array<i32>} : memref<128xf32, #tpu.memory_space<vmem>>, vector<16xf32>,
      tpu.vector_store %arg15[%swap3A_774], %add3A_773 {strides = array<i32>} : memref<128xf32, #tpu.memory_space<vmem>>, vector<16xf32>,
      %get3A_776 = arith.constant 32 : index
      %get3A_777 = tpu.vector_load %arg15[%get3A_776] {strides = array<i32>} : memref<128xf32, #tpu.memory_space<vmem>>, vector<16xf32>,
      %get3A_778 = arith.constant 32 : index
      %get3A_779 = tpu.vector_load %arg17[%get3A_778] {strides = array<i32>} : memref<128xf32, #tpu.memory_space<vmem>>, vector<16xf32>,
      %add3A_780 = arith.addf %get3A_777, %get3A_779 : vector<16xf32>
      %swap3A_781 = arith.constant 32 : index
      %swap3A_782 = tpu.vector_load %arg15[%swap3A_781] {strides = array<i32>} : memref<128xf32, #tpu.memory_space<vmem>>, vector<16xf32>,
      tpu.vector_store %arg15[%swap3A_781], %add3A_780 {strides = array<i32>} : memref<128xf32, #tpu.memory_space<vmem>>, vector<16xf32>,
      %get3A_783 = arith.constant 48 : index
      %get3A_784 = tpu.vector_load %arg15[%get3A_783] {strides = array<i32>} : memref<128xf32, #tpu.memory_space<vmem>>, vector<16xf32>,
      %get3A_785 = arith.constant 48 : index
      %get3A_786 = tpu.vector_load %arg17[%get3A_785] {strides = array<i32>} : memref<128xf32, #tpu.memory_space<vmem>>, vector<16xf32>,
      %add3A_787 = arith.addf %get3A_784, %get3A_786 : vector<16xf32>
      %swap3A_788 = arith.constant 48 : index
      %swap3A_789 = tpu.vector_load %arg15[%swap3A_788] {strides = array<i32>} : memref<128xf32, #tpu.memory_space<vmem>>, vector<16xf32>,
      tpu.vector_store %arg15[%swap3A_788], %add3A_787 {strides = array<i32>} : memref<128xf32, #tpu.memory_space<vmem>>, vector<16xf32>,
      %get3A_790 = arith.constant 64 : index
      %get3A_791 = tpu.vector_load %arg15[%get3A_790] {strides = array<i32>} : memref<128xf32, #tpu.memory_space<vmem>>, vector<16xf32>,
      %get3A_792 = arith.constant 64 : index
      %get3A_793 = tpu.vector_load %arg17[%get3A_792] {strides = array<i32>} : memref<128xf32, #tpu.memory_space<vmem>>, vector<16xf32>,
      %add3A_794 = arith.addf %get3A_791, %get3A_793 : vector<16xf32>
      %swap3A_795 = arith.constant 64 : index
      %swap3A_796 = tpu.vector_load %arg15[%swap3A_795] {strides = array<i32>} : memref<128xf32, #tpu.memory_space<vmem>>, vector<16xf32>,
      tpu.vector_store %arg15[%swap3A_795], %add3A_794 {strides = array<i32>} : memref<128xf32, #tpu.memory_space<vmem>>, vector<16xf32>,
      %get3A_797 = arith.constant 80 : index
      %get3A_798 = tpu.vector_load %arg15[%get3A_797] {strides = array<i32>} : memref<128xf32, #tpu.memory_space<vmem>>, vector<16xf32>,
      %get3A_799 = arith.constant 80 : index
      %get3A_800 = tpu.vector_load %arg17[%get3A_799] {strides = array<i32>} : memref<128xf32, #tpu.memory_space<vmem>>, vector<16xf32>,
      %add3A_801 = arith.addf %get3A_798, %get3A_800 : vector<16xf32>
      %swap3A_802 = arith.constant 80 : index
      %swap3A_803 = tpu.vector_load %arg15[%swap3A_802] {strides = array<i32>} : memref<128xf32, #tpu.memory_space<vmem>>, vector<16xf32>,
      tpu.vector_store %arg15[%swap3A_802], %add3A_801 {strides = array<i32>} : memref<128xf32, #tpu.memory_space<vmem>>, vector<16xf32>,
      %get3A_804 = arith.constant 96 : index
      %get3A_805 = tpu.vector_load %arg15[%get3A_804] {strides = array<i32>} : memref<128xf32, #tpu.memory_space<vmem>>, vector<16xf32>,
      %get3A_806 = arith.constant 96 : index
      %get3A_807 = tpu.vector_load %arg17[%get3A_806] {strides = array<i32>} : memref<128xf32, #tpu.memory_space<vmem>>, vector<16xf32>,
      %add3A_808 = arith.addf %get3A_805, %get3A_807 : vector<16xf32>
      %swap3A_809 = arith.constant 96 : index
      %swap3A_810 = tpu.vector_load %arg15[%swap3A_809] {strides = array<i32>} : memref<128xf32, #tpu.memory_space<vmem>>, vector<16xf32>,
      tpu.vector_store %arg15[%swap3A_809], %add3A_808 {strides = array<i32>} : memref<128xf32, #tpu.memory_space<vmem>>, vector<16xf32>,
      %get3A_811 = arith.constant 112 : index
      %get3A_812 = tpu.vector_load %arg15[%get3A_811] {strides = array<i32>} : memref<128xf32, #tpu.memory_space<vmem>>, vector<16xf32>,
      %get3A_813 = arith.constant 112 : index
      %get3A_814 = tpu.vector_load %arg17[%get3A_813] {strides = array<i32>} : memref<128xf32, #tpu.memory_space<vmem>>, vector<16xf32>,
      %add3A_815 = arith.addf %get3A_812, %get3A_814 : vector<16xf32>
      %swap3A_816 = arith.constant 112 : index
      %swap3A_817 = tpu.vector_load %arg15[%swap3A_816] {strides = array<i32>} : memref<128xf32, #tpu.memory_space<vmem>>, vector<16xf32>,
      tpu.vector_store %arg15[%swap3A_816], %add3A_815 {strides = array<i32>} : memref<128xf32, #tpu.memory_space<vmem>>, vector<16xf32>,
      %add3A_818 = arith.constant 30720 : i32
      %add3A_819 = arith.addi %add3A_818, %mul3A_8 : i32
      "tpu.region"() ({
        %run_scoped3A = tpu.sem_alloc : memref<!tpu.dma_semaphore, #tpu.memory_space<semaphore_mem>>
        %dma_start3A = tpu.memref_slice %arg18[%add3A_819] : memref<32768xf32, #tpu.memory_space<vmem_shared>> -> memref<128xf32, #tpu.memory_space<vmem_shared>>
        %dma_start3A_932 = tpu.memref_slice %arg18[%add3A_819] : memref<32768xf32, #tpu.memory_space<vmem_shared>> -> memref<128xf32, #tpu.memory_space<vmem_shared>>
        tpu.enqueue_dma source(%dma_start3A_932 : memref<128xf32, #tpu.memory_space<vmem_shared>>) target(%arg17 : memref<128xf32, #tpu.memory_space<vmem>>) target_semaphore(%run_scoped3A : memref<!tpu.dma_semaphore, #tpu.memory_space<semaphore_mem>>)
        %dma_wait3A = tpu.memref_slice %arg18[%add3A_819] : memref<32768xf32, #tpu.memory_space<vmem_shared>> -> memref<128xf32, #tpu.memory_space<vmem_shared>>
        %dma_wait3A_933 = tpu.memref_slice %arg18[%add3A_819] : memref<32768xf32, #tpu.memory_space<vmem_shared>> -> memref<128xf32, #tpu.memory_space<vmem_shared>>
        tpu.wait_dma2 semaphore(%run_scoped3A : memref<!tpu.dma_semaphore, #tpu.memory_space<semaphore_mem>>) src(%dma_wait3A_933 : memref<128xf32, #tpu.memory_space<vmem_shared>>) dst(%arg17 : memref<128xf32, #tpu.memory_space<vmem>>)
        tpu.yield
      }) : () -> ()
      %get3A_820 = arith.constant 0 : index
      %get3A_821 = tpu.vector_load %arg15[%get3A_820] {strides = array<i32>} : memref<128xf32, #tpu.memory_space<vmem>>, vector<16xf32>,
      %get3A_822 = arith.constant 0 : index
      %get3A_823 = tpu.vector_load %arg17[%get3A_822] {strides = array<i32>} : memref<128xf32, #tpu.memory_space<vmem>>, vector<16xf32>,
      %add3A_824 = arith.addf %get3A_821, %get3A_823 : vector<16xf32>
      %swap3A_825 = arith.constant 0 : index
      %swap3A_826 = tpu.vector_load %arg15[%swap3A_825] {strides = array<i32>} : memref<128xf32, #tpu.memory_space<vmem>>, vector<16xf32>,
      tpu.vector_store %arg15[%swap3A_825], %add3A_824 {strides = array<i32>} : memref<128xf32, #tpu.memory_space<vmem>>, vector<16xf32>,
      %get3A_827 = arith.constant 16 : index
      %get3A_828 = tpu.vector_load %arg15[%get3A_827] {strides = array<i32>} : memref<128xf32, #tpu.memory_space<vmem>>, vector<16xf32>,
      %get3A_829 = arith.constant 16 : index
      %get3A_830 = tpu.vector_load %arg17[%get3A_829] {strides = array<i32>} : memref<128xf32, #tpu.memory_space<vmem>>, vector<16xf32>,
      %add3A_831 = arith.addf %get3A_828, %get3A_830 : vector<16xf32>
      %swap3A_832 = arith.constant 16 : index
      %swap3A_833 = tpu.vector_load %arg15[%swap3A_832] {strides = array<i32>} : memref<128xf32, #tpu.memory_space<vmem>>, vector<16xf32>,
      tpu.vector_store %arg15[%swap3A_832], %add3A_831 {strides = array<i32>} : memref<128xf32, #tpu.memory_space<vmem>>, vector<16xf32>,
      %get3A_834 = arith.constant 32 : index
      %get3A_835 = tpu.vector_load %arg15[%get3A_834] {strides = array<i32>} : memref<128xf32, #tpu.memory_space<vmem>>, vector<16xf32>,
      %get3A_836 = arith.constant 32 : index
      %get3A_837 = tpu.vector_load %arg17[%get3A_836] {strides = array<i32>} : memref<128xf32, #tpu.memory_space<vmem>>, vector<16xf32>,
      %add3A_838 = arith.addf %get3A_835, %get3A_837 : vector<16xf32>
      %swap3A_839 = arith.constant 32 : index
      %swap3A_840 = tpu.vector_load %arg15[%swap3A_839] {strides = array<i32>} : memref<128xf32, #tpu.memory_space<vmem>>, vector<16xf32>,
      tpu.vector_store %arg15[%swap3A_839], %add3A_838 {strides = array<i32>} : memref<128xf32, #tpu.memory_space<vmem>>, vector<16xf32>,
      %get3A_841 = arith.constant 48 : index
      %get3A_842 = tpu.vector_load %arg15[%get3A_841] {strides = array<i32>} : memref<128xf32, #tpu.memory_space<vmem>>, vector<16xf32>,
      %get3A_843 = arith.constant 48 : index
      %get3A_844 = tpu.vector_load %arg17[%get3A_843] {strides = array<i32>} : memref<128xf32, #tpu.memory_space<vmem>>, vector<16xf32>,
      %add3A_845 = arith.addf %get3A_842, %get3A_844 : vector<16xf32>
      %swap3A_846 = arith.constant 48 : index
      %swap3A_847 = tpu.vector_load %arg15[%swap3A_846] {strides = array<i32>} : memref<128xf32, #tpu.memory_space<vmem>>, vector<16xf32>,
      tpu.vector_store %arg15[%swap3A_846], %add3A_845 {strides = array<i32>} : memref<128xf32, #tpu.memory_space<vmem>>, vector<16xf32>,
      %get3A_848 = arith.constant 64 : index
      %get3A_849 = tpu.vector_load %arg15[%get3A_848] {strides = array<i32>} : memref<128xf32, #tpu.memory_space<vmem>>, vector<16xf32>,
      %get3A_850 = arith.constant 64 : index
      %get3A_851 = tpu.vector_load %arg17[%get3A_850] {strides = array<i32>} : memref<128xf32, #tpu.memory_space<vmem>>, vector<16xf32>,
      %add3A_852 = arith.addf %get3A_849, %get3A_851 : vector<16xf32>
      %swap3A_853 = arith.constant 64 : index
      %swap3A_854 = tpu.vector_load %arg15[%swap3A_853] {strides = array<i32>} : memref<128xf32, #tpu.memory_space<vmem>>, vector<16xf32>,
      tpu.vector_store %arg15[%swap3A_853], %add3A_852 {strides = array<i32>} : memref<128xf32, #tpu.memory_space<vmem>>, vector<16xf32>,
      %get3A_855 = arith.constant 80 : index
      %get3A_856 = tpu.vector_load %arg15[%get3A_855] {strides = array<i32>} : memref<128xf32, #tpu.memory_space<vmem>>, vector<16xf32>,
      %get3A_857 = arith.constant 80 : index
      %get3A_858 = tpu.vector_load %arg17[%get3A_857] {strides = array<i32>} : memref<128xf32, #tpu.memory_space<vmem>>, vector<16xf32>,
      %add3A_859 = arith.addf %get3A_856, %get3A_858 : vector<16xf32>
      %swap3A_860 = arith.constant 80 : index
      %swap3A_861 = tpu.vector_load %arg15[%swap3A_860] {strides = array<i32>} : memref<128xf32, #tpu.memory_space<vmem>>, vector<16xf32>,
      tpu.vector_store %arg15[%swap3A_860], %add3A_859 {strides = array<i32>} : memref<128xf32, #tpu.memory_space<vmem>>, vector<16xf32>,
      %get3A_862 = arith.constant 96 : index
      %get3A_863 = tpu.vector_load %arg15[%get3A_862] {strides = array<i32>} : memref<128xf32, #tpu.memory_space<vmem>>, vector<16xf32>,
      %get3A_864 = arith.constant 96 : index
      %get3A_865 = tpu.vector_load %arg17[%get3A_864] {strides = array<i32>} : memref<128xf32, #tpu.memory_space<vmem>>, vector<16xf32>,
      %add3A_866 = arith.addf %get3A_863, %get3A_865 : vector<16xf32>
      %swap3A_867 = arith.constant 96 : index
      %swap3A_868 = tpu.vector_load %arg15[%swap3A_867] {strides = array<i32>} : memref<128xf32, #tpu.memory_space<vmem>>, vector<16xf32>,
      tpu.vector_store %arg15[%swap3A_867], %add3A_866 {strides = array<i32>} : memref<128xf32, #tpu.memory_space<vmem>>, vector<16xf32>,
      %get3A_869 = arith.constant 112 : index
      %get3A_870 = tpu.vector_load %arg15[%get3A_869] {strides = array<i32>} : memref<128xf32, #tpu.memory_space<vmem>>, vector<16xf32>,
      %get3A_871 = arith.constant 112 : index
      %get3A_872 = tpu.vector_load %arg17[%get3A_871] {strides = array<i32>} : memref<128xf32, #tpu.memory_space<vmem>>, vector<16xf32>,
      %add3A_873 = arith.addf %get3A_870, %get3A_872 : vector<16xf32>
      %swap3A_874 = arith.constant 112 : index
      %swap3A_875 = tpu.vector_load %arg15[%swap3A_874] {strides = array<i32>} : memref<128xf32, #tpu.memory_space<vmem>>, vector<16xf32>,
      tpu.vector_store %arg15[%swap3A_874], %add3A_873 {strides = array<i32>} : memref<128xf32, #tpu.memory_space<vmem>>, vector<16xf32>,
      %get3A_876 = arith.constant 0 : index
      %get3A_877 = tpu.vector_load %arg15[%get3A_876] {strides = array<i32>} : memref<128xf32, #tpu.memory_space<vmem>>, vector<16xf32>,
      %get3A_878 = arith.constant 0 : index
      %get3A_879 = tpu.vector_load %arg16[%get3A_878] {strides = array<i32>} : memref<128xf32, #tpu.memory_space<vmem>>, vector<16xf32>,
      %add3A_880 = arith.addf %get3A_877, %get3A_879 : vector<16xf32>
      %swap3A_881 = arith.constant 0 : index
      %swap3A_882 = tpu.vector_load %arg15[%swap3A_881] {strides = array<i32>} : memref<128xf32, #tpu.memory_space<vmem>>, vector<16xf32>,
      tpu.vector_store %arg15[%swap3A_881], %add3A_880 {strides = array<i32>} : memref<128xf32, #tpu.memory_space<vmem>>, vector<16xf32>,
      %get3A_883 = arith.constant 16 : index
      %get3A_884 = tpu.vector_load %arg15[%get3A_883] {strides = array<i32>} : memref<128xf32, #tpu.memory_space<vmem>>, vector<16xf32>,
      %get3A_885 = arith.constant 16 : index
      %get3A_886 = tpu.vector_load %arg16[%get3A_885] {strides = array<i32>} : memref<128xf32, #tpu.memory_space<vmem>>, vector<16xf32>,
      %add3A_887 = arith.addf %get3A_884, %get3A_886 : vector<16xf32>
      %swap3A_888 = arith.constant 16 : index
      %swap3A_889 = tpu.vector_load %arg15[%swap3A_888] {strides = array<i32>} : memref<128xf32, #tpu.memory_space<vmem>>, vector<16xf32>,
      tpu.vector_store %arg15[%swap3A_888], %add3A_887 {strides = array<i32>} : memref<128xf32, #tpu.memory_space<vmem>>, vector<16xf32>,
      %get3A_890 = arith.constant 32 : index
      %get3A_891 = tpu.vector_load %arg15[%get3A_890] {strides = array<i32>} : memref<128xf32, #tpu.memory_space<vmem>>, vector<16xf32>,
      %get3A_892 = arith.constant 32 : index
      %get3A_893 = tpu.vector_load %arg16[%get3A_892] {strides = array<i32>} : memref<128xf32, #tpu.memory_space<vmem>>, vector<16xf32>,
      %add3A_894 = arith.addf %get3A_891, %get3A_893 : vector<16xf32>
      %swap3A_895 = arith.constant 32 : index
      %swap3A_896 = tpu.vector_load %arg15[%swap3A_895] {strides = array<i32>} : memref<128xf32, #tpu.memory_space<vmem>>, vector<16xf32>,
      tpu.vector_store %arg15[%swap3A_895], %add3A_894 {strides = array<i32>} : memref<128xf32, #tpu.memory_space<vmem>>, vector<16xf32>,
      %get3A_897 = arith.constant 48 : index
      %get3A_898 = tpu.vector_load %arg15[%get3A_897] {strides = array<i32>} : memref<128xf32, #tpu.memory_space<vmem>>, vector<16xf32>,
      %get3A_899 = arith.constant 48 : index
      %get3A_900 = tpu.vector_load %arg16[%get3A_899] {strides = array<i32>} : memref<128xf32, #tpu.memory_space<vmem>>, vector<16xf32>,
      %add3A_901 = arith.addf %get3A_898, %get3A_900 : vector<16xf32>
      %swap3A_902 = arith.constant 48 : index
      %swap3A_903 = tpu.vector_load %arg15[%swap3A_902] {strides = array<i32>} : memref<128xf32, #tpu.memory_space<vmem>>, vector<16xf32>,
      tpu.vector_store %arg15[%swap3A_902], %add3A_901 {strides = array<i32>} : memref<128xf32, #tpu.memory_space<vmem>>, vector<16xf32>,
      %get3A_904 = arith.constant 64 : index
      %get3A_905 = tpu.vector_load %arg15[%get3A_904] {strides = array<i32>} : memref<128xf32, #tpu.memory_space<vmem>>, vector<16xf32>,
      %get3A_906 = arith.constant 64 : index
      %get3A_907 = tpu.vector_load %arg16[%get3A_906] {strides = array<i32>} : memref<128xf32, #tpu.memory_space<vmem>>, vector<16xf32>,
      %add3A_908 = arith.addf %get3A_905, %get3A_907 : vector<16xf32>
      %swap3A_909 = arith.constant 64 : index
      %swap3A_910 = tpu.vector_load %arg15[%swap3A_909] {strides = array<i32>} : memref<128xf32, #tpu.memory_space<vmem>>, vector<16xf32>,
      tpu.vector_store %arg15[%swap3A_909], %add3A_908 {strides = array<i32>} : memref<128xf32, #tpu.memory_space<vmem>>, vector<16xf32>,
      %get3A_911 = arith.constant 80 : index
      %get3A_912 = tpu.vector_load %arg15[%get3A_911] {strides = array<i32>} : memref<128xf32, #tpu.memory_space<vmem>>, vector<16xf32>,
      %get3A_913 = arith.constant 80 : index
      %get3A_914 = tpu.vector_load %arg16[%get3A_913] {strides = array<i32>} : memref<128xf32, #tpu.memory_space<vmem>>, vector<16xf32>,
      %add3A_915 = arith.addf %get3A_912, %get3A_914 : vector<16xf32>
      %swap3A_916 = arith.constant 80 : index
      %swap3A_917 = tpu.vector_load %arg15[%swap3A_916] {strides = array<i32>} : memref<128xf32, #tpu.memory_space<vmem>>, vector<16xf32>,
      tpu.vector_store %arg15[%swap3A_916], %add3A_915 {strides = array<i32>} : memref<128xf32, #tpu.memory_space<vmem>>, vector<16xf32>,
      %get3A_918 = arith.constant 96 : index
      %get3A_919 = tpu.vector_load %arg15[%get3A_918] {strides = array<i32>} : memref<128xf32, #tpu.memory_space<vmem>>, vector<16xf32>,
      %get3A_920 = arith.constant 96 : index
      %get3A_921 = tpu.vector_load %arg16[%get3A_920] {strides = array<i32>} : memref<128xf32, #tpu.memory_space<vmem>>, vector<16xf32>,
      %add3A_922 = arith.addf %get3A_919, %get3A_921 : vector<16xf32>
      %swap3A_923 = arith.constant 96 : index
      %swap3A_924 = tpu.vector_load %arg15[%swap3A_923] {strides = array<i32>} : memref<128xf32, #tpu.memory_space<vmem>>, vector<16xf32>,
      tpu.vector_store %arg15[%swap3A_923], %add3A_922 {strides = array<i32>} : memref<128xf32, #tpu.memory_space<vmem>>, vector<16xf32>,
      %get3A_925 = arith.constant 112 : index
      %get3A_926 = tpu.vector_load %arg15[%get3A_925] {strides = array<i32>} : memref<128xf32, #tpu.memory_space<vmem>>, vector<16xf32>,
      %get3A_927 = arith.constant 112 : index
      %get3A_928 = tpu.vector_load %arg16[%get3A_927] {strides = array<i32>} : memref<128xf32, #tpu.memory_space<vmem>>, vector<16xf32>,
      %add3A_929 = arith.addf %get3A_926, %get3A_928 : vector<16xf32>
      %swap3A_930 = arith.constant 112 : index
      %swap3A_931 = tpu.vector_load %arg15[%swap3A_930] {strides = array<i32>} : memref<128xf32, #tpu.memory_space<vmem>>, vector<16xf32>,
      tpu.vector_store %arg15[%swap3A_930], %add3A_929 {strides = array<i32>} : memref<128xf32, #tpu.memory_space<vmem>>, vector<16xf32>,
      "tpu.region"() ({
        %run_scoped3A = tpu.sem_alloc : memref<!tpu.dma_semaphore, #tpu.memory_space<semaphore_mem>>
        %dma_start3A = tpu.memref_slice %arg7[%mul3A_8] : memref<2048xf32, #tpu.memory_space<hbm>> -> memref<128xf32, #tpu.memory_space<hbm>>
        %dma_start3A_932 = tpu.memref_slice %arg7[%mul3A_8] : memref<2048xf32, #tpu.memory_space<hbm>> -> memref<128xf32, #tpu.memory_space<hbm>>
        tpu.enqueue_dma source(%arg15 : memref<128xf32, #tpu.memory_space<vmem>>) target(%dma_start3A_932 : memref<128xf32, #tpu.memory_space<hbm>>) target_semaphore(%run_scoped3A : memref<!tpu.dma_semaphore, #tpu.memory_space<semaphore_mem>>)
        %dma_wait3A = tpu.memref_slice %arg7[%mul3A_8] : memref<2048xf32, #tpu.memory_space<hbm>> -> memref<128xf32, #tpu.memory_space<hbm>>
        %dma_wait3A_933 = tpu.memref_slice %arg7[%mul3A_8] : memref<2048xf32, #tpu.memory_space<hbm>> -> memref<128xf32, #tpu.memory_space<hbm>>
        tpu.wait_dma2 semaphore(%run_scoped3A : memref<!tpu.dma_semaphore, #tpu.memory_space<semaphore_mem>>) src(%arg15 : memref<128xf32, #tpu.memory_space<vmem>>) dst(%dma_wait3A_933 : memref<128xf32, #tpu.memory_space<hbm>>)
        tpu.yield
      }) : () -> ()
    } else {
    }
    return
  }
}

module attributes {stable_mosaic.version = 14 : i64} {
  func.func @_encoder_body(%arg0: i32, %arg1: memref<1x2048xf32, #tpu.memory_space<vmem>>, %arg2: memref<1024x1024xf32, #tpu.memory_space<vmem>>, %arg3: memref<1024x1024xf32, #tpu.memory_space<vmem>>, %arg4: memref<1x1024xf32, #tpu.memory_space<vmem>>, %arg5: memref<1x2048xf32, #tpu.memory_space<vmem>>, %arg6: memref<8x128xf32, #tpu.memory_space<vmem>>, %arg7: memref<1x128xf32, #tpu.memory_space<vmem>>, %arg8: memref<1x128xi32, #tpu.memory_space<vmem>>, %arg9: memref<256x128xf32, #tpu.memory_space<vmem>>) attributes {dimension_semantics = [#tpu.dimension_semantics<arbitrary>], iteration_bounds = array<i64: 32>, scalar_prefetch = 0 : i64, scratch_operands = 1 : i64, tpu.core_type = #tpu.core_type<tc>, window_params = [{pipeline_mode = #tpu.pipeline_mode<synchronous>, transform_indices = @transform_0, window_bounds = array<i64: 1, 2048>}, {transform_indices = @transform_1, window_bounds = array<i64: 1024, 1024>}, {transform_indices = @transform_2, window_bounds = array<i64: 1024, 1024>}, {transform_indices = @transform_3, window_bounds = array<i64: 1, 1024>}, {pipeline_mode = #tpu.pipeline_mode<synchronous>, transform_indices = @transform_4, window_bounds = array<i64: 1, 2048>}, {transform_indices = @transform_5, window_bounds = array<i64: 8, 128>}, {pipeline_mode = #tpu.pipeline_mode<synchronous>, transform_indices = @transform_6, window_bounds = array<i64: 1, 128>}, {pipeline_mode = #tpu.pipeline_mode<synchronous>, transform_indices = @transform_7, window_bounds = array<i64: 1, 128>}]} {
    %get3A = arith.constant 0 : index
    %get3A_0 = arith.constant 0 : index
    %get3A_1 = vector.load %arg1[%get3A, %get3A_0] : memref<1x2048xf32, #tpu.memory_space<vmem>>, vector<1x2048xf32>
    %get3A_2 = arith.constant 0 : index
    %get3A_3 = arith.constant 0 : index
    %get3A_4 = vector.load %arg5[%get3A_2, %get3A_3] : memref<1x2048xf32, #tpu.memory_space<vmem>>, vector<1x2048xf32>
    %sub3A = arith.subf %get3A_1, %get3A_4 : vector<1x2048xf32>
    %slice3A = vector.extract_strided_slice %sub3A {offsets = [0, 0], sizes = [1, 1024], strides = [1, 1]} : vector<1x2048xf32> to vector<1x1024xf32>
    %slice3A_5 = vector.extract_strided_slice %sub3A {offsets = [0, 1024], sizes = [1, 1024], strides = [1, 1]} : vector<1x2048xf32> to vector<1x1024xf32>
    %get3A_6 = arith.constant 0 : index
    %get3A_7 = arith.constant 0 : index
    %get3A_8 = vector.load %arg2[%get3A_6, %get3A_7] : memref<1024x1024xf32, #tpu.memory_space<vmem>>, vector<1024x1024xf32>
    %dot_general3A = arith.constant dense<0.000000e+00> : vector<1x1024xf32>
    %dot_general3A_9 = tpu.matmul %slice3A, %get3A_8, %dot_general3A {dimension_numbers = #tpu.dot_dimension_numbers<[1], [0], [0], [1], [0, 0, 1, 1], [], []>, transpose_lhs_hint = false} : vector<1x1024xf32>, vector<1024x1024xf32>, vector<1x1024xf32> -> vector<1x1024xf32>
    %get3A_10 = arith.constant 0 : index
    %get3A_11 = arith.constant 0 : index
    %get3A_12 = vector.load %arg3[%get3A_10, %get3A_11] : memref<1024x1024xf32, #tpu.memory_space<vmem>>, vector<1024x1024xf32>
    %dot_general3A_13 = arith.constant dense<0.000000e+00> : vector<1x1024xf32>
    %dot_general3A_14 = tpu.matmul %slice3A_5, %get3A_12, %dot_general3A_13 {dimension_numbers = #tpu.dot_dimension_numbers<[1], [0], [0], [1], [0, 0, 1, 1], [], []>, transpose_lhs_hint = false} : vector<1x1024xf32>, vector<1024x1024xf32>, vector<1x1024xf32> -> vector<1x1024xf32>
    %add3A = arith.addf %dot_general3A_9, %dot_general3A_14 : vector<1x1024xf32>
    %get3A_15 = arith.constant 0 : index
    %get3A_16 = arith.constant 0 : index
    %get3A_17 = vector.load %arg4[%get3A_15, %get3A_16] : memref<1x1024xf32, #tpu.memory_space<vmem>>, vector<1x1024xf32>
    %add3A_18 = arith.addf %add3A, %get3A_17 : vector<1x1024xf32>
    %max3A = arith.constant 0.000000e+00 : f32
    %max3A_19 = vector.broadcast %max3A : f32 to vector<1x1024xf32>
    %max3A_20 = arith.maximumf %add3A_18, %max3A_19 : vector<1x1024xf32>
    %reshape3A = vector.shape_cast %max3A_20 : vector<1x1024xf32> to vector<8x128xf32>
    %swap3A = arith.constant 0 : index
    %swap3A_21 = arith.constant 0 : index
    %swap3A_22 = vector.load %arg6[%swap3A, %swap3A_21] : memref<8x128xf32, #tpu.memory_space<vmem>>, vector<8x128xf32>
    tpu.vector_store %arg6[%swap3A, %swap3A_21], %reshape3A {strides = array<i32>} : memref<8x128xf32, #tpu.memory_space<vmem>>, vector<8x128xf32>,
    %mul3A = arith.constant 8 : i32
    %mul3A_23 = arith.muli %arg0, %mul3A : i32
    %swap3A_24 = arith.index_cast %mul3A_23 : i32 to index
    %swap3A_25 = arith.constant 0 : index
    %swap3A_26 = vector.load %arg9[%swap3A_24, %swap3A_25] : memref<256x128xf32, #tpu.memory_space<vmem>>, vector<8x128xf32>
    tpu.vector_store %arg9[%swap3A_24, %swap3A_25], %reshape3A {strides = array<i32>} : memref<256x128xf32, #tpu.memory_space<vmem>>, vector<8x128xf32>,
    %eq3A = arith.constant 31 : i32
    %eq3A_27 = arith.cmpi eq, %arg0, %eq3A : i32
    %convert_element_type3A = arith.extui %eq3A_27 : i1 to i32
    %cond3A = arith.constant 0 : i32
    %cond3A_28 = arith.cmpi ne, %convert_element_type3A, %cond3A : i32
    scf.if %cond3A_28 {
      %get3A_29 = arith.constant 0 : index
      %get3A_30 = arith.constant 0 : index
      %get3A_31 = vector.load %arg9[%get3A_29, %get3A_30] : memref<256x128xf32, #tpu.memory_space<vmem>>, vector<256x128xf32>
      %bitcast_convert_type3A = tpu.bitcast %get3A_31 : vector<256x128xf32> -> vector<256x128xi32>
      %iota3A = tpu.iota {dimensions = array<i32: 0>} : vector<256x128xi32>
      %mul3A_32 = arith.constant 128 : i32
      %mul3A_33 = vector.broadcast %mul3A_32 : i32 to vector<256x128xi32>
      %mul3A_34 = arith.muli %iota3A, %mul3A_33 : vector<256x128xi32>
      %iota3A_35 = tpu.iota {dimensions = array<i32: 1>} : vector<256x128xi32>
      %add3A_36 = arith.addi %mul3A_34, %iota3A_35 : vector<256x128xi32>
      %scan3A = arith.constant 0 : i32
      %scan3A_37 = arith.constant 0 : i32
      %scan3A_38 = arith.constant 15 : i32
      %scan3A_39 = arith.addi %scan3A_37, %scan3A_38 : i32
      %scan3A_40 = arith.constant 1 : i32
      %scan3A_41 = scf.for %scan3A_84 = %scan3A_37 to %scan3A_39 step %scan3A_40 iter_args(%scan3A_85 = %scan3A) -> (i32)  : i32 {
        %mul3A_86 = arith.constant 2 : i32
        %mul3A_87 = arith.muli %mul3A_86, %scan3A_84 : i32
        %sub3A_88 = arith.constant 29 : i32
        %sub3A_89 = arith.subi %sub3A_88, %mul3A_87 : i32
        %add3A_90 = arith.constant 1 : i32
        %add3A_91 = arith.addi %sub3A_89, %add3A_90 : i32
        %shift_left3A = arith.constant 1 : i32
        %shift_left3A_92 = arith.shli %shift_left3A, %add3A_91 : i32
        %shift_left3A_93 = arith.constant 1 : i32
        %shift_left3A_94 = arith.shli %shift_left3A_93, %sub3A_89 : i32
        %or3A_95 = arith.ori %scan3A_85, %shift_left3A_92 : i32
        %ge3A_96 = vector.broadcast %or3A_95 : i32 to vector<256x128xi32>
        %ge3A_97 = arith.cmpi sge, %bitcast_convert_type3A, %ge3A_96 : vector<256x128xi32>
        %convert_element_type3A_98 = arith.extui %ge3A_97 : vector<256x128xi1> to vector<256x128xi32>
        %reduce_sum3A_99 = vector.shape_cast %convert_element_type3A_98 : vector<256x128xi32> to vector<1x256x128xi32>
        %reduce_sum3A_100 = arith.constant dense<0> : vector<1xi32>
        %reduce_sum3A_101 = vector.multi_reduction <add>, %reduce_sum3A_99, %reduce_sum3A_100 [1, 2] : vector<1x256x128xi32> to vector<1xi32>
        %reduce_sum3A_102 = vector.shape_cast %reduce_sum3A_101 : vector<1xi32> to vector<1x1x1xi32>
        %reduce_sum3A_103 = vector.extract %reduce_sum3A_102[0, 0, 0] : i32 from vector<1x1x1xi32>
        %or3A_104 = arith.ori %scan3A_85, %shift_left3A_92 : i32
        %or3A_105 = arith.ori %or3A_104, %shift_left3A_94 : i32
        %ge3A_106 = vector.broadcast %or3A_105 : i32 to vector<256x128xi32>
        %ge3A_107 = arith.cmpi sge, %bitcast_convert_type3A, %ge3A_106 : vector<256x128xi32>
        %convert_element_type3A_108 = arith.extui %ge3A_107 : vector<256x128xi1> to vector<256x128xi32>
        %reduce_sum3A_109 = vector.shape_cast %convert_element_type3A_108 : vector<256x128xi32> to vector<1x256x128xi32>
        %reduce_sum3A_110 = arith.constant dense<0> : vector<1xi32>
        %reduce_sum3A_111 = vector.multi_reduction <add>, %reduce_sum3A_109, %reduce_sum3A_110 [1, 2] : vector<1x256x128xi32> to vector<1xi32>
        %reduce_sum3A_112 = vector.shape_cast %reduce_sum3A_111 : vector<1xi32> to vector<1x1x1xi32>
        %reduce_sum3A_113 = vector.extract %reduce_sum3A_112[0, 0, 0] : i32 from vector<1x1x1xi32>
        %or3A_114 = arith.ori %scan3A_85, %shift_left3A_94 : i32
        %ge3A_115 = vector.broadcast %or3A_114 : i32 to vector<256x128xi32>
        %ge3A_116 = arith.cmpi sge, %bitcast_convert_type3A, %ge3A_115 : vector<256x128xi32>
        %convert_element_type3A_117 = arith.extui %ge3A_116 : vector<256x128xi1> to vector<256x128xi32>
        %reduce_sum3A_118 = vector.shape_cast %convert_element_type3A_117 : vector<256x128xi32> to vector<1x256x128xi32>
        %reduce_sum3A_119 = arith.constant dense<0> : vector<1xi32>
        %reduce_sum3A_120 = vector.multi_reduction <add>, %reduce_sum3A_118, %reduce_sum3A_119 [1, 2] : vector<1x256x128xi32> to vector<1xi32>
        %reduce_sum3A_121 = vector.shape_cast %reduce_sum3A_120 : vector<1xi32> to vector<1x1x1xi32>
        %reduce_sum3A_122 = vector.extract %reduce_sum3A_121[0, 0, 0] : i32 from vector<1x1x1xi32>
        %ge3A_123 = arith.constant 64 : i32
        %ge3A_124 = arith.cmpi sge, %reduce_sum3A_113, %ge3A_123 : i32
        %or3A_125 = arith.ori %shift_left3A_92, %shift_left3A_94 : i32
        %ge3A_126 = arith.constant 64 : i32
        %ge3A_127 = arith.cmpi sge, %reduce_sum3A_103, %ge3A_126 : i32
        %ge3A_128 = arith.constant 64 : i32
        %ge3A_129 = arith.cmpi sge, %reduce_sum3A_122, %ge3A_128 : i32
        %jit3A = arith.constant 0 : i32
        %select_n3A_130 = arith.select %ge3A_129, %shift_left3A_94, %jit3A : i32
        %select_n3A_131 = arith.select %ge3A_127, %shift_left3A_92, %select_n3A_130 : i32
        %select_n3A_132 = arith.select %ge3A_124, %or3A_125, %select_n3A_131 : i32
        %or3A_133 = arith.ori %scan3A_85, %select_n3A_132 : i32
        scf.yield %or3A_133 : i32
      }
      %scan3A_42 = arith.constant 15 : i32
      %or3A = arith.constant 1 : i32
      %or3A_43 = arith.ori %scan3A_41, %or3A : i32
      %ge3A = vector.broadcast %or3A_43 : i32 to vector<256x128xi32>
      %ge3A_44 = arith.cmpi sge, %bitcast_convert_type3A, %ge3A : vector<256x128xi32>
      %convert_element_type3A_45 = arith.extui %ge3A_44 : vector<256x128xi1> to vector<256x128xi32>
      %reduce_sum3A = vector.shape_cast %convert_element_type3A_45 : vector<256x128xi32> to vector<1x256x128xi32>
      %reduce_sum3A_46 = arith.constant dense<0> : vector<1xi32>
      %reduce_sum3A_47 = vector.multi_reduction <add>, %reduce_sum3A, %reduce_sum3A_46 [1, 2] : vector<1x256x128xi32> to vector<1xi32>
      %reduce_sum3A_48 = vector.shape_cast %reduce_sum3A_47 : vector<1xi32> to vector<1x1x1xi32>
      %reduce_sum3A_49 = vector.extract %reduce_sum3A_48[0, 0, 0] : i32 from vector<1x1x1xi32>
      %ge3A_50 = arith.constant 64 : i32
      %ge3A_51 = arith.cmpi sge, %reduce_sum3A_49, %ge3A_50 : i32
      %or3A_52 = arith.constant 1 : i32
      %or3A_53 = arith.ori %scan3A_41, %or3A_52 : i32
      %select_n3A = arith.select %ge3A_51, %or3A_53, %scan3A_41 : i32
      %gt3A = vector.broadcast %select_n3A : i32 to vector<256x128xi32>
      %gt3A_54 = arith.cmpi sgt, %bitcast_convert_type3A, %gt3A : vector<256x128xi32>
      %convert_element_type3A_55 = arith.extui %gt3A_54 : vector<256x128xi1> to vector<256x128xi32>
      %reduce_sum3A_56 = vector.shape_cast %convert_element_type3A_55 : vector<256x128xi32> to vector<1x256x128xi32>
      %reduce_sum3A_57 = arith.constant dense<0> : vector<1xi32>
      %reduce_sum3A_58 = vector.multi_reduction <add>, %reduce_sum3A_56, %reduce_sum3A_57 [1, 2] : vector<1x256x128xi32> to vector<1xi32>
      %reduce_sum3A_59 = vector.shape_cast %reduce_sum3A_58 : vector<1xi32> to vector<1x1x1xi32>
      %reduce_sum3A_60 = vector.extract %reduce_sum3A_59[0, 0, 0] : i32 from vector<1x1x1xi32>
      %sub3A_61 = arith.constant 64 : i32
      %sub3A_62 = arith.subi %sub3A_61, %reduce_sum3A_60 : i32
      %eq3A_63 = vector.broadcast %select_n3A : i32 to vector<256x128xi32>
      %eq3A_64 = arith.cmpi eq, %bitcast_convert_type3A, %eq3A_63 : vector<256x128xi32>
      %convert_element_type3A_65 = arith.extui %eq3A_64 : vector<256x128xi1> to vector<256x128xi32>
      %reduce_sum3A_66 = vector.shape_cast %convert_element_type3A_65 : vector<256x128xi32> to vector<1x256x128xi32>
      %reduce_sum3A_67 = arith.constant dense<0> : vector<1xi32>
      %reduce_sum3A_68 = vector.multi_reduction <add>, %reduce_sum3A_66, %reduce_sum3A_67 [1, 2] : vector<1x256x128xi32> to vector<1xi32>
      %reduce_sum3A_69 = vector.shape_cast %reduce_sum3A_68 : vector<1xi32> to vector<1x1x1xi32>
      %reduce_sum3A_70 = vector.extract %reduce_sum3A_69[0, 0, 0] : i32 from vector<1x1x1xi32>
      %eq3A_71 = arith.cmpi eq, %reduce_sum3A_70, %sub3A_62 : i32
      %convert_element_type3A_72 = arith.extui %eq3A_71 : i1 to i32
      %cond3A_73 = arith.constant 0 : i32
      %cond3A_74 = arith.cmpi ne, %convert_element_type3A_72, %cond3A_73 : i32
      %cond3A_75 = scf.if %cond3A_74 -> (i32) {
        %cond3A_84 = arith.constant 32767 : i32
        scf.yield %cond3A_84 : i32
      } else {
        %scan3A_84 = arith.constant 0 : i32
        %scan3A_85 = arith.constant 32767 : i32
        %scan3A_86 = arith.constant 0 : i32
        %scan3A_87 = arith.constant 15 : i32
        %scan3A_88 = arith.addi %scan3A_86, %scan3A_87 : i32
        %scan3A_89 = arith.constant 1 : i32
        %scan3A_90:2 = scf.for %scan3A_91 = %scan3A_86 to %scan3A_88 step %scan3A_89 iter_args(%scan3A_92 = %scan3A_84, %scan3A_93 = %scan3A_85) -> (i32, i32)  : i32 {
          %add3A_94 = arith.addi %scan3A_92, %scan3A_93 : i32
          %shift_right_arithmetic3A = arith.constant 1 : i32
          %shift_right_arithmetic3A_95 = arith.shrsi %add3A_94, %shift_right_arithmetic3A : i32
          %le3A = vector.broadcast %shift_right_arithmetic3A_95 : i32 to vector<256x128xi32>
          %le3A_96 = arith.cmpi sle, %add3A_36, %le3A : vector<256x128xi32>
          %and3A = arith.andi %eq3A_64, %le3A_96 : vector<256x128xi1>
          %convert_element_type3A_97 = arith.extui %and3A : vector<256x128xi1> to vector<256x128xi32>
          %reduce_sum3A_98 = vector.shape_cast %convert_element_type3A_97 : vector<256x128xi32> to vector<1x256x128xi32>
          %reduce_sum3A_99 = arith.constant dense<0> : vector<1xi32>
          %reduce_sum3A_100 = vector.multi_reduction <add>, %reduce_sum3A_98, %reduce_sum3A_99 [1, 2] : vector<1x256x128xi32> to vector<1xi32>
          %reduce_sum3A_101 = vector.shape_cast %reduce_sum3A_100 : vector<1xi32> to vector<1x1x1xi32>
          %reduce_sum3A_102 = vector.extract %reduce_sum3A_101[0, 0, 0] : i32 from vector<1x1x1xi32>
          %ge3A_103 = arith.cmpi sge, %reduce_sum3A_102, %sub3A_62 : i32
          %add3A_104 = arith.constant 1 : i32
          %add3A_105 = arith.addi %shift_right_arithmetic3A_95, %add3A_104 : i32
          %select_n3A_106 = arith.select %ge3A_103, %scan3A_92, %add3A_105 : i32
          %select_n3A_107 = arith.select %ge3A_103, %shift_right_arithmetic3A_95, %scan3A_93 : i32
          scf.yield %select_n3A_106, %select_n3A_107 : i32, i32
        }
        scf.yield %scan3A_90#0 : i32
      }
      %broadcast_in_dim3A = vector.broadcast %select_n3A : i32 to vector<1x128xi32>
      %bitcast_convert_type3A_76 = tpu.bitcast %broadcast_in_dim3A : vector<1x128xi32> -> vector<1x128xf32>
      %swap3A_77 = arith.constant 0 : index
      %swap3A_78 = arith.constant 0 : index
      %swap3A_79 = vector.load %arg7[%swap3A_77, %swap3A_78] : memref<1x128xf32, #tpu.memory_space<vmem>>, vector<1x128xf32>
      tpu.vector_store %arg7[%swap3A_77, %swap3A_78], %bitcast_convert_type3A_76 {strides = array<i32>} : memref<1x128xf32, #tpu.memory_space<vmem>>, vector<1x128xf32>,
      %broadcast_in_dim3A_80 = vector.broadcast %cond3A_75 : i32 to vector<1x128xi32>
      %swap3A_81 = arith.constant 0 : index
      %swap3A_82 = arith.constant 0 : index
      %swap3A_83 = vector.load %arg8[%swap3A_81, %swap3A_82] : memref<1x128xi32, #tpu.memory_space<vmem>>, vector<1x128xi32>
      tpu.vector_store %arg8[%swap3A_81, %swap3A_82], %broadcast_in_dim3A_80 {strides = array<i32>} : memref<1x128xi32, #tpu.memory_space<vmem>>, vector<1x128xi32>,
    } else {
    }
    return
  }
  func.func @transform_0(%arg0: i32) -> (i32, i32) {
    %c0_i32 = arith.constant 0 : i32
    %c0_i32_0 = arith.constant 0 : i32
    %c0_i32_1 = arith.constant 0 : i32
    return %c0_i32, %c0_i32_0 : i32, i32
  }
  func.func @transform_1(%arg0: i32) -> (i32, i32) {
    %c0_i32 = arith.constant 0 : i32
    %c0_i32_0 = arith.constant 0 : i32
    return %c0_i32, %arg0 : i32, i32
  }
  func.func @transform_2(%arg0: i32) -> (i32, i32) {
    %c1_i32 = arith.constant 1 : i32
    %c0_i32 = arith.constant 0 : i32
    return %c1_i32, %arg0 : i32, i32
  }
  func.func @transform_3(%arg0: i32) -> (i32, i32) {
    %c0_i32 = arith.constant 0 : i32
    %c0_i32_0 = arith.constant 0 : i32
    return %c0_i32, %arg0 : i32, i32
  }
  func.func @transform_4(%arg0: i32) -> (i32, i32) {
    %c0_i32 = arith.constant 0 : i32
    %c0_i32_0 = arith.constant 0 : i32
    %c0_i32_1 = arith.constant 0 : i32
    return %c0_i32, %c0_i32_0 : i32, i32
  }
  func.func @transform_5(%arg0: i32) -> (i32, i32) {
    %c0_i32 = arith.constant 0 : i32
    %c0_i32_0 = arith.constant 0 : i32
    return %arg0, %c0_i32 : i32, i32
  }
  func.func @transform_6(%arg0: i32) -> (i32, i32) {
    %c0_i32 = arith.constant 0 : i32
    %c0_i32_0 = arith.constant 0 : i32
    %c0_i32_1 = arith.constant 0 : i32
    return %c0_i32, %c0_i32_0 : i32, i32
  }
  func.func @transform_7(%arg0: i32) -> (i32, i32) {
    %c0_i32 = arith.constant 0 : i32
    %c0_i32_0 = arith.constant 0 : i32
    %c0_i32_1 = arith.constant 0 : i32
    return %c0_i32, %c0_i32_0 : i32, i32
  }
}

</mosaic_0001>

<sc_bundles>
// kernel: kernel.4.cloned.1.call-start
scs
__scs_entry_jumppad:
0x0: {  	(pc) =	sbr.rel $0x88, $3  }
0x1: {  	(tag) =	ssettag $0x0;
	lr =	simm.s32 $0x1  }
0x2: {  	[smem:$0x3F9C] =	sst lr;
	_ =	strace $0xD0000000  }
0x3: {  	_ = 	snop  }
0x4: {  	_ = 	snop  }
0x5: {  	_ = 	snop  }
0x6: {  	_ = 	snop  }
0x7: {  	_ = 	snop  }
__scs_overlays_trampoline_lowered:
0x8: {  	[smem:$0x3FAB] =	sst s0  }
0x9: {  	[smem:$0x3FAC] =	sst s1  }
0xa: {  	[smem:$0x3FAD] =	sst s2  }
0xb: {  	[smem:$0x3FAE] =	sst s3  }
0xc: {  	[smem:$0x3FAF] =	sst s4  }
0xd: {  	[smem:$0x3FB0] =	sst s5  }
0xe: {  	[smem:$0x3FB1] =	sst s6  }
0xf: {  	[smem:$0x3FB2] =	sst s7  }
0x10: {  	[smem:$0x3FB3] =	sst s8  }
0x11: {  	[smem:$0x3FB4] =	sst s9;
	s0 =	simm.s32 @!p0 $0x0  }
0x12: {  	s1 =	sld [smem:$0x3F9A];
	s0 =	simm.s32 @p0 $0x1  }
0x13: {  	[smem:$0x3FB5] =	sst s0;
	s0 =	simm.s32 @!p1 $0x0  }
0x14: {  	s2 =	sld [smem:$0x3F99];
	s0 =	simm.s32 @p1 $0x1  }
0x15: {  	[smem:$0x3FB6] =	sst s0;
	s0 =	simm.s32 @!p2 $0x0  }
0x16: {  	s3 =	sld [smem:$0x3FDB];
	s0 =	simm.s32 @p2 $0x1  }
0x17: {  	s4 =	simm.s32 $0x1BF5;
	[smem:$0x3FB8] =	sst s0  }
0x18: {  	s0 =	sld [smem:$0x3F9B];
	_ =	swait.ge [sflag:s4], $0x0  }
0x19: {  	s7 =	sld [smem:$0x3F9C]  }
0x1a: {  	s8 =	sadd.s32 $0xFFFFE003, lr  }
0x1b: {  	s9 =	sadd.s32 $0xFFFFFEF7, lr;
	s5 =	simm.s32 $0xFFFFFFFF;
	p2 =	slt.u32 s8, $0xFFFFF086  }
0x1c: {  	p1 =	slt.u32 s9, $0xF7A;
	s5 =	simm.s32 @!p2 $0x0  }
0x1d: {  	s5 =	simm.s32 @p1 $0x1;
	p0 =	seq.s32 s7, s2  }
0x1e: {  	s7 =	smul.u32 @!p0 $0xF7A, s2;
	p2 =	seq.s32 @!p0 s5, $0x0  }
0x1f: {  	s9 =	smul.u32 $0xF7A, s1;
	s8 =	simm.s32 @!p0 $0x1BF5;
	p2 =	por !p2, p0  }
0x20: {  	[sflag:s8] =	ssyncset.s32 @!p0 $0xFFFFF086;
	s6 =	sadd.s32 @!p0 s3, s7;
	s7 =	simm.s32 @!p0 $0x108  }
0x21: {  	s3 =	sadd.s32 s3, s9;
	s6 =	sadd.s32 @!p0 $0x88, s6;
	s7 =	simm.s32 @p2 $0x1082  }
0x22: {  	[simem:s7], [sflag:s8] =	dma.local @!p0 [hbm:s6], $0xF7A  }
0x23: {  	s9 =	sor.u32 $0xD0000000, s2;
	s6 =	simm.s32 $0x108;
	_ =	swait.ge @!p0 [sflag:s8], $0x0  }
0x24: {  	s3 =	sadd.s32 $0x88, s3;
	s6 =	simm.s32 @!p1 $0x1082;
	[sflag:s4] =	ssyncset.s32 $0xFFFFF086  }
0x25: {  	[simem:s6], [sflag:s4] =	dma.local [hbm:s3], $0xF7A  }
0x26: {  	[smem:$0x3F9C] =	sst s1;
	(tag) =	ssettag s2;
	_ =	strace s9  }
0x27: {  	s1 =	sld [smem:$0x3FAC]  }
0x28: {  	s2 =	sld [smem:$0x3FAD]  }
0x29: {  	s4 =	sld [smem:$0x3FAF]  }
0x2a: {  	p0 =	seq.s32 s5, $0x0;
	s5 =	sld [smem:$0x3FB0]  }
0x2b: {  	s6 =	sld [smem:$0x3FB1]  }
0x2c: {  	s7 =	sld [smem:$0x3FB2]  }
0x2d: {  	s3 =	simm.s32 $0x108;
	s8 =	sld [smem:$0x3FB3]  }
0x2e: {  	s3 =	simm.s32 @!p0 $0x1082;
	s9 =	sld [smem:$0x3FB4]  }
0x2f: {  	lr =	sadd.s32 s0, s3;
	s0 =	sld [smem:$0x3FAB]  }
0x30: {  	s3 =	sld [smem:$0x3FAE]  }
0x31: {  	[smem:$0x3FB7] =	sst s10  }
0x32: {  	s10 =	sld [smem:$0x3FB5];
	_ =	sdelay $0x3  }
0x33: {  	p0 =	seq.s32 s10, $0x1;
	s10 =	sld [smem:$0x3FB7];
	_ =	sdelay $0x3  }
0x34: {  	[smem:$0x3FB7] =	sst s10  }
0x35: {  	s10 =	sld [smem:$0x3FB6];
	_ =	sdelay $0x3  }
0x36: {  	p1 =	seq.s32 s10, $0x1;
	s10 =	sld [smem:$0x3FB7];
	_ =	sdelay $0x3  }
0x37: {  	[smem:$0x3FB7] =	sst s10  }
0x38: {  	s10 =	sld [smem:$0x3FB8]  }
0x39: {  	_ = 	snop;
	(pc) =	sbr.ind lr, $3  }
0x3a: {  	_ = 	snop  }
0x3b: {  	_ = 	snop  }
0x3c: {  	p2 =	seq.s32 s10, $0x1;
	s10 =	sld [smem:$0x3FB7]  }
0x3d: {  	_ =	shalt  }
0x3e: {  	_ =	shalt  }
0x3f: {  	_ =	shalt  }
0x40: {  	_ =	shalt  }
0x41: {  	_ =	shalt  }
0x42: {  	_ =	shalt  }
0x43: {  	_ =	shalt  }
0x44: {  	_ =	shalt  }
0x45: {  	_ =	shalt  }
0x46: {  	_ =	shalt  }
0x47: {  	_ =	shalt  }
0x48: {  	_ =	shalt  }
0x49: {  	_ =	shalt  }
0x4a: {  	_ =	shalt  }
0x4b: {  	_ =	shalt  }
0x4c: {  	_ =	shalt  }
0x4d: {  	_ =	shalt  }
0x4e: {  	_ =	shalt  }
0x4f: {  	_ =	shalt  }
0x50: {  	_ =	shalt  }
0x51: {  	_ =	shalt  }
0x52: {  	_ =	shalt  }
0x53: {  	_ =	shalt  }
0x54: {  	_ =	shalt  }
0x55: {  	_ =	shalt  }
0x56: {  	_ =	shalt  }
0x57: {  	_ =	shalt  }
0x58: {  	_ =	shalt  }
0x59: {  	_ =	shalt  }
0x5a: {  	_ =	shalt  }
0x5b: {  	_ =	shalt  }
0x5c: {  	_ =	shalt  }
0x5d: {  	_ =	shalt  }
0x5e: {  	_ =	shalt  }
0x5f: {  	_ =	shalt  }
0x60: {  	_ =	shalt  }
0x61: {  	_ =	shalt  }
0x62: {  	_ =	shalt  }
0x63: {  	_ =	shalt  }
0x64: {  	_ =	shalt  }
0x65: {  	_ =	shalt  }
0x66: {  	_ =	shalt  }
0x67: {  	_ =	shalt  }
0x68: {  	_ =	shalt  }
0x69: {  	_ =	shalt  }
0x6a: {  	_ =	shalt  }
0x6b: {  	_ =	shalt  }
0x6c: {  	_ =	shalt  }
0x6d: {  	_ =	shalt  }
0x6e: {  	_ =	shalt  }
0x6f: {  	_ =	shalt  }
0x70: {  	_ =	shalt  }
0x71: {  	_ =	shalt  }
0x72: {  	_ =	shalt  }
0x73: {  	_ =	shalt  }
0x74: {  	_ =	shalt  }
0x75: {  	_ =	shalt  }
0x76: {  	_ =	shalt  }
0x77: {  	_ =	shalt  }
0x78: {  	_ =	shalt  }
0x79: {  	_ =	shalt  }
0x7a: {  	_ =	shalt  }
0x7b: {  	_ =	shalt  }
0x7c: {  	_ =	shalt  }
0x7d: {  	_ =	shalt  }
0x7e: {  	_ =	shalt  }
0x7f: {  	_ =	shalt  }
0x80: {  	_ =	shalt  }
0x81: {  	_ =	shalt  }
0x82: {  	_ =	shalt  }
0x83: {  	_ =	shalt  }
0x84: {  	_ =	shalt  }
0x85: {  	_ =	shalt  }
0x86: {  	_ =	shalt  }
0x87: {  	_ =	shalt  }
.Lfunc_end0:
.L_simem_size_0:
called_computation_lowered:
.L_overlay_start_0:
0x88: {  	s0 =	sld [smem:$0x3FD9]  }
0x89: {  	s1 =	sld [smem:$0x3FFE];
	_ =	sdelay $0x3  }
0x8a: {  	s0 =	sadd.s32 s1, s0  }
0x8b: {  	[smem:$0x3FC3] =	sst s0  }
0x8c: {  	_ = 	snop  }
0x8d: {  	s0 =	sld [smem:$0x3FC6]  }
0x8e: {  	s16 =	sld [smem:$0x3FC5]  }
0x8f: {  	s2 =	sld [smem:$0x3FD0];
	(tm) =	ssettm $0x1  }
0x90: {  	s3 =	sld [smem:$0x3FFB];
	_ =	sdelay $0x3  }
0x91: {  	_ =	strace s3  }
0x92: {  	s3 =	sld [smem:$0x3FFC];
	_ =	sdelay $0x3  }
0x93: {  	_ =	strace s3  }
0x94: {  	s3 =	sld [smem:$0x3FFD];
	_ =	sdelay $0x3  }
0x95: {  	_ =	strace s3  }
0x96: {  	_ =	strace $0x8FFFFFFF  }
0x97: {  	s17 =	sld [smem:$0x3FDB];
	_ =	sdelay $0x1  }
0x98: {  	s4 =	simm.s32 $_scs_section_size  }
0x99: {  	s5 =	simm.s32 $_size__tile_overlayer_lowered;
	s6 =	simm.s32 $_tile_overlayer_lowered  }
0x9a: {  	s20 =	simm.s32 $0x1BFF;
	s19 =	sshll.u32 s6, $0x1;
	s3 =	sadd.s32 s4, s17  }
0x9b: {  	s7 =	simm.s32 $0x0;
	s18 =	sshll.u32 s5, $0x1;
	s5 =	sadd.s32 s19, s3  }
0x9c: {  	[timem:s7], [sflag:s20] =	dma.local [hbm:s5], s18  }
0x9d: {  	_ =	swait.ge [sflag:s20], s18  }
0x9e: {  	s4 =	ssub.s32 $0x0, s18;
	[sflag:s20] =	ssyncset.done $0x0  }
0x9f: {  	[sflag:s20] =	ssyncadd.s32 s4;
	_ =	sdelay $0x1  }
0xa0: {  	s21 =	simm.s32 $0x1B8B  }
0xa1: {  	_ =	swait.ge [sflag:s21], $0x1  }
0xa2: {  	[sflag:s21] =	ssyncset.done $0x0  }
0xa3: {  	s23 =	simm.s32 $0x1B8E;
	s22 =	sld [smem:$0x3FFE];
	[sflag:s21] =	ssyncadd.s32 $0xFFFFFFFF  }
0xa4: {  	s24 =	simm.s32 $execute0_lowered;
	[smem:$0x3FD2] =	sst s23  }
0xa5: {  	s5 =	sshll.u32 s24, $0x1;
	_ =	strace $0x80000046;
	[dreg:$0x1] =	wrdreg $0xFFFFFFFF  }
0xa6: {  	s25 =	simm.s32 $_size_execute0_lowered;
	s3 =	sadd.s32 s3, s5;
	[dreg:$0x0] =	wrdreg $0x0  }
0xa7: {  	s5 =	sshll.u32 s25, $0x1;
	[dreg:$0x2] =	wrdreg s3  }
0xa8: {  	[dreg:$0x3] =	wrdreg s5  }
0xa9: {  	[dreg:$0x4] =	wrdreg $0xC0  }
0xaa: {  	_ =	task [dreg:s7], $0x5FFFF  }
0xab: {  	[dreg:$0x1] =	wrdreg $0xFFFFFFFF  }
0xac: {  	[dreg:$0x0] =	wrdreg $0x60  }
0xad: {  	[dreg:$0x2] =	wrdreg s22  }
0xae: {  	[dreg:$0x3] =	wrdreg s0  }
0xaf: {  	[dreg:$0x4] =	wrdreg s16  }
0xb0: {  	[dreg:$0x5] =	wrdreg s2  }
0xb1: {  	[dreg:$0x6] =	wrdreg $0x53800  }
0xb2: {  	[dreg:$0x7] =	wrdreg $0x9  }
0xb3: {  	_ =	task.clear_ibuf [dreg:s7], $0x8FFFF;
	_ =	strace $0x90000046  }
0xb4: {  	s26 =	simm.s32 $0x9;
	_ =	strace $0x80000048  }
0xb5: {  	_ =	swait.ge [sflag:s26], $0x1  }
0xb6: {  	[sflag:s26] =	ssyncadd.s32 $0xFFFFFFFF  }
0xb7: {  	_ =	strace $0x90000048  }
0xb8: {  	_ =	sfence  }
0xb9: {  	s28 =	sld [smem:$0x0];
	_ =	sdelay $0x1  }
0xba: {  	s29 =	srdreg.scid  }
0xbb: {  	s30 =	sshll.u32 s29, $0xD;
	s31 =	sshrl.u32 s29, $0x2  }
0xbc: {  	s1 =	sand.u32 $0x1, s29;
	s2 =	sand.u32 $0x4000, s30;
	s0 =	sadd.s32 s31, s28  }
0xbd: {  	s1 =	sor.u32 s2, s1;
	s0 =	sshll.u32 s0, $0x11  }
0xbe: {  	s0 =	sor.u32 s0, s1  }
0xbf: {  	s0 =	sadd.s32 $0x8F2B, s0  }
0xc0: {  	[sflag:s0] =	ssyncadd.remote.s32 $0x1  }
0xc1: {  	_ =	sfence.sel $0xFFFF  }
0xc2: {  	[dreg:$0x0] =	wrdreg $0xFFFFFFFF;
	(pc) =	sbr.abs _section_cstart, $3  }
0xc3: {  	[dreg:$0x1] =	wrdreg $0xFFFFFFFF  }
0xc4: {  	_ =	task.clear_ibuf [dreg:s7], $0x2FFFF;
	_ =	strace $0x9FFFFFFF  }
0xc5: {  	(tm) =	ssettm $0x7FFFFFFF  }
tec
execute0_lowered:
.L_overlay_start_1:
0x0: {  	(tag) =	ssettag $0x1  }
0x1: {  	s1 =	rddreg [dreg:$0x0]  }
0x2: {  	s8 =	rddreg [dreg:$0x1]  }
0x3: {  	s4 =	rddreg [dreg:$0x2];
	s9 =	stileid.u32  }
0x4: {  	s0 =	rddreg [dreg:$0x3];
	s3 =	simm.s32 $0x0;
	s5 =	sshll.u32 s9, $0x8  }
0x5: {  	[smem:$0x7FF] =	sst s3;
	s5 =	sadd.s32 s5, s1  }
0x6: {  	s2 =	rddreg [dreg:$0x4];
	_ =	strace $0x80000047;
	s5 =	sadd.s32 $0x1200, s5  }
0x7: {  	[tilespmem:s3], [sflag:$0x1] =	stream.linear.gather [hbm4b:s5+s3], $0x800, $0x38;
	[tilespmem:$0x5B80] =	vst v63  }
0x8: {  	s6 =	simm.s32 $0x800;
	s26 =	sadd.s32 $0x2200, s1  }
0x9: {  	[tilespmem:s6], [sflag:$0x1] =	stream.linear.gather [hbm4b:s26+s3], $0x10, $0x38;
	[tilespmem:$0x5B80] =	vst v63  }
0xa: {  	s29 =	simm.s32 $0x880;
	s28 =	sadd.s32 $0x2400, s1;
	s1 =	sshll.u32 s9, $0x4  }
0xb: {  	[tilespmem:s29], [sflag:$0x1] =	stream.linear.gather [hbm4b:s28+s3], $0x10, $0x38;
	[tilespmem:$0x5B80] =	vst v63  }
0xc: {  	s30 =	simm.s32 $0x5280;
	s31 =	simm.s32 $0x1;
	s4 =	sadd.s32 s4, s1  }
0xd: {  	[tilespmem:s30], [sflag:$0x1] =	stream.linear.gather [hbm4b:s4+s3], $0x80, $0x38;
	[tilespmem:$0x5B80] =	vst v63  }
0xe: {  	_ =	swait.ge [sflag:s31], $0x800  }
0xf: {  	[sflag:s31] =	ssyncset.done $0x0  }
0x10: {  	[sflag:s31] =	ssyncadd.s32 $0xFFFFF800  }
0x11: {  	_ =	swait.ge [sflag:s31], $0x10  }
0x12: {  	[sflag:s31] =	ssyncset.done $0x0  }
0x13: {  	[sflag:s31] =	ssyncadd.s32 $0xFFFFFFF0  }
0x14: {  	_ =	swait.ge [sflag:s31], $0x10  }
0x15: {  	[sflag:s31] =	ssyncset.done $0x0  }
0x16: {  	[sflag:s31] =	ssyncadd.s32 $0xFFFFFFF0  }
0x17: {  	_ =	swait.ge [sflag:s31], $0x80  }
0x18: {  	[sflag:s31] =	ssyncset.done $0x0  }
0x19: {  	v1 =	vimm.f32 $0.0e+00;
	[sflag:s31] =	ssyncadd.s32 $0xFFFFFF80  }
0x1a: {  	v0 =	vimm.s32 $0x0;
	[tilespmem:$0x900] =	vst v1  }
0x1b: {  	[tilespmem:$0x980] =	vst v0  }
0x1c: {  	[tilespmem:$0x910] =	vst v1  }
0x1d: {  	[tilespmem:$0x990] =	vst v0  }
0x1e: {  	[tilespmem:$0x920] =	vst v1  }
0x1f: {  	[tilespmem:$0x9A0] =	vst v0  }
0x20: {  	[tilespmem:$0x930] =	vst v1  }
0x21: {  	[tilespmem:$0x9B0] =	vst v0  }
0x22: {  	v3 =	vlaneseq.u32;
	s4 =	sshll.u32 s9, $0xB;
	v2 =	vld [tilespmem:$0x800];
	[tilespmem:$0x940] =	vst v1  }
0x23: {  	v5 =	vimm.s32 $0xF;
	s5 =	simm.s32 $0x900;
	s6 =	simm.s32 $0x980;
	v3 =	vor.u32 s4, v3;
	v4 =	vld [tilespmem:$0x880];
	[tilespmem:$0x9C0] =	vst v0;
	v1 =	vimm.s32 $0x0  }
.LBB2_1:
0x24: {  	s7 =	sshra.s32 s3, $0x2  }
0x25: {  	v6 =	vld [tilespmem:s7+$0x0];
	_ =	sdelay $0x4  }
0x26: {  	vm1 =	vle.s32 v3, v4;
	vm0 =	veq.f32 v6, v2  }
0x27: {  	vm2 =	vgt.f32 v6, v2;
	vm0 =	vmand vm1, vm0  }
0x28: {  	vm0 =	vmor vm2, vm0  }
0x29: {  	v7 =	vsel vm0, $0x1, v0  }
0x2a: {  	(xrf0) =	vadd.scan.msk.s32 $0xffff, v7;
	_ =	sdelay $0x5  }
0x2b: {  	v7, _, _ =	vpop (xrf0)  }
0x2c: {  	v1 =	vadd.s32 v1, v7  }
0x2d: {  	v7 =	vadd.s32 $0xFFFFFFFF, v1  }
0x2e: {  	p0 =	sne.s32 s3, $0x1FC0  }
.Ltmp0:
0x2f: {  	_ = 	snop;
	(pc) =	sbr.rel @p0 .LBB2_1-.Ltmp0, $3  }
0x30: {  	_ =	sdelay $0x1  }
0x31: {  	[tilespmem:v7+s5+$0x0] =	vst.idx.msk vm0, v6  }
0x32: {  	s3 =	sadd.s32 $0x40, s3;
	v1 =	vperm.xlane v1, v5;
	[tilespmem:v7+s6+$0x0] =	vst.idx.msk vm0, v3;
	v3 =	vadd.s32 $0x10, v3  }
0x33: {  	v0 =	vimm.f32 $0.0e+00;
	s5 =	simm.s32 $0x40;
	s3 =	simm.s32 $0x0  }
.LBB2_3:
0x34: {  	p0 =	sne.s32 s5, $0x1FC0;
	[tilespmem:s3+$0x4A00] =	vst v0;
	s3 =	smov.u32 s5;
	s5 =	sadd.s32 $0x40, s5  }
.Ltmp1:
0x35: {  	(pc) =	sbr.rel @p0 .LBB2_3-.Ltmp1, $2  }
0x36: {  	_ =	sdelay $0x2  }
0x37: {  	s3 =	sshra.s32 s3, $0x2  }
0x38: {  	v1 =	vxor.u32 $0x80000000, v1  }
0x39: {  	(xrf0) =	vmax.scan.msk.u32 $0xffff, v1;
	_ =	sdelay $0x5  }
0x3a: {  	v1, _, _ =	vpop (xrf0)  }
0x3b: {  	(v2sf) =	vpush v1, $0xF;
	_ =	sdelay $0x8  }
0x3c: {  	s5 =	sshll.u32 s9, $0x7  }
0x3d: {  	s0 =	sadd.s32 s0, s1;
	s13 =	sadd.s32 s5, s2  }
0x3e: {  	[dreg:$0x6] =	wrdreg s0;
	s15 =	sadd.s32 $0x2000, s13  }
0x3f: {  	s16 =	sadd.s32 $0x2800, s13;
	[dreg:$0x12] =	wrdreg s15  }
0x40: {  	s17 =	sadd.s32 $0x3000, s13;
	[dreg:$0x11] =	wrdreg s16  }
0x41: {  	s10 =	sadd.s32 s4, s2;
	s21 =	sadd.s32 $0x3800, s13;
	[dreg:$0x10] =	wrdreg s17  }
0x42: {  	s23 =	sadd.s32 $0x4000, s13;
	[dreg:$0xf] =	wrdreg s21;
	s22 =	spop (v2sf)  }
0x43: {  	s24 =	sadd.s32 $0x4800, s13;
	[dreg:$0xe] =	wrdreg s23;
	s2 =	sadd.s32 $0x80000007, s22  }
0x44: {  	s25 =	sadd.s32 $0x5000, s13;
	[dreg:$0xd] =	wrdreg s24;
	s21 =	sshra.s32 s2, $0x3  }
0x45: {  	s26 =	sadd.s32 $0x5800, s13;
	[dreg:$0xc] =	wrdreg s25;
	p0 =	slt.s32 s21, $0x1  }
.Ltmp2:
0x46: {  	s28 =	sadd.s32 $0x6000, s13;
	[dreg:$0xb] =	wrdreg s26;
	(pc) =	sbr.rel @p0 .LBB2_9-.Ltmp2, $4  }
0x47: {  	s29 =	sadd.s32 $0x6800, s13;
	[dreg:$0xa] =	wrdreg s28  }
0x48: {  	s30 =	sadd.s32 $0x7000, s13;
	[dreg:$0x9] =	wrdreg s29  }
0x49: {  	s20 =	sadd.s32 $0x800, s13;
	s31 =	sadd.s32 $0x7800, s13;
	[dreg:$0x8] =	wrdreg s30  }
0x4a: {  	[tilespmem:s3+$0x4A00] =	vst v0;
	s19 =	sadd.s32 $0x1000, s13;
	s18 =	sadd.s32 $0x1800, s13;
	[dreg:$0x7] =	wrdreg s31  }
0x4b: {  	s22 =	sadd.s32 $0x100, s8;
	s23 =	sadd.s32 $0x200, s8;
	s24 =	sadd.s32 $0x300, s8  }
0x4c: {  	v0 =	vlaneseq.u32;
	s25 =	sadd.s32 $0x400, s8;
	s26 =	sadd.s32 $0x500, s8;
	s28 =	sadd.s32 $0x600, s8;
	vm0 =	vmmov $0xffff  }
0x4d: {  	s29 =	sadd.s32 $0x700, s8;
	s30 =	simm.s32 $0x0;
	s31 =	simm.s32 $0xA00;
	vm1 =	vmmov $0x1;
	v2 =	vimm.s32 $0xF;
	vm2 =	vcmask $0x308  }
0x4e: {  	s0 =	simm.s32 $0x1200;
	s2 =	simm.s32 $0x1A00;
	s3 =	simm.s32 $0x2200;
	vm3 =	vcmask $0x70C;
	vm4 =	vcmask $0xB10;
	vm5 =	vcmask $0xF14  }
0x4f: {  	s4 =	simm.s32 $0x2A00;
	s5 =	simm.s32 $0x3200;
	s6 =	simm.s32 $0x3A00;
	vm6 =	vcmask $0x1318;
	vm7 =	vcmask $0x171C;
	v1 =	vshrl.u32 v0, $0x3  }
0x50: {  	s1 =	simm.s32 $0x4200;
	s7 =	simm.s32 $0x1;
	vm8 =	vcmask $0x1B20;
	s9 =	simm.s32 $0x0;
	v0 =	vand.u32 $0x7, v0;
	v1 =	vmul.u32 $0x8, v1  }
.LBB2_6:
0x51: {  	s11 =	sshll.u32 s9, $0x3  }
0x52: {  	v3 =	vld.msk [tilespmem:s11+$0x980], $0xff;
	_ =	sdelay $0x4  }
0x53: {  	v4 =	vshll.u32 v3, $0x4  }
0x54: {  	v3 =	vand.u32 $0x7, v3;
	v4 =	vand.u32 $0xFFFFFF80, v4  }
0x55: {  	v3 =	vor.u32 v3, v4  }
0x56: {  	v3 =	vperm.xlane v3, v0;
	_ =	sdelay $0x1  }
0x57: {  	v3 =	vadd.s32 v1, v3;
	_ =	sdelay $0x4  }
0x58: {  	[tilespmem:s31], [sflag:$0x1] =	stream.indirect_vreg.gather [hbm4b:s8+s30], $0x80, v3, vm0, $0xb8;
	[tilespmem:$0x5B80] =	vst v63  }
0x59: {  	_ = 	snop  }
0x5a: {  	[tilespmem:s0], [sflag:$0x1] =	stream.indirect_vreg.gather [hbm4b:s22+s30], $0x80, v3, vm0, $0xb8;
	[tilespmem:$0x5B80] =	vst v63  }
0x5b: {  	_ = 	snop  }
0x5c: {  	[tilespmem:s2], [sflag:$0x1] =	stream.indirect_vreg.gather [hbm4b:s23+s30], $0x80, v3, vm0, $0xb8;
	[tilespmem:$0x5B80] =	vst v63  }
0x5d: {  	_ = 	snop  }
0x5e: {  	[tilespmem:s3], [sflag:$0x1] =	stream.indirect_vreg.gather [hbm4b:s24+s30], $0x80, v3, vm0, $0xb8;
	[tilespmem:$0x5B80] =	vst v63  }
0x5f: {  	_ = 	snop  }
0x60: {  	[tilespmem:s4], [sflag:$0x1] =	stream.indirect_vreg.gather [hbm4b:s25+s30], $0x80, v3, vm0, $0xb8;
	[tilespmem:$0x5B80] =	vst v63  }
0x61: {  	_ = 	snop  }
0x62: {  	[tilespmem:s5], [sflag:$0x1] =	stream.indirect_vreg.gather [hbm4b:s26+s30], $0x80, v3, vm0, $0xb8;
	[tilespmem:$0x5B80] =	vst v63  }
0x63: {  	_ = 	snop  }
0x64: {  	[tilespmem:s6], [sflag:$0x1] =	stream.indirect_vreg.gather [hbm4b:s28+s30], $0x80, v3, vm0, $0xb8;
	[tilespmem:$0x5B80] =	vst v63  }
0x65: {  	_ = 	snop  }
0x66: {  	[tilespmem:s1], [sflag:$0x1] =	stream.indirect_vreg.gather [hbm4b:s29+s30], $0x80, v3, vm0, $0xb8;
	[tilespmem:$0x5B80] =	vst v63  }
0x67: {  	_ =	swait.ge [sflag:s7], $0x4000  }
0x68: {  	[sflag:s7] =	ssyncset.done $0x0  }
0x69: {  	[sflag:s7] =	ssyncadd.s32 $0xFFFFC000  }
0x6a: {  	v5 =	vld [tilespmem:s11+$0x900];
	_ =	sdelay $0x4  }
0x6b: {  	v3 =	vnsel vm1, $0x0, v5  }
0x6c: {  	(xrf2) =	vadd.scan.msk.f32 $0xffff, v3  }
0x6d: {  	v3 =	vsel vm2, $0x0, v5  }
0x6e: {  	(xrf2) =	vadd.scan.msk.f32 $0xffff, v3  }
0x6f: {  	v3 =	vsel vm3, $0x0, v5  }
0x70: {  	(xrf2) =	vadd.scan.msk.f32 $0xffff, v3  }
0x71: {  	v3 =	vsel vm4, $0x0, v5  }
0x72: {  	s15 =	sand.u32 $0x70, s30;
	s12 =	sand.u32 $0x3C00, s30;
	(xrf2) =	vadd.scan.msk.f32 $0xffff, v3  }
0x73: {  	s12 =	sor.u32 s15, s12  }
0x74: {  	v6 =	vld [tilespmem:s12+$0xA00];
	v3 =	vsel vm5, $0x0, v5  }
0x75: {  	s11 =	simm.s32 $0x4A00;
	v8 =	vld [tilespmem:s12+$0xA80];
	(xrf2) =	vadd.scan.msk.f32 $0xffff, v3  }
0x76: {  	v7 =	vld [tilespmem:s11+$0x0];
	v3 =	vsel vm6, $0x0, v5;
	v4, _, _ =	vpop (xrf2)  }
0x77: {  	(xrf2) =	vadd.scan.msk.f32 $0xffff, v3;
	v3 =	vperm.xlane v4, v2  }
0x78: {  	v10 =	vld [tilespmem:s12+$0xB00];
	v4 =	vsel vm7, $0x0, v5;
	v9, _, _ =	vpop (xrf2)  }
0x79: {  	v5 =	vsel vm8, $0x0, v5;
	(xrf2) =	vadd.scan.msk.f32 $0xffff, v4;
	v4 =	vperm.xlane v9, v2;
	v9 =	vmul.f32 v6, v3  }
0x7a: {  	v11 =	vld [tilespmem:s12+$0xB80];
	v6, _, _ =	vpop (xrf2)  }
0x7b: {  	(xrf2) =	vadd.scan.msk.f32 $0xffff, v5;
	v6 =	vperm.xlane v6, v2;
	v8 =	vmul.f32 v8, v4;
	v7 =	vadd.f32 v9, v7  }
0x7c: {  	v5, _, _ =	vpop (xrf2)  }
0x7d: {  	v9 =	vld [tilespmem:s12+$0xC00];
	v5 =	vperm.xlane v5, v2;
	v10 =	vmul.f32 v10, v6;
	v8 =	vadd.f32 v8, v7;
	_ =	sdelay $0x1  }
0x7e: {  	s14 =	sand.u32 $0x7, s30;
	v12 =	vld [tilespmem:s12+$0xC80];
	v11 =	vmul.f32 v11, v5;
	v7, _, _ =	vpop (xrf2);
	v10 =	vadd.f32 v10, v8  }
0x7f: {  	s14 =	sshll.u32 s14, $0x4;
	v7 =	vperm.xlane v7, v2  }
0x80: {  	s14 =	sadd.s32 $0x0, s14;
	v13 =	vld [tilespmem:s12+$0xD00];
	v8, _, _ =	vpop (xrf2);
	v10 =	vadd.f32 v11, v10  }
0x81: {  	s16 =	sor.u32 $0x380, s14;
	v8 =	vperm.xlane v8, v2;
	v11 =	vmul.f32 v9, v7  }
0x82: {  	v14 =	vld [tilespmem:s16+$0xA00];
	v9, _, _ =	vpop (xrf2)  }
0x83: {  	v9 =	vperm.xlane v9, v2;
	v11 =	vadd.f32 v11, v10;
	v12 =	vmul.f32 v12, v8  }
0x84: {  	v10, _, _ =	vpop (xrf2)  }
0x85: {  	v62 =	vmul.f32 v13, v9;
	v10 =	vperm.xlane v10, v2;
	v11 =	vadd.f32 v12, v11;
	_ =	sdelay $0x1  }
0x86: {  	v11 =	vadd.f32 v62, v11;
	v63 =	vmul.f32 v14, v10;
	_ =	sdelay $0x1  }
0x87: {  	s17 =	simm.s32 $0x10;
	s15 =	simm.s32 $0x20;
	s12 =	simm.s32 $0x80;
	v11 =	vadd.f32 v63, v11  }
0x88: {  	s14 =	simm.s32 $0x0;
	s16 =	sand.u32 $0x70, s17;
	s17 =	sand.u32 $0x3C00, s12  }
.LBB2_7:
0x89: {  	p0 =	sne.s32 s15, $0x7F0;
	s16 =	sor.u32 s16, s17;
	[tilespmem:s11+$0x0] =	vst v11  }
0x8a: {  	s11 =	sadd.s32 $0x10, s11;
	v11 =	vld [tilespmem:s16+$0xA00]  }
0x8b: {  	v12 =	vld [tilespmem:s11+$0x0]  }
0x8c: {  	v13 =	vld [tilespmem:s16+$0xA80];
	_ =	sdelay $0x1  }
0x8d: {  	v14 =	vld [tilespmem:s16+$0xB00]  }
0x8e: {  	v11 =	vmul.f32 v11, v3  }
0x8f: {  	v15 =	vld [tilespmem:s16+$0xB80]  }
0x90: {  	v11 =	vadd.f32 v11, v12;
	v12 =	vmul.f32 v13, v4  }
0x91: {  	v13 =	vld [tilespmem:s16+$0xC00]  }
0x92: {  	s14 =	sadd.s32 $0x1, s14;
	v11 =	vadd.f32 v12, v11;
	v12 =	vmul.f32 v14, v6  }
0x93: {  	s17 =	sand.u32 $0x7, s14;
	v14 =	vld [tilespmem:s16+$0xC80]  }
0x94: {  	s17 =	sshll.u32 s17, $0x4;
	v11 =	vadd.f32 v12, v11;
	v12 =	vmul.f32 v15, v5  }
0x95: {  	s17 =	sadd.s32 s17, s12;
	v15 =	vld [tilespmem:s16+$0xD00]  }
0x96: {  	s16 =	sor.u32 $0x380, s17;
	v11 =	vadd.f32 v12, v11;
	v12 =	vmul.f32 v13, v7  }
0x97: {  	v13 =	vld [tilespmem:s16+$0xA00]  }
0x98: {  	v11 =	vadd.f32 v12, v11;
	v12 =	vmul.f32 v14, v8;
	_ =	sdelay $0x1  }
0x99: {  	v11 =	vadd.f32 v12, v11;
	v12 =	vmul.f32 v15, v9  }
.Ltmp3:
0x9a: {  	(pc) =	sbr.rel @p0 .LBB2_7-.Ltmp3, $3  }
0x9b: {  	v11 =	vadd.f32 v12, v11;
	v12 =	vmul.f32 v13, v10;
	_ =	sdelay $0x1  }
0x9c: {  	s12 =	sadd.s32 $0x80, s12;
	v11 =	vadd.f32 v12, v11  }
0x9d: {  	s17 =	sand.u32 $0x3C00, s12;
	s16 =	sand.u32 $0x70, s15;
	s15 =	sadd.s32 $0x10, s15  }
0x9e: {  	s15 =	sor.u32 s16, s17;
	[tilespmem:s11+$0x0] =	vst v11  }
0x9f: {  	s17 =	sadd.s32 $0x10, s11;
	v11 =	vld [tilespmem:s15+$0xA00]  }
0xa0: {  	v12 =	vld [tilespmem:s17+$0x0]  }
0xa1: {  	v13 =	vld [tilespmem:s15+$0xA80];
	_ =	sdelay $0x1  }
0xa2: {  	v14 =	vld [tilespmem:s15+$0xB00]  }
0xa3: {  	v3 =	vmul.f32 v11, v3  }
0xa4: {  	v53 =	vld [tilespmem:s15+$0xB80]  }
0xa5: {  	v4 =	vmul.f32 v13, v4;
	v3 =	vadd.f32 v3, v12  }
0xa6: {  	v54 =	vld [tilespmem:s15+$0xC00]  }
0xa7: {  	s14 =	sadd.s32 $0x1, s14;
	v55 =	vmul.f32 v14, v6;
	v3 =	vadd.f32 v4, v3  }
0xa8: {  	s14 =	sand.u32 $0x7, s14;
	v56 =	vld [tilespmem:s15+$0xC80]  }
0xa9: {  	s14 =	sshll.u32 s14, $0x4;
	v57 =	vmul.f32 v53, v5;
	v3 =	vadd.f32 v55, v3  }
0xaa: {  	v58 =	vld [tilespmem:s15+$0xD00];
	s12 =	sadd.s32 s14, s12  }
0xab: {  	s12 =	sor.u32 $0x380, s12;
	v59 =	vmul.f32 v54, v7;
	v3 =	vadd.f32 v57, v3  }
0xac: {  	v60 =	vld [tilespmem:s12+$0xA00]  }
0xad: {  	v61 =	vmul.f32 v56, v8;
	v3 =	vadd.f32 v59, v3;
	_ =	sdelay $0x1  }
0xae: {  	s9 =	sadd.s32 $0x1, s9;
	v62 =	vmul.f32 v58, v9;
	v3 =	vadd.f32 v61, v3  }
0xaf: {  	p0 =	sne.s32 s9, s21  }
.Ltmp4:
0xb0: {  	v63 =	vmul.f32 v60, v10;
	v3 =	vadd.f32 v62, v3;
	(pc) =	sbr.rel @p0 .LBB2_6-.Ltmp4, $3  }
0xb1: {  	_ = 	snop  }
0xb2: {  	v3 =	vadd.f32 v63, v3;
	_ =	sdelay $0x1  }
0xb3: {  	[tilespmem:s17+$0x0] =	vst v3  }
.LBB2_9:
0xb4: {  	s0 =	simm.s32 $0x4A00;
	s8 =	simm.s32 $0x2  }
0xb5: {  	[spmem:s10] =	stream.linear.scatter [tilespmem:s0], [sflag:$0x2], $0x800, $0x38;
	[tilespmem:$0x5B80] =	vst v63  }
0xb6: {  	_ =	swait.ge [sflag:s8], $0x800  }
0xb7: {  	[sflag:s8] =	ssyncset.done $0x0  }
0xb8: {  	[sflag:s8] =	ssyncadd.s32 $0xFFFFF800  }
0xb9: {  	s15 =	simm.s32 $0x5200;
	[bflag:$0x0] =	sbarrier.arrive $0xFFFF  }
0xba: {  	[tilespmem:s15], [sflag:$0x2] =	stream.linear.gather [spmem:s13], $0x80, $0x38;
	[tilespmem:$0x5B80] =	vst v63  }
0xbb: {  	_ =	swait.ge [sflag:s8], $0x80  }
0xbc: {  	[sflag:s8] =	ssyncset.done $0x0  }
0xbd: {  	s16 =	simm.s32 $0x5300;
	[sflag:s8] =	ssyncadd.s32 $0xFFFFFF80  }
0xbe: {  	[tilespmem:s16], [sflag:$0x2] =	stream.linear.gather [spmem:s20], $0x80, $0x38;
	[tilespmem:$0x5B80] =	vst v63  }
0xbf: {  	_ =	swait.ge [sflag:s8], $0x80  }
0xc0: {  	[sflag:s8] =	ssyncset.done $0x0  }
0xc1: {  	[sflag:s8] =	ssyncadd.s32 $0xFFFFFF80  }
0xc2: {  	v0 =	vld [tilespmem:$0x5200]  }
0xc3: {  	v1 =	vld [tilespmem:$0x5300]  }
0xc4: {  	v2 =	vld [tilespmem:$0x5210]  }
0xc5: {  	v3 =	vld [tilespmem:$0x5310]  }
0xc6: {  	v4 =	vld [tilespmem:$0x5220]  }
0xc7: {  	v5 =	vld [tilespmem:$0x5320]  }
0xc8: {  	v6 =	vld [tilespmem:$0x5230]  }
0xc9: {  	v7 =	vld [tilespmem:$0x5330]  }
0xca: {  	v8 =	vld [tilespmem:$0x5240]  }
0xcb: {  	v9 =	vld [tilespmem:$0x5340]  }
0xcc: {  	v10 =	vld [tilespmem:$0x5250]  }
0xcd: {  	v11 =	vld [tilespmem:$0x5350]  }
0xce: {  	v12 =	vld [tilespmem:$0x5260]  }
0xcf: {  	v38 =	vld [tilespmem:$0x5360];
	v0 =	vadd.f32 v1, v0  }
0xd0: {  	v39 =	vld [tilespmem:$0x5270];
	v2 =	vadd.f32 v3, v2  }
0xd1: {  	v41 =	vld [tilespmem:$0x5370];
	v40 =	vadd.f32 v5, v4;
	[tilespmem:$0x5200] =	vst v0  }
0xd2: {  	v42 =	vadd.f32 v7, v6;
	[tilespmem:$0x5210] =	vst v2  }
0xd3: {  	v43 =	vadd.f32 v9, v8;
	[tilespmem:$0x5220] =	vst v40  }
0xd4: {  	v44 =	vadd.f32 v11, v10;
	[tilespmem:$0x5230] =	vst v42  }
0xd5: {  	v45 =	vadd.f32 v38, v12;
	[tilespmem:$0x5240] =	vst v43  }
0xd6: {  	v46 =	vadd.f32 v41, v39;
	[tilespmem:$0x5250] =	vst v44  }
0xd7: {  	[tilespmem:$0x5260] =	vst v45  }
0xd8: {  	[tilespmem:$0x5270] =	vst v46  }
0xd9: {  	[tilespmem:s16], [sflag:$0x2] =	stream.linear.gather [spmem:s19], $0x80, $0x38;
	[tilespmem:$0x5B80] =	vst v63  }
0xda: {  	_ =	swait.ge [sflag:s8], $0x80  }
0xdb: {  	[sflag:s8] =	ssyncset.done $0x0  }
0xdc: {  	[sflag:s8] =	ssyncadd.s32 $0xFFFFFF80  }
0xdd: {  	v47 =	vld [tilespmem:$0x5200]  }
0xde: {  	v48 =	vld [tilespmem:$0x5300]  }
0xdf: {  	v49 =	vld [tilespmem:$0x5210]  }
0xe0: {  	v50 =	vld [tilespmem:$0x5310]  }
0xe1: {  	v51 =	vld [tilespmem:$0x5220]  }
0xe2: {  	v52 =	vld [tilespmem:$0x5320]  }
0xe3: {  	v53 =	vld [tilespmem:$0x5230]  }
0xe4: {  	v54 =	vld [tilespmem:$0x5330]  }
0xe5: {  	v55 =	vld [tilespmem:$0x5240]  }
0xe6: {  	v56 =	vld [tilespmem:$0x5340]  }
0xe7: {  	v57 =	vld [tilespmem:$0x5250]  }
0xe8: {  	v58 =	vld [tilespmem:$0x5350]  }
0xe9: {  	v59 =	vld [tilespmem:$0x5260]  }
0xea: {  	v60 =	vld [tilespmem:$0x5360];
	v0 =	vadd.f32 v48, v47  }
0xeb: {  	v61 =	vld [tilespmem:$0x5270];
	v2 =	vadd.f32 v50, v49  }
0xec: {  	v63 =	vld [tilespmem:$0x5370];
	v62 =	vadd.f32 v52, v51;
	[tilespmem:$0x5200] =	vst v0  }
0xed: {  	v7 =	vadd.f32 v54, v53;
	[tilespmem:$0x5210] =	vst v2  }
0xee: {  	v9 =	vadd.f32 v56, v55;
	[tilespmem:$0x5220] =	vst v62  }
0xef: {  	v13 =	vadd.f32 v58, v57;
	[tilespmem:$0x5230] =	vst v7  }
0xf0: {  	v14 =	vadd.f32 v60, v59;
	[tilespmem:$0x5240] =	vst v9  }
0xf1: {  	v15 =	vadd.f32 v63, v61;
	[tilespmem:$0x5250] =	vst v13  }
0xf2: {  	[tilespmem:$0x5260] =	vst v14  }
0xf3: {  	[tilespmem:$0x5270] =	vst v15  }
0xf4: {  	[tilespmem:s16], [sflag:$0x2] =	stream.linear.gather [spmem:s18], $0x80, $0x38;
	[tilespmem:$0x5B80] =	vst v63  }
0xf5: {  	_ =	swait.ge [sflag:s8], $0x80  }
0xf6: {  	[sflag:s8] =	ssyncset.done $0x0  }
0xf7: {  	[sflag:s8] =	ssyncadd.s32 $0xFFFFFF80  }
0xf8: {  	v16 =	vld [tilespmem:$0x5200]  }
0xf9: {  	v17 =	vld [tilespmem:$0x5300]  }
0xfa: {  	v18 =	vld [tilespmem:$0x5210]  }
0xfb: {  	v19 =	vld [tilespmem:$0x5310]  }
0xfc: {  	v20 =	vld [tilespmem:$0x5220]  }
0xfd: {  	v21 =	vld [tilespmem:$0x5320]  }
0xfe: {  	v22 =	vld [tilespmem:$0x5230]  }
0xff: {  	v23 =	vld [tilespmem:$0x5330]  }
0x100: {  	v24 =	vld [tilespmem:$0x5240]  }
0x101: {  	v25 =	vld [tilespmem:$0x5340]  }
0x102: {  	v26 =	vld [tilespmem:$0x5250]  }
0x103: {  	v27 =	vld [tilespmem:$0x5350]  }
0x104: {  	v28 =	vld [tilespmem:$0x5260]  }
0x105: {  	v29 =	vld [tilespmem:$0x5360];
	v0 =	vadd.f32 v17, v16  }
0x106: {  	v30 =	vld [tilespmem:$0x5270];
	v2 =	vadd.f32 v19, v18  }
0x107: {  	v32 =	vld [tilespmem:$0x5370];
	v31 =	vadd.f32 v21, v20;
	[tilespmem:$0x5200] =	vst v0  }
0x108: {  	v33 =	vadd.f32 v23, v22;
	[tilespmem:$0x5210] =	vst v2  }
0x109: {  	v34 =	vadd.f32 v25, v24;
	[tilespmem:$0x5220] =	vst v31  }
0x10a: {  	v35 =	vadd.f32 v27, v26;
	[tilespmem:$0x5230] =	vst v33  }
0x10b: {  	v36 =	vadd.f32 v29, v28;
	[tilespmem:$0x5240] =	vst v34  }
0x10c: {  	v37 =	vadd.f32 v32, v30;
	[tilespmem:$0x5250] =	vst v35  }
0x10d: {  	[tilespmem:$0x5260] =	vst v36  }
0x10e: {  	s17 =	rddreg [dreg:$0x12];
	[tilespmem:$0x5270] =	vst v37  }
0x10f: {  	[tilespmem:s16], [sflag:$0x2] =	stream.linear.gather [spmem:s17], $0x80, $0x38;
	[tilespmem:$0x5B80] =	vst v63  }
0x110: {  	_ =	swait.ge [sflag:s8], $0x80  }
0x111: {  	[sflag:s8] =	ssyncset.done $0x0  }
0x112: {  	[sflag:s8] =	ssyncadd.s32 $0xFFFFFF80  }
0x113: {  	v38 =	vld [tilespmem:$0x5200]  }
0x114: {  	v39 =	vld [tilespmem:$0x5300]  }
0x115: {  	v40 =	vld [tilespmem:$0x5210]  }
0x116: {  	v41 =	vld [tilespmem:$0x5310]  }
0x117: {  	v42 =	vld [tilespmem:$0x5220]  }
0x118: {  	v43 =	vld [tilespmem:$0x5320]  }
0x119: {  	v44 =	vld [tilespmem:$0x5230]  }
0x11a: {  	v45 =	vld [tilespmem:$0x5330]  }
0x11b: {  	v46 =	vld [tilespmem:$0x5240]  }
0x11c: {  	v47 =	vld [tilespmem:$0x5340]  }
0x11d: {  	v48 =	vld [tilespmem:$0x5250]  }
0x11e: {  	v49 =	vld [tilespmem:$0x5350]  }
0x11f: {  	v50 =	vld [tilespmem:$0x5260]  }
0x120: {  	v51 =	vld [tilespmem:$0x5360];
	v0 =	vadd.f32 v39, v38  }
0x121: {  	v52 =	vld [tilespmem:$0x5270];
	v2 =	vadd.f32 v41, v40  }
0x122: {  	v54 =	vld [tilespmem:$0x5370];
	v53 =	vadd.f32 v43, v42;
	[tilespmem:$0x5200] =	vst v0  }
0x123: {  	v55 =	vadd.f32 v45, v44;
	[tilespmem:$0x5210] =	vst v2  }
0x124: {  	v56 =	vadd.f32 v47, v46;
	[tilespmem:$0x5220] =	vst v53  }
0x125: {  	v57 =	vadd.f32 v49, v48;
	[tilespmem:$0x5230] =	vst v55  }
0x126: {  	v58 =	vadd.f32 v51, v50;
	[tilespmem:$0x5240] =	vst v56  }
0x127: {  	v59 =	vadd.f32 v54, v52;
	[tilespmem:$0x5250] =	vst v57  }
0x128: {  	[tilespmem:$0x5260] =	vst v58  }
0x129: {  	s18 =	rddreg [dreg:$0x11];
	[tilespmem:$0x5270] =	vst v59  }
0x12a: {  	[tilespmem:s16], [sflag:$0x2] =	stream.linear.gather [spmem:s18], $0x80, $0x38;
	[tilespmem:$0x5B80] =	vst v63  }
0x12b: {  	_ =	swait.ge [sflag:s8], $0x80  }
0x12c: {  	[sflag:s8] =	ssyncset.done $0x0  }
0x12d: {  	[sflag:s8] =	ssyncadd.s32 $0xFFFFFF80  }
0x12e: {  	v60 =	vld [tilespmem:$0x5200]  }
0x12f: {  	v61 =	vld [tilespmem:$0x5300]  }
0x130: {  	v62 =	vld [tilespmem:$0x5210]  }
0x131: {  	v63 =	vld [tilespmem:$0x5310]  }
0x132: {  	v16 =	vld [tilespmem:$0x5220]  }
0x133: {  	v17 =	vld [tilespmem:$0x5320]  }
0x134: {  	v18 =	vld [tilespmem:$0x5230]  }
0x135: {  	v19 =	vld [tilespmem:$0x5330]  }
0x136: {  	v20 =	vld [tilespmem:$0x5240]  }
0x137: {  	v21 =	vld [tilespmem:$0x5340]  }
0x138: {  	v22 =	vld [tilespmem:$0x5250]  }
0x139: {  	v23 =	vld [tilespmem:$0x5350]  }
0x13a: {  	v24 =	vld [tilespmem:$0x5260]  }
0x13b: {  	v25 =	vld [tilespmem:$0x5360];
	v0 =	vadd.f32 v61, v60  }
0x13c: {  	v26 =	vld [tilespmem:$0x5270];
	v2 =	vadd.f32 v63, v62  }
0x13d: {  	v28 =	vld [tilespmem:$0x5370];
	v27 =	vadd.f32 v17, v16;
	[tilespmem:$0x5200] =	vst v0  }
0x13e: {  	v29 =	vadd.f32 v19, v18;
	[tilespmem:$0x5210] =	vst v2  }
0x13f: {  	v30 =	vadd.f32 v21, v20;
	[tilespmem:$0x5220] =	vst v27  }
0x140: {  	v31 =	vadd.f32 v23, v22;
	[tilespmem:$0x5230] =	vst v29  }
0x141: {  	v32 =	vadd.f32 v25, v24;
	[tilespmem:$0x5240] =	vst v30  }
0x142: {  	v33 =	vadd.f32 v28, v26;
	[tilespmem:$0x5250] =	vst v31  }
0x143: {  	[tilespmem:$0x5260] =	vst v32  }
0x144: {  	s19 =	rddreg [dreg:$0x10];
	[tilespmem:$0x5270] =	vst v33  }
0x145: {  	[tilespmem:s16], [sflag:$0x2] =	stream.linear.gather [spmem:s19], $0x80, $0x38;
	[tilespmem:$0x5B80] =	vst v63  }
0x146: {  	_ =	swait.ge [sflag:s8], $0x80  }
0x147: {  	[sflag:s8] =	ssyncset.done $0x0  }
0x148: {  	[sflag:s8] =	ssyncadd.s32 $0xFFFFFF80  }
0x149: {  	v34 =	vld [tilespmem:$0x5200]  }
0x14a: {  	v35 =	vld [tilespmem:$0x5300]  }
0x14b: {  	v36 =	vld [tilespmem:$0x5210]  }
0x14c: {  	v37 =	vld [tilespmem:$0x5310]  }
0x14d: {  	v38 =	vld [tilespmem:$0x5220]  }
0x14e: {  	v39 =	vld [tilespmem:$0x5320]  }
0x14f: {  	v40 =	vld [tilespmem:$0x5230]  }
0x150: {  	v41 =	vld [tilespmem:$0x5330]  }
0x151: {  	v42 =	vld [tilespmem:$0x5240]  }
0x152: {  	v43 =	vld [tilespmem:$0x5340]  }
0x153: {  	v44 =	vld [tilespmem:$0x5250]  }
0x154: {  	v45 =	vld [tilespmem:$0x5350]  }
0x155: {  	v46 =	vld [tilespmem:$0x5260]  }
0x156: {  	v47 =	vld [tilespmem:$0x5360];
	v0 =	vadd.f32 v35, v34  }
0x157: {  	v48 =	vld [tilespmem:$0x5270];
	v2 =	vadd.f32 v37, v36  }
0x158: {  	v50 =	vld [tilespmem:$0x5370];
	v49 =	vadd.f32 v39, v38;
	[tilespmem:$0x5200] =	vst v0  }
0x159: {  	v51 =	vadd.f32 v41, v40;
	[tilespmem:$0x5210] =	vst v2  }
0x15a: {  	v52 =	vadd.f32 v43, v42;
	[tilespmem:$0x5220] =	vst v49  }
0x15b: {  	v53 =	vadd.f32 v45, v44;
	[tilespmem:$0x5230] =	vst v51  }
0x15c: {  	v54 =	vadd.f32 v47, v46;
	[tilespmem:$0x5240] =	vst v52  }
0x15d: {  	v55 =	vadd.f32 v50, v48;
	[tilespmem:$0x5250] =	vst v53  }
0x15e: {  	[tilespmem:$0x5260] =	vst v54  }
0x15f: {  	s20 =	rddreg [dreg:$0xf];
	[tilespmem:$0x5270] =	vst v55  }
0x160: {  	[tilespmem:s16], [sflag:$0x2] =	stream.linear.gather [spmem:s20], $0x80, $0x38;
	[tilespmem:$0x5B80] =	vst v63  }
0x161: {  	_ =	swait.ge [sflag:s8], $0x80  }
0x162: {  	[sflag:s8] =	ssyncset.done $0x0  }
0x163: {  	[sflag:s8] =	ssyncadd.s32 $0xFFFFFF80  }
0x164: {  	v56 =	vld [tilespmem:$0x5200]  }
0x165: {  	v57 =	vld [tilespmem:$0x5300]  }
0x166: {  	v58 =	vld [tilespmem:$0x5210]  }
0x167: {  	v59 =	vld [tilespmem:$0x5310]  }
0x168: {  	v60 =	vld [tilespmem:$0x5220]  }
0x169: {  	v61 =	vld [tilespmem:$0x5320]  }
0x16a: {  	v62 =	vld [tilespmem:$0x5230]  }
0x16b: {  	v63 =	vld [tilespmem:$0x5330]  }
0x16c: {  	v16 =	vld [tilespmem:$0x5240]  }
0x16d: {  	v17 =	vld [tilespmem:$0x5340]  }
0x16e: {  	v18 =	vld [tilespmem:$0x5250]  }
0x16f: {  	v19 =	vld [tilespmem:$0x5350]  }
0x170: {  	v20 =	vld [tilespmem:$0x5260]  }
0x171: {  	v21 =	vld [tilespmem:$0x5360];
	v0 =	vadd.f32 v57, v56  }
0x172: {  	v22 =	vld [tilespmem:$0x5270];
	v2 =	vadd.f32 v59, v58  }
0x173: {  	v24 =	vld [tilespmem:$0x5370];
	v23 =	vadd.f32 v61, v60;
	[tilespmem:$0x5200] =	vst v0  }
0x174: {  	v25 =	vadd.f32 v63, v62;
	[tilespmem:$0x5210] =	vst v2  }
0x175: {  	v26 =	vadd.f32 v17, v16;
	[tilespmem:$0x5220] =	vst v23  }
0x176: {  	v27 =	vadd.f32 v19, v18;
	[tilespmem:$0x5230] =	vst v25  }
0x177: {  	v28 =	vadd.f32 v21, v20;
	[tilespmem:$0x5240] =	vst v26  }
0x178: {  	v29 =	vadd.f32 v24, v22;
	[tilespmem:$0x5250] =	vst v27  }
0x179: {  	[tilespmem:$0x5260] =	vst v28  }
0x17a: {  	s21 =	rddreg [dreg:$0xe];
	[tilespmem:$0x5270] =	vst v29  }
0x17b: {  	[tilespmem:s16], [sflag:$0x2] =	stream.linear.gather [spmem:s21], $0x80, $0x38;
	[tilespmem:$0x5B80] =	vst v63  }
0x17c: {  	_ =	swait.ge [sflag:s8], $0x80  }
0x17d: {  	[sflag:s8] =	ssyncset.done $0x0  }
0x17e: {  	[sflag:s8] =	ssyncadd.s32 $0xFFFFFF80  }
0x17f: {  	v30 =	vld [tilespmem:$0x5200]  }
0x180: {  	v31 =	vld [tilespmem:$0x5300]  }
0x181: {  	v32 =	vld [tilespmem:$0x5210]  }
0x182: {  	v33 =	vld [tilespmem:$0x5310]  }
0x183: {  	v34 =	vld [tilespmem:$0x5220]  }
0x184: {  	v35 =	vld [tilespmem:$0x5320]  }
0x185: {  	v36 =	vld [tilespmem:$0x5230]  }
0x186: {  	v37 =	vld [tilespmem:$0x5330]  }
0x187: {  	v38 =	vld [tilespmem:$0x5240]  }
0x188: {  	v39 =	vld [tilespmem:$0x5340]  }
0x189: {  	v40 =	vld [tilespmem:$0x5250]  }
0x18a: {  	v41 =	vld [tilespmem:$0x5350]  }
0x18b: {  	v42 =	vld [tilespmem:$0x5260]  }
0x18c: {  	v43 =	vld [tilespmem:$0x5360];
	v0 =	vadd.f32 v31, v30  }
0x18d: {  	v44 =	vld [tilespmem:$0x5270];
	v2 =	vadd.f32 v33, v32  }
0x18e: {  	v46 =	vld [tilespmem:$0x5370];
	v45 =	vadd.f32 v35, v34;
	[tilespmem:$0x5200] =	vst v0  }
0x18f: {  	v47 =	vadd.f32 v37, v36;
	[tilespmem:$0x5210] =	vst v2  }
0x190: {  	v48 =	vadd.f32 v39, v38;
	[tilespmem:$0x5220] =	vst v45  }
0x191: {  	v49 =	vadd.f32 v41, v40;
	[tilespmem:$0x5230] =	vst v47  }
0x192: {  	v50 =	vadd.f32 v43, v42;
	[tilespmem:$0x5240] =	vst v48  }
0x193: {  	v51 =	vadd.f32 v46, v44;
	[tilespmem:$0x5250] =	vst v49  }
0x194: {  	[tilespmem:$0x5260] =	vst v50  }
0x195: {  	s22 =	rddreg [dreg:$0xd];
	[tilespmem:$0x5270] =	vst v51  }
0x196: {  	[tilespmem:s16], [sflag:$0x2] =	stream.linear.gather [spmem:s22], $0x80, $0x38;
	[tilespmem:$0x5B80] =	vst v63  }
0x197: {  	_ =	swait.ge [sflag:s8], $0x80  }
0x198: {  	[sflag:s8] =	ssyncset.done $0x0  }
0x199: {  	[sflag:s8] =	ssyncadd.s32 $0xFFFFFF80  }
0x19a: {  	v52 =	vld [tilespmem:$0x5200]  }
0x19b: {  	v53 =	vld [tilespmem:$0x5300]  }
0x19c: {  	v54 =	vld [tilespmem:$0x5210]  }
0x19d: {  	v55 =	vld [tilespmem:$0x5310]  }
0x19e: {  	v56 =	vld [tilespmem:$0x5220]  }
0x19f: {  	v57 =	vld [tilespmem:$0x5320]  }
0x1a0: {  	v58 =	vld [tilespmem:$0x5230]  }
0x1a1: {  	v59 =	vld [tilespmem:$0x5330]  }
0x1a2: {  	v60 =	vld [tilespmem:$0x5240]  }
0x1a3: {  	v61 =	vld [tilespmem:$0x5340]  }
0x1a4: {  	v62 =	vld [tilespmem:$0x5250]  }
0x1a5: {  	v63 =	vld [tilespmem:$0x5350]  }
0x1a6: {  	v16 =	vld [tilespmem:$0x5260]  }
0x1a7: {  	v17 =	vld [tilespmem:$0x5360];
	v0 =	vadd.f32 v53, v52  }
0x1a8: {  	v18 =	vld [tilespmem:$0x5270];
	v2 =	vadd.f32 v55, v54  }
0x1a9: {  	v20 =	vld [tilespmem:$0x5370];
	v19 =	vadd.f32 v57, v56;
	[tilespmem:$0x5200] =	vst v0  }
0x1aa: {  	v21 =	vadd.f32 v59, v58;
	[tilespmem:$0x5210] =	vst v2  }
0x1ab: {  	v22 =	vadd.f32 v61, v60;
	[tilespmem:$0x5220] =	vst v19  }
0x1ac: {  	v23 =	vadd.f32 v63, v62;
	[tilespmem:$0x5230] =	vst v21  }
0x1ad: {  	v24 =	vadd.f32 v17, v16;
	[tilespmem:$0x5240] =	vst v22  }
0x1ae: {  	v25 =	vadd.f32 v20, v18;
	[tilespmem:$0x5250] =	vst v23  }
0x1af: {  	[tilespmem:$0x5260] =	vst v24  }
0x1b0: {  	s23 =	rddreg [dreg:$0xc];
	[tilespmem:$0x5270] =	vst v25  }
0x1b1: {  	[tilespmem:s16], [sflag:$0x2] =	stream.linear.gather [spmem:s23], $0x80, $0x38;
	[tilespmem:$0x5B80] =	vst v63  }
0x1b2: {  	_ =	swait.ge [sflag:s8], $0x80  }
0x1b3: {  	[sflag:s8] =	ssyncset.done $0x0  }
0x1b4: {  	[sflag:s8] =	ssyncadd.s32 $0xFFFFFF80  }
0x1b5: {  	v26 =	vld [tilespmem:$0x5200]  }
0x1b6: {  	v27 =	vld [tilespmem:$0x5300]  }
0x1b7: {  	v28 =	vld [tilespmem:$0x5210]  }
0x1b8: {  	v29 =	vld [tilespmem:$0x5310]  }
0x1b9: {  	v30 =	vld [tilespmem:$0x5220]  }
0x1ba: {  	v31 =	vld [tilespmem:$0x5320]  }
0x1bb: {  	v32 =	vld [tilespmem:$0x5230]  }
0x1bc: {  	v33 =	vld [tilespmem:$0x5330]  }
0x1bd: {  	v34 =	vld [tilespmem:$0x5240]  }
0x1be: {  	v35 =	vld [tilespmem:$0x5340]  }
0x1bf: {  	v36 =	vld [tilespmem:$0x5250]  }
0x1c0: {  	v37 =	vld [tilespmem:$0x5350]  }
0x1c1: {  	v38 =	vld [tilespmem:$0x5260]  }
0x1c2: {  	v39 =	vld [tilespmem:$0x5360];
	v0 =	vadd.f32 v27, v26  }
0x1c3: {  	v40 =	vld [tilespmem:$0x5270];
	v2 =	vadd.f32 v29, v28  }
0x1c4: {  	v42 =	vld [tilespmem:$0x5370];
	v41 =	vadd.f32 v31, v30;
	[tilespmem:$0x5200] =	vst v0  }
0x1c5: {  	v43 =	vadd.f32 v33, v32;
	[tilespmem:$0x5210] =	vst v2  }
0x1c6: {  	v44 =	vadd.f32 v35, v34;
	[tilespmem:$0x5220] =	vst v41  }
0x1c7: {  	v45 =	vadd.f32 v37, v36;
	[tilespmem:$0x5230] =	vst v43  }
0x1c8: {  	v46 =	vadd.f32 v39, v38;
	[tilespmem:$0x5240] =	vst v44  }
0x1c9: {  	v47 =	vadd.f32 v42, v40;
	[tilespmem:$0x5250] =	vst v45  }
0x1ca: {  	[tilespmem:$0x5260] =	vst v46  }
0x1cb: {  	s24 =	rddreg [dreg:$0xb];
	[tilespmem:$0x5270] =	vst v47  }
0x1cc: {  	[tilespmem:s16], [sflag:$0x2] =	stream.linear.gather [spmem:s24], $0x80, $0x38;
	[tilespmem:$0x5B80] =	vst v63  }
0x1cd: {  	_ =	swait.ge [sflag:s8], $0x80  }
0x1ce: {  	[sflag:s8] =	ssyncset.done $0x0  }
0x1cf: {  	[sflag:s8] =	ssyncadd.s32 $0xFFFFFF80  }
0x1d0: {  	v48 =	vld [tilespmem:$0x5200]  }
0x1d1: {  	v49 =	vld [tilespmem:$0x5300]  }
0x1d2: {  	v50 =	vld [tilespmem:$0x5210]  }
0x1d3: {  	v51 =	vld [tilespmem:$0x5310]  }
0x1d4: {  	v52 =	vld [tilespmem:$0x5220]  }
0x1d5: {  	v53 =	vld [tilespmem:$0x5320]  }
0x1d6: {  	v54 =	vld [tilespmem:$0x5230]  }
0x1d7: {  	v55 =	vld [tilespmem:$0x5330]  }
0x1d8: {  	v56 =	vld [tilespmem:$0x5240]  }
0x1d9: {  	v57 =	vld [tilespmem:$0x5340]  }
0x1da: {  	v58 =	vld [tilespmem:$0x5250]  }
0x1db: {  	v59 =	vld [tilespmem:$0x5350]  }
0x1dc: {  	v60 =	vld [tilespmem:$0x5260]  }
0x1dd: {  	v61 =	vld [tilespmem:$0x5360];
	v0 =	vadd.f32 v49, v48  }
0x1de: {  	v62 =	vld [tilespmem:$0x5270];
	v2 =	vadd.f32 v51, v50  }
0x1df: {  	v13 =	vld [tilespmem:$0x5370];
	v63 =	vadd.f32 v53, v52;
	[tilespmem:$0x5200] =	vst v0  }
0x1e0: {  	v14 =	vadd.f32 v55, v54;
	[tilespmem:$0x5210] =	vst v2  }
0x1e1: {  	v15 =	vadd.f32 v57, v56;
	[tilespmem:$0x5220] =	vst v63  }
0x1e2: {  	v16 =	vadd.f32 v59, v58;
	[tilespmem:$0x5230] =	vst v14  }
0x1e3: {  	v17 =	vadd.f32 v61, v60;
	[tilespmem:$0x5240] =	vst v15  }
0x1e4: {  	v18 =	vadd.f32 v13, v62;
	[tilespmem:$0x5250] =	vst v16  }
0x1e5: {  	[tilespmem:$0x5260] =	vst v17  }
0x1e6: {  	s25 =	rddreg [dreg:$0xa];
	[tilespmem:$0x5270] =	vst v18  }
0x1e7: {  	[tilespmem:s16], [sflag:$0x2] =	stream.linear.gather [spmem:s25], $0x80, $0x38;
	[tilespmem:$0x5B80] =	vst v63  }
0x1e8: {  	_ =	swait.ge [sflag:s8], $0x80  }
0x1e9: {  	[sflag:s8] =	ssyncset.done $0x0  }
0x1ea: {  	[sflag:s8] =	ssyncadd.s32 $0xFFFFFF80  }
0x1eb: {  	v19 =	vld [tilespmem:$0x5200]  }
0x1ec: {  	v20 =	vld [tilespmem:$0x5300]  }
0x1ed: {  	v21 =	vld [tilespmem:$0x5210]  }
0x1ee: {  	v22 =	vld [tilespmem:$0x5310]  }
0x1ef: {  	v23 =	vld [tilespmem:$0x5220]  }
0x1f0: {  	v24 =	vld [tilespmem:$0x5320]  }
0x1f1: {  	v25 =	vld [tilespmem:$0x5230]  }
0x1f2: {  	v26 =	vld [tilespmem:$0x5330]  }
0x1f3: {  	v27 =	vld [tilespmem:$0x5240]  }
0x1f4: {  	v28 =	vld [tilespmem:$0x5340]  }
0x1f5: {  	v29 =	vld [tilespmem:$0x5250]  }
0x1f6: {  	v30 =	vld [tilespmem:$0x5350]  }
0x1f7: {  	v31 =	vld [tilespmem:$0x5260]  }
0x1f8: {  	v32 =	vld [tilespmem:$0x5360];
	v0 =	vadd.f32 v20, v19  }
0x1f9: {  	v33 =	vld [tilespmem:$0x5270];
	v2 =	vadd.f32 v22, v21  }
0x1fa: {  	v35 =	vld [tilespmem:$0x5370];
	v34 =	vadd.f32 v24, v23;
	[tilespmem:$0x5200] =	vst v0  }
0x1fb: {  	v36 =	vadd.f32 v26, v25;
	[tilespmem:$0x5210] =	vst v2  }
0x1fc: {  	v37 =	vadd.f32 v28, v27;
	[tilespmem:$0x5220] =	vst v34  }
0x1fd: {  	v38 =	vadd.f32 v30, v29;
	[tilespmem:$0x5230] =	vst v36  }
0x1fe: {  	v39 =	vadd.f32 v32, v31;
	[tilespmem:$0x5240] =	vst v37  }
0x1ff: {  	v40 =	vadd.f32 v35, v33;
	[tilespmem:$0x5250] =	vst v38  }
0x200: {  	[tilespmem:$0x5260] =	vst v39  }
0x201: {  	s26 =	rddreg [dreg:$0x9];
	[tilespmem:$0x5270] =	vst v40  }
0x202: {  	[tilespmem:s16], [sflag:$0x2] =	stream.linear.gather [spmem:s26], $0x80, $0x38;
	[tilespmem:$0x5B80] =	vst v63  }
0x203: {  	_ =	swait.ge [sflag:s8], $0x80  }
0x204: {  	[sflag:s8] =	ssyncset.done $0x0  }
0x205: {  	[sflag:s8] =	ssyncadd.s32 $0xFFFFFF80  }
0x206: {  	v41 =	vld [tilespmem:$0x5200]  }
0x207: {  	v42 =	vld [tilespmem:$0x5300]  }
0x208: {  	v43 =	vld [tilespmem:$0x5210]  }
0x209: {  	v44 =	vld [tilespmem:$0x5310]  }
0x20a: {  	v45 =	vld [tilespmem:$0x5220]  }
0x20b: {  	v46 =	vld [tilespmem:$0x5320]  }
0x20c: {  	v47 =	vld [tilespmem:$0x5230]  }
0x20d: {  	v48 =	vld [tilespmem:$0x5330]  }
0x20e: {  	v49 =	vld [tilespmem:$0x5240]  }
0x20f: {  	v50 =	vld [tilespmem:$0x5340]  }
0x210: {  	v51 =	vld [tilespmem:$0x5250]  }
0x211: {  	v52 =	vld [tilespmem:$0x5350]  }
0x212: {  	v53 =	vld [tilespmem:$0x5260]  }
0x213: {  	v54 =	vld [tilespmem:$0x5360];
	v0 =	vadd.f32 v42, v41  }
0x214: {  	v55 =	vld [tilespmem:$0x5270];
	v2 =	vadd.f32 v44, v43  }
0x215: {  	v57 =	vld [tilespmem:$0x5370];
	v56 =	vadd.f32 v46, v45;
	[tilespmem:$0x5200] =	vst v0  }
0x216: {  	v58 =	vadd.f32 v48, v47;
	[tilespmem:$0x5210] =	vst v2  }
0x217: {  	v59 =	vadd.f32 v50, v49;
	[tilespmem:$0x5220] =	vst v56  }
0x218: {  	v60 =	vadd.f32 v52, v51;
	[tilespmem:$0x5230] =	vst v58  }
0x219: {  	v61 =	vadd.f32 v54, v53;
	[tilespmem:$0x5240] =	vst v59  }
0x21a: {  	v62 =	vadd.f32 v57, v55;
	[tilespmem:$0x5250] =	vst v60  }
0x21b: {  	[tilespmem:$0x5260] =	vst v61  }
0x21c: {  	s28 =	rddreg [dreg:$0x8];
	[tilespmem:$0x5270] =	vst v62  }
0x21d: {  	[tilespmem:s16], [sflag:$0x2] =	stream.linear.gather [spmem:s28], $0x80, $0x38;
	[tilespmem:$0x5B80] =	vst v63  }
0x21e: {  	_ =	swait.ge [sflag:s8], $0x80  }
0x21f: {  	[sflag:s8] =	ssyncset.done $0x0  }
0x220: {  	[sflag:s8] =	ssyncadd.s32 $0xFFFFFF80  }
0x221: {  	v63 =	vld [tilespmem:$0x5200]  }
0x222: {  	v16 =	vld [tilespmem:$0x5300]  }
0x223: {  	v17 =	vld [tilespmem:$0x5210]  }
0x224: {  	v18 =	vld [tilespmem:$0x5310]  }
0x225: {  	v19 =	vld [tilespmem:$0x5220]  }
0x226: {  	v20 =	vld [tilespmem:$0x5320]  }
0x227: {  	v21 =	vld [tilespmem:$0x5230]  }
0x228: {  	v22 =	vld [tilespmem:$0x5330]  }
0x229: {  	v23 =	vld [tilespmem:$0x5240]  }
0x22a: {  	v24 =	vld [tilespmem:$0x5340]  }
0x22b: {  	v25 =	vld [tilespmem:$0x5250]  }
0x22c: {  	v26 =	vld [tilespmem:$0x5350]  }
0x22d: {  	v27 =	vld [tilespmem:$0x5260]  }
0x22e: {  	v28 =	vld [tilespmem:$0x5360];
	v0 =	vadd.f32 v16, v63  }
0x22f: {  	v29 =	vld [tilespmem:$0x5270];
	v2 =	vadd.f32 v18, v17  }
0x230: {  	v31 =	vld [tilespmem:$0x5370];
	v30 =	vadd.f32 v20, v19;
	[tilespmem:$0x5200] =	vst v0  }
0x231: {  	v32 =	vadd.f32 v22, v21;
	[tilespmem:$0x5210] =	vst v2  }
0x232: {  	v33 =	vadd.f32 v24, v23;
	[tilespmem:$0x5220] =	vst v30  }
0x233: {  	v34 =	vadd.f32 v26, v25;
	[tilespmem:$0x5230] =	vst v32  }
0x234: {  	v35 =	vadd.f32 v28, v27;
	[tilespmem:$0x5240] =	vst v33  }
0x235: {  	v36 =	vadd.f32 v31, v29;
	[tilespmem:$0x5250] =	vst v34  }
0x236: {  	[tilespmem:$0x5260] =	vst v35  }
0x237: {  	s29 =	rddreg [dreg:$0x7];
	[tilespmem:$0x5270] =	vst v36  }
0x238: {  	[tilespmem:s16], [sflag:$0x2] =	stream.linear.gather [spmem:s29], $0x80, $0x38;
	[tilespmem:$0x5B80] =	vst v63  }
0x239: {  	_ =	swait.ge [sflag:s8], $0x80  }
0x23a: {  	[sflag:s8] =	ssyncset.done $0x0  }
0x23b: {  	[sflag:s8] =	ssyncadd.s32 $0xFFFFFF80  }
0x23c: {  	v37 =	vld [tilespmem:$0x5200]  }
0x23d: {  	v38 =	vld [tilespmem:$0x5300]  }
0x23e: {  	v39 =	vld [tilespmem:$0x5210]  }
0x23f: {  	v40 =	vld [tilespmem:$0x5310]  }
0x240: {  	v41 =	vld [tilespmem:$0x5220]  }
0x241: {  	v42 =	vld [tilespmem:$0x5320]  }
0x242: {  	v43 =	vld [tilespmem:$0x5230]  }
0x243: {  	v44 =	vld [tilespmem:$0x5330]  }
0x244: {  	v45 =	vld [tilespmem:$0x5240]  }
0x245: {  	v46 =	vld [tilespmem:$0x5340]  }
0x246: {  	v47 =	vld [tilespmem:$0x5250]  }
0x247: {  	v48 =	vld [tilespmem:$0x5350]  }
0x248: {  	v50 =	vld [tilespmem:$0x5260]  }
0x249: {  	v51 =	vld [tilespmem:$0x5360];
	v0 =	vadd.f32 v38, v37  }
0x24a: {  	v54 =	vld [tilespmem:$0x5270];
	v2 =	vadd.f32 v40, v39  }
0x24b: {  	v55 =	vld [tilespmem:$0x5370];
	v4 =	vadd.f32 v42, v41;
	[tilespmem:$0x5200] =	vst v0  }
0x24c: {  	v49 =	vld [tilespmem:$0x5280];
	v6 =	vadd.f32 v44, v43;
	[tilespmem:$0x5210] =	vst v2  }
0x24d: {  	v52 =	vld [tilespmem:$0x5290];
	v8 =	vadd.f32 v46, v45;
	[tilespmem:$0x5220] =	vst v4  }
0x24e: {  	v53 =	vld [tilespmem:$0x52A0];
	v10 =	vadd.f32 v48, v47;
	[tilespmem:$0x5230] =	vst v6  }
0x24f: {  	v57 =	vld [tilespmem:$0x52C0];
	v1 =	vadd.f32 v51, v50;
	[tilespmem:$0x5240] =	vst v8  }
0x250: {  	v58 =	vld [tilespmem:$0x52D0];
	v60 =	vadd.f32 v55, v54;
	[tilespmem:$0x5250] =	vst v10  }
0x251: {  	v59 =	vld [tilespmem:$0x52E0];
	v0 =	vadd.f32 v49, v0;
	[tilespmem:$0x5260] =	vst v1  }
0x252: {  	v61 =	vld [tilespmem:$0x52F0];
	v2 =	vadd.f32 v52, v2;
	[tilespmem:$0x5270] =	vst v60  }
0x253: {  	v56 =	vld [tilespmem:$0x52B0];
	v4 =	vadd.f32 v53, v4;
	[tilespmem:$0x5200] =	vst v0  }
0x254: {  	v5 =	vadd.f32 v57, v8;
	[tilespmem:$0x5210] =	vst v2  }
0x255: {  	v62 =	vadd.f32 v58, v10;
	[tilespmem:$0x5220] =	vst v4  }
0x256: {  	v1 =	vadd.f32 v59, v1;
	[tilespmem:$0x5240] =	vst v5  }
0x257: {  	v63 =	vadd.f32 v61, v60;
	[tilespmem:$0x5250] =	vst v62  }
0x258: {  	v0 =	vadd.f32 v56, v6;
	[tilespmem:$0x5260] =	vst v1  }
0x259: {  	[tilespmem:$0x5270] =	vst v63  }
0x25a: {  	s30 =	simm.s32 $0x0;
	s1 =	rddreg [dreg:$0x6];
	[tilespmem:$0x5230] =	vst v0  }
0x25b: {  	[hbm4b:s1+s30] =	stream.linear.scatter [tilespmem:s15], [sflag:$0x2], $0x80, $0x38;
	[tilespmem:$0x5B80] =	vst v63  }
0x25c: {  	_ =	swait.ge [sflag:s8], $0x80  }
0x25d: {  	[sflag:s8] =	ssyncset.done $0x0  }
0x25e: {  	[sflag:s8] =	ssyncadd.s32 $0xFFFFFF80  }
0x25f: {  	_ =	sfence.sel $0x180000  }
0x260: {  	[bflag:$0x0] =	sbarrier.arrive $0xFFFF  }
0x261: {  	_ =	strace $0x90000047  }
0x262: {  	s31 =	stileid.u32;
	[bflag:$0x2] =	sbarrier.arrive $0xFFFF  }
0x263: {  	p0 =	sne.s32 s31, $0x0;
	s0 =	rddreg [dreg:$0x5]  }
0x264: {  	s0 =	sadd.s32 @!p0 $0x100000, s0  }
0x265: {  	[sflag:s0] =	ssyncadd.tile.s32 @!p0 $0x1;
	_ =	shalt  }
.Lfunc_end2:
_tile_overlayer_lowered:
.L_overlay_start_2:
0x266: {  	(tag) =	ssettag $0x2  }
0x267: {  	s0 =	rddreg [dreg:$0x0];
	s2 =	stileid.u32  }
0x268: {  	s1 =	rddreg [dreg:$0x1];
	p0 =	sne.s32 s2, $0x0  }
0x269: {  	s3 =	rddreg [dreg:$0x2];
	[bflag:$0x3] =	sbarrier.arrive $0xFFFF;
	s2 =	simm.s32 @!p0 $0x1C02  }
0x26a: {  	[timem:s3], [sflag:s2] =	dma.local @!p0 [hbm:s0], s1  }
0x26b: {  	s0 =	simm.s32 @!p0 $0x2  }
0x26c: {  	_ =	swait.ge @!p0 [sflag:s0], s1  }
0x26d: {  	s1 =	ssub.s32 @!p0 $0x0, s1;
	[sflag:s0] =	ssyncset.done @!p0 $0x0  }
0x26e: {  	[sflag:s0] =	ssyncadd.s32 @!p0 s1  }
0x26f: {  	[bflag:$0x3] =	sbarrier.arrive $0xFFFF  }
0x270: {  	_ =	shalt  }

</sc_bundles>
